<compile_context>
chip_gen: v7x
topology: tpu7x:2x2x1
jax: 0.10.2.dev20260603
libtpu: 0.0.44.dev20260713+nightly
codegen_flags: <defaults>
</compile_context>

<pallas_src>
import functools

import jax
import jax.numpy as jnp
from jax import lax
from jax.experimental import pallas as pl
from jax.experimental.pallas import tpu as pltpu
from jax.experimental.pallas import tpu_sc as plsc

N_FIELDS = 26
PER_FIELD = 100000
TOTAL_ROWS = N_FIELDS * PER_FIELD
DIM = 32
BATCH = 16384
NTOT = BATCH * N_FIELDS

NW = 32
CHUNK = 128
PER_W = NTOT // NW
N_CHUNKS = PER_W // CHUNK
NBUF = 8
N_ROUNDS = N_CHUNKS // NBUF

_TCOLS = 16384
_TGRID = -(-TOTAL_ROWS // _TCOLS)


def _tr_body(t_ref, o_ref):
    z = t_ref[...].T.reshape(_TCOLS // 4, 4, DIM)
    o_ref[...] = jnp.concatenate([z[:, a, :] for a in range(4)], axis=1)


def _transpose_table(tt):
    return pl.pallas_call(
        _tr_body,
        grid=(_TGRID,),
        in_specs=[pl.BlockSpec((DIM, _TCOLS), lambda i: (0, i))],
        out_specs=pl.BlockSpec((_TCOLS // 4, 128), lambda i: (i, 0)),
        out_shape=jax.ShapeDtypeStruct((TOTAL_ROWS // 4, 128), jnp.float32),
    )(tt)


def _make_gather():
    mesh = plsc.VectorSubcoreMesh(core_axis_name="c", subcore_axis_name="s")

    @functools.partial(
        pl.kernel,
        mesh=mesh,
        out_type=jax.ShapeDtypeStruct((NTOT, DIM), jnp.float32),
        compiler_params=pltpu.CompilerParams(use_tc_tiling_on_sc=False),
        scratch_types=[
            pltpu.VMEM((PER_W,), jnp.int32),
            pltpu.VMEM((N_CHUNKS, CHUNK), jnp.int32),
            pltpu.VMEM((NBUF, CHUNK, DIM), jnp.float32),
            pltpu.SemaphoreType.DMA((NBUF,)),
            pltpu.SemaphoreType.DMA((NBUF,)),
        ],
    )
    def gather_k(x_hbm, table_hbm, out_hbm, xv, idx2, rows, gsem, ssem):
        wid = lax.axis_index("s") * 2 + lax.axis_index("c")
        base = wid * PER_W
        lane = lax.iota(jnp.int32, 16)

        pltpu.sync_copy(x_hbm.at[pl.ds(base, PER_W)], xv)

        def idx_body(c, off):
            row = idx2.at[c]
            for j in range(CHUNK // 16):
                p = c * CHUNK + j * 16
                row[pl.ds(j * 16, 16)] = xv[pl.ds(p, 16)] + off
                t = off + 16 * PER_FIELD
                off = jnp.where(t >= TOTAL_ROWS, t - TOTAL_ROWS, t)
            return off

        lax.fori_loop(0, N_CHUNKS, idx_body, lane * PER_FIELD, unroll=False)

        def fire_gather(c, b):
            pltpu.make_async_copy(
                table_hbm.at[idx2.at[c]], rows.at[b], gsem.at[b]
            ).start()

        def wait_gather(c, b):
            pltpu.make_async_copy(
                table_hbm.at[idx2.at[c]], rows.at[b], gsem.at[b]
            ).wait()

        def store(c, b):
            dst = out_hbm.at[pl.ds(base + c * CHUNK, CHUNK)]
            return pltpu.make_async_copy(rows.at[b], dst, ssem.at[b])

        for b in range(NBUF):
            fire_gather(b, b)

        def round_body(r, _, fire_next):
            for b in range(NBUF):
                c = r * NBUF + b
                wait_gather(c, b)
                store(c, b).start()
                if fire_next:
                    store(c, b).wait()
                    fire_gather(c + NBUF, b)
            return ()

        lax.fori_loop(
            0, N_ROUNDS - 1,
            functools.partial(round_body, fire_next=True), (), unroll=False,
        )
        round_body(N_ROUNDS - 1, (), fire_next=False)
        for b in range(NBUF):
            store((N_ROUNDS - 1) * NBUF + b, b).wait()

    return gather_k


_gather = _make_gather()

_NBLK = 2048


def _norm_body(x_ref, o_ref):
    x = x_ref[...]
    s = jnp.sum(x * x, axis=1, keepdims=True)
    scale = jnp.sqrt(jnp.float32(DIM)) / jnp.maximum(jnp.sqrt(s), 1e-20)
    o_ref[...] = x * scale


def _normalize(rows):
    return pl.pallas_call(
        _norm_body,
        grid=(NTOT // _NBLK,),
        in_specs=[pl.BlockSpec((_NBLK, DIM), lambda i: (i, 0))],
        out_specs=pl.BlockSpec((_NBLK, DIM), lambda i: (i, 0)),
        out_shape=jax.ShapeDtypeStruct((NTOT, DIM), jnp.float32),
    )(rows)


def kernel(x, cat_emb_weight):
    table4 = _transpose_table(cat_emb_weight.T)
    table_lin = table4.reshape(TOTAL_ROWS, DIM)
    rows = _gather(x.reshape(NTOT), table_lin)
    out = _normalize(rows)
    return out.reshape(BATCH, N_FIELDS, DIM)

# --- scband reference (transcript-rebuilt; emitter-appended) ---
"""Pipeline reference for scband-cat-embedding-2637109920350 (READ-ONLY COPY).

The authoritative reference and input builder live on the scoring server;
editing this copy changes nothing except your own understanding.
"""

import jax, jax.numpy as jnp
import numpy as np

N_FIELDS = 26
PER_FIELD = 100000
TOTAL_ROWS = N_FIELDS * PER_FIELD
DIM = 32
BATCH = 16384

def _offsets():
    cats = jnp.full((N_FIELDS,), PER_FIELD, dtype=jnp.int32)
    off = jnp.cumsum(cats)[:-1]
    return jnp.concatenate([jnp.zeros((1,), dtype=jnp.int32), off])

def setup_inputs(seed: int = 0) -> dict:
    key = jax.random.key(seed)
    k1, k2 = jax.random.split(key)
    x = jax.random.randint(k1, (BATCH, N_FIELDS), 0, PER_FIELD, dtype=jnp.int32)
    cat_emb_weight = jax.random.normal(k2, (TOTAL_ROWS, DIM), dtype=jnp.float32) * 0.001
    return {"x": x, "cat_emb_weight": cat_emb_weight}

def reference(x, cat_emb_weight):
    offsets = _offsets()
    idx = x + offsets[None, :]
    emb = jnp.take(cat_emb_weight, idx, axis=0)  # [B, F, D]
    norm = jnp.linalg.norm(emb, axis=2, keepdims=True)
    emb = emb / jnp.maximum(norm, 1e-20)
    emb = emb * jnp.sqrt(jnp.asarray(float(DIM), dtype=jnp.float32))
    return emb

if __name__ == "__main__":
    import jax
    _d = setup_inputs()
    print(jax.jit(kernel)(*tuple(_d.values())))

</pallas_src>

<mosaic_0001>
#map = affine_map<(d0, d1) -> (0)>
#map1 = affine_map<(d0, d1) -> (0, 0)>
module attributes {stable_mosaic.version = 14 : i64} {
  func.func @gather_k(%arg0: i32, %arg1: i32, %arg2: memref<425984xi32, #tpu.memory_space<hbm>>, %arg3: memref<2600000x32xf32, #tpu.memory_space<hbm>>, %arg4: memref<425984x32xf32, #tpu.memory_space<hbm>>, %arg5: memref<13312xi32, #tpu.memory_space<vmem>>, %arg6: memref<104x128xi32, #tpu.memory_space<vmem>>, %arg7: memref<8x128x32xf32, #tpu.memory_space<vmem>>, %arg8: memref<8x!tpu.dma_semaphore, #tpu.memory_space<semaphore_mem>>, %arg9: memref<8x!tpu.dma_semaphore, #tpu.memory_space<semaphore_mem>>) attributes {dimension_semantics = [#tpu.dimension_semantics<core_parallel>, #tpu.dimension_semantics<subcore_parallel>], iteration_bounds = array<i64: 2, 16>, scalar_prefetch = 0 : i64, scratch_operands = 5 : i64, tpu.core_type = #tpu.core_type<sc_vector_subcore>, window_params = [{transform_indices = #map}, {transform_indices = #map1}, {transform_indices = #map1}]} {
    %mul3A = arith.constant 2 : i32
    %mul3A_0 = arith.muli %arg1, %mul3A : i32
    %add3A = arith.addi %mul3A_0, %arg0 : i32
    %mul3A_1 = arith.constant 13312 : i32
    %mul3A_2 = arith.muli %add3A, %mul3A_1 : i32
    %iota3A = tpu.iota {dimensions = array<i32: 0>} : vector<16xi32>
    "tpu.region"() ({
      %run_scoped3A = tpu.sem_alloc : memref<!tpu.dma_semaphore, #tpu.memory_space<semaphore_mem>>
      %dma_start3A_542 = tpu.memref_slice %arg2[%mul3A_2] : memref<425984xi32, #tpu.memory_space<hbm>> -> memref<13312xi32, #tpu.memory_space<hbm>>
      %dma_start3A_543 = tpu.memref_slice %arg2[%mul3A_2] : memref<425984xi32, #tpu.memory_space<hbm>> -> memref<13312xi32, #tpu.memory_space<hbm>>
      tpu.enqueue_dma source(%dma_start3A_543 : memref<13312xi32, #tpu.memory_space<hbm>>) target(%arg5 : memref<13312xi32, #tpu.memory_space<vmem>>) target_semaphore(%run_scoped3A : memref<!tpu.dma_semaphore, #tpu.memory_space<semaphore_mem>>)
      %dma_wait3A_544 = tpu.memref_slice %arg2[%mul3A_2] : memref<425984xi32, #tpu.memory_space<hbm>> -> memref<13312xi32, #tpu.memory_space<hbm>>
      %dma_wait3A_545 = tpu.memref_slice %arg2[%mul3A_2] : memref<425984xi32, #tpu.memory_space<hbm>> -> memref<13312xi32, #tpu.memory_space<hbm>>
      tpu.wait_dma2 semaphore(%run_scoped3A : memref<!tpu.dma_semaphore, #tpu.memory_space<semaphore_mem>>) src(%dma_wait3A_545 : memref<13312xi32, #tpu.memory_space<hbm>>) dst(%arg5 : memref<13312xi32, #tpu.memory_space<vmem>>)
      tpu.yield
    }) : () -> ()
    %mul3A_3 = arith.constant 100000 : i32
    %mul3A_4 = vector.broadcast %mul3A_3 : i32 to vector<16xi32>
    %mul3A_5 = arith.muli %iota3A, %mul3A_4 : vector<16xi32>
    %scan3A = arith.constant 0 : i32
    %scan3A_6 = arith.constant 104 : i32
    %scan3A_7 = arith.addi %scan3A, %scan3A_6 : i32
    %scan3A_8 = arith.constant 1 : i32
    %scan3A_9 = scf.for %scan3A_542 = %scan3A to %scan3A_7 step %scan3A_8 iter_args(%scan3A_543 = %mul3A_5) -> (vector<16xi32>)  : i32 {
      %mul3A_544 = arith.constant 128 : i32
      %mul3A_545 = arith.muli %scan3A_542, %mul3A_544 : i32
      %add3A_546 = arith.constant 0 : i32
      %add3A_547 = arith.addi %mul3A_545, %add3A_546 : i32
      %get3A = arith.index_cast %add3A_547 : i32 to index
      %get3A_548 = tpu.vector_load %arg5[%get3A] {strides = array<i32>} : memref<13312xi32, #tpu.memory_space<vmem>>, vector<16xi32>,
      %get3A_549 = vector.shape_cast %get3A_548 : vector<16xi32> to vector<16xi32>
      %add3A_550 = arith.addi %get3A_549, %scan3A_543 : vector<16xi32>
      %swap3A = arith.constant 0 : i32
      %swap3A_551 = tpu.memref_slice %arg6[%scan3A_542, %swap3A] : memref<104x128xi32, #tpu.memory_space<vmem>> -> memref<1x128xi32, #tpu.memory_space<vmem>>
      %swap3A_552 = tpu.memref_squeeze %swap3A_551 : memref<1x128xi32, #tpu.memory_space<vmem>> -> memref<128xi32, #tpu.memory_space<vmem>>
      %swap3A_553 = arith.constant 0 : index
      %swap3A_554 = tpu.vector_load %swap3A_552[%swap3A_553] {strides = array<i32>} : memref<128xi32, #tpu.memory_space<vmem>>, vector<16xi32>,
      %swap3A_555 = vector.shape_cast %swap3A_554 : vector<16xi32> to vector<16xi32>
      %swap3A_556 = vector.shape_cast %add3A_550 : vector<16xi32> to vector<16xi32>
      tpu.vector_store %swap3A_552[%swap3A_553], %swap3A_556 {strides = array<i32>} : memref<128xi32, #tpu.memory_space<vmem>>, vector<16xi32>,
      %add3A_557 = arith.constant 1600000 : i32
      %add3A_558 = vector.broadcast %add3A_557 : i32 to vector<16xi32>
      %add3A_559 = arith.addi %scan3A_543, %add3A_558 : vector<16xi32>
      %ge3A = arith.constant 2600000 : i32
      %ge3A_560 = vector.broadcast %ge3A : i32 to vector<16xi32>
      %ge3A_561 = arith.cmpi sge, %add3A_559, %ge3A_560 : vector<16xi32>
      %sub3A = arith.constant 2600000 : i32
      %sub3A_562 = vector.broadcast %sub3A : i32 to vector<16xi32>
      %sub3A_563 = arith.subi %add3A_559, %sub3A_562 : vector<16xi32>
      %select_n3A = arith.select %ge3A_561, %sub3A_563, %add3A_559 : vector<16xi1>, vector<16xi32>
      %mul3A_564 = arith.constant 128 : i32
      %mul3A_565 = arith.muli %scan3A_542, %mul3A_564 : i32
      %add3A_566 = arith.constant 16 : i32
      %add3A_567 = arith.addi %mul3A_565, %add3A_566 : i32
      %get3A_568 = arith.index_cast %add3A_567 : i32 to index
      %get3A_569 = tpu.vector_load %arg5[%get3A_568] {strides = array<i32>} : memref<13312xi32, #tpu.memory_space<vmem>>, vector<16xi32>,
      %get3A_570 = vector.shape_cast %get3A_569 : vector<16xi32> to vector<16xi32>
      %add3A_571 = arith.addi %get3A_570, %select_n3A : vector<16xi32>
      %swap3A_572 = arith.constant 0 : i32
      %swap3A_573 = tpu.memref_slice %arg6[%scan3A_542, %swap3A_572] : memref<104x128xi32, #tpu.memory_space<vmem>> -> memref<1x128xi32, #tpu.memory_space<vmem>>
      %swap3A_574 = tpu.memref_squeeze %swap3A_573 : memref<1x128xi32, #tpu.memory_space<vmem>> -> memref<128xi32, #tpu.memory_space<vmem>>
      %swap3A_575 = arith.constant 16 : index
      %swap3A_576 = tpu.vector_load %swap3A_574[%swap3A_575] {strides = array<i32>} : memref<128xi32, #tpu.memory_space<vmem>>, vector<16xi32>,
      %swap3A_577 = vector.shape_cast %swap3A_576 : vector<16xi32> to vector<16xi32>
      %swap3A_578 = vector.shape_cast %add3A_571 : vector<16xi32> to vector<16xi32>
      tpu.vector_store %swap3A_574[%swap3A_575], %swap3A_578 {strides = array<i32>} : memref<128xi32, #tpu.memory_space<vmem>>, vector<16xi32>,
      %add3A_579 = arith.constant 1600000 : i32
      %add3A_580 = vector.broadcast %add3A_579 : i32 to vector<16xi32>
      %add3A_581 = arith.addi %select_n3A, %add3A_580 : vector<16xi32>
      %ge3A_582 = arith.constant 2600000 : i32
      %ge3A_583 = vector.broadcast %ge3A_582 : i32 to vector<16xi32>
      %ge3A_584 = arith.cmpi sge, %add3A_581, %ge3A_583 : vector<16xi32>
      %sub3A_585 = arith.constant 2600000 : i32
      %sub3A_586 = vector.broadcast %sub3A_585 : i32 to vector<16xi32>
      %sub3A_587 = arith.subi %add3A_581, %sub3A_586 : vector<16xi32>
      %select_n3A_588 = arith.select %ge3A_584, %sub3A_587, %add3A_581 : vector<16xi1>, vector<16xi32>
      %mul3A_589 = arith.constant 128 : i32
      %mul3A_590 = arith.muli %scan3A_542, %mul3A_589 : i32
      %add3A_591 = arith.constant 32 : i32
      %add3A_592 = arith.addi %mul3A_590, %add3A_591 : i32
      %get3A_593 = arith.index_cast %add3A_592 : i32 to index
      %get3A_594 = tpu.vector_load %arg5[%get3A_593] {strides = array<i32>} : memref<13312xi32, #tpu.memory_space<vmem>>, vector<16xi32>,
      %get3A_595 = vector.shape_cast %get3A_594 : vector<16xi32> to vector<16xi32>
      %add3A_596 = arith.addi %get3A_595, %select_n3A_588 : vector<16xi32>
      %swap3A_597 = arith.constant 0 : i32
      %swap3A_598 = tpu.memref_slice %arg6[%scan3A_542, %swap3A_597] : memref<104x128xi32, #tpu.memory_space<vmem>> -> memref<1x128xi32, #tpu.memory_space<vmem>>
      %swap3A_599 = tpu.memref_squeeze %swap3A_598 : memref<1x128xi32, #tpu.memory_space<vmem>> -> memref<128xi32, #tpu.memory_space<vmem>>
      %swap3A_600 = arith.constant 32 : index
      %swap3A_601 = tpu.vector_load %swap3A_599[%swap3A_600] {strides = array<i32>} : memref<128xi32, #tpu.memory_space<vmem>>, vector<16xi32>,
      %swap3A_602 = vector.shape_cast %swap3A_601 : vector<16xi32> to vector<16xi32>
      %swap3A_603 = vector.shape_cast %add3A_596 : vector<16xi32> to vector<16xi32>
      tpu.vector_store %swap3A_599[%swap3A_600], %swap3A_603 {strides = array<i32>} : memref<128xi32, #tpu.memory_space<vmem>>, vector<16xi32>,
      %add3A_604 = arith.constant 1600000 : i32
      %add3A_605 = vector.broadcast %add3A_604 : i32 to vector<16xi32>
      %add3A_606 = arith.addi %select_n3A_588, %add3A_605 : vector<16xi32>
      %ge3A_607 = arith.constant 2600000 : i32
      %ge3A_608 = vector.broadcast %ge3A_607 : i32 to vector<16xi32>
      %ge3A_609 = arith.cmpi sge, %add3A_606, %ge3A_608 : vector<16xi32>
      %sub3A_610 = arith.constant 2600000 : i32
      %sub3A_611 = vector.broadcast %sub3A_610 : i32 to vector<16xi32>
      %sub3A_612 = arith.subi %add3A_606, %sub3A_611 : vector<16xi32>
      %select_n3A_613 = arith.select %ge3A_609, %sub3A_612, %add3A_606 : vector<16xi1>, vector<16xi32>
      %mul3A_614 = arith.constant 128 : i32
      %mul3A_615 = arith.muli %scan3A_542, %mul3A_614 : i32
      %add3A_616 = arith.constant 48 : i32
      %add3A_617 = arith.addi %mul3A_615, %add3A_616 : i32
      %get3A_618 = arith.index_cast %add3A_617 : i32 to index
      %get3A_619 = tpu.vector_load %arg5[%get3A_618] {strides = array<i32>} : memref<13312xi32, #tpu.memory_space<vmem>>, vector<16xi32>,
      %get3A_620 = vector.shape_cast %get3A_619 : vector<16xi32> to vector<16xi32>
      %add3A_621 = arith.addi %get3A_620, %select_n3A_613 : vector<16xi32>
      %swap3A_622 = arith.constant 0 : i32
      %swap3A_623 = tpu.memref_slice %arg6[%scan3A_542, %swap3A_622] : memref<104x128xi32, #tpu.memory_space<vmem>> -> memref<1x128xi32, #tpu.memory_space<vmem>>
      %swap3A_624 = tpu.memref_squeeze %swap3A_623 : memref<1x128xi32, #tpu.memory_space<vmem>> -> memref<128xi32, #tpu.memory_space<vmem>>
      %swap3A_625 = arith.constant 48 : index
      %swap3A_626 = tpu.vector_load %swap3A_624[%swap3A_625] {strides = array<i32>} : memref<128xi32, #tpu.memory_space<vmem>>, vector<16xi32>,
      %swap3A_627 = vector.shape_cast %swap3A_626 : vector<16xi32> to vector<16xi32>
      %swap3A_628 = vector.shape_cast %add3A_621 : vector<16xi32> to vector<16xi32>
      tpu.vector_store %swap3A_624[%swap3A_625], %swap3A_628 {strides = array<i32>} : memref<128xi32, #tpu.memory_space<vmem>>, vector<16xi32>,
      %add3A_629 = arith.constant 1600000 : i32
      %add3A_630 = vector.broadcast %add3A_629 : i32 to vector<16xi32>
      %add3A_631 = arith.addi %select_n3A_613, %add3A_630 : vector<16xi32>
      %ge3A_632 = arith.constant 2600000 : i32
      %ge3A_633 = vector.broadcast %ge3A_632 : i32 to vector<16xi32>
      %ge3A_634 = arith.cmpi sge, %add3A_631, %ge3A_633 : vector<16xi32>
      %sub3A_635 = arith.constant 2600000 : i32
      %sub3A_636 = vector.broadcast %sub3A_635 : i32 to vector<16xi32>
      %sub3A_637 = arith.subi %add3A_631, %sub3A_636 : vector<16xi32>
      %select_n3A_638 = arith.select %ge3A_634, %sub3A_637, %add3A_631 : vector<16xi1>, vector<16xi32>
      %mul3A_639 = arith.constant 128 : i32
      %mul3A_640 = arith.muli %scan3A_542, %mul3A_639 : i32
      %add3A_641 = arith.constant 64 : i32
      %add3A_642 = arith.addi %mul3A_640, %add3A_641 : i32
      %get3A_643 = arith.index_cast %add3A_642 : i32 to index
      %get3A_644 = tpu.vector_load %arg5[%get3A_643] {strides = array<i32>} : memref<13312xi32, #tpu.memory_space<vmem>>, vector<16xi32>,
      %get3A_645 = vector.shape_cast %get3A_644 : vector<16xi32> to vector<16xi32>
      %add3A_646 = arith.addi %get3A_645, %select_n3A_638 : vector<16xi32>
      %swap3A_647 = arith.constant 0 : i32
      %swap3A_648 = tpu.memref_slice %arg6[%scan3A_542, %swap3A_647] : memref<104x128xi32, #tpu.memory_space<vmem>> -> memref<1x128xi32, #tpu.memory_space<vmem>>
      %swap3A_649 = tpu.memref_squeeze %swap3A_648 : memref<1x128xi32, #tpu.memory_space<vmem>> -> memref<128xi32, #tpu.memory_space<vmem>>
      %swap3A_650 = arith.constant 64 : index
      %swap3A_651 = tpu.vector_load %swap3A_649[%swap3A_650] {strides = array<i32>} : memref<128xi32, #tpu.memory_space<vmem>>, vector<16xi32>,
      %swap3A_652 = vector.shape_cast %swap3A_651 : vector<16xi32> to vector<16xi32>
      %swap3A_653 = vector.shape_cast %add3A_646 : vector<16xi32> to vector<16xi32>
      tpu.vector_store %swap3A_649[%swap3A_650], %swap3A_653 {strides = array<i32>} : memref<128xi32, #tpu.memory_space<vmem>>, vector<16xi32>,
      %add3A_654 = arith.constant 1600000 : i32
      %add3A_655 = vector.broadcast %add3A_654 : i32 to vector<16xi32>
      %add3A_656 = arith.addi %select_n3A_638, %add3A_655 : vector<16xi32>
      %ge3A_657 = arith.constant 2600000 : i32
      %ge3A_658 = vector.broadcast %ge3A_657 : i32 to vector<16xi32>
      %ge3A_659 = arith.cmpi sge, %add3A_656, %ge3A_658 : vector<16xi32>
      %sub3A_660 = arith.constant 2600000 : i32
      %sub3A_661 = vector.broadcast %sub3A_660 : i32 to vector<16xi32>
      %sub3A_662 = arith.subi %add3A_656, %sub3A_661 : vector<16xi32>
      %select_n3A_663 = arith.select %ge3A_659, %sub3A_662, %add3A_656 : vector<16xi1>, vector<16xi32>
      %mul3A_664 = arith.constant 128 : i32
      %mul3A_665 = arith.muli %scan3A_542, %mul3A_664 : i32
      %add3A_666 = arith.constant 80 : i32
      %add3A_667 = arith.addi %mul3A_665, %add3A_666 : i32
      %get3A_668 = arith.index_cast %add3A_667 : i32 to index
      %get3A_669 = tpu.vector_load %arg5[%get3A_668] {strides = array<i32>} : memref<13312xi32, #tpu.memory_space<vmem>>, vector<16xi32>,
      %get3A_670 = vector.shape_cast %get3A_669 : vector<16xi32> to vector<16xi32>
      %add3A_671 = arith.addi %get3A_670, %select_n3A_663 : vector<16xi32>
      %swap3A_672 = arith.constant 0 : i32
      %swap3A_673 = tpu.memref_slice %arg6[%scan3A_542, %swap3A_672] : memref<104x128xi32, #tpu.memory_space<vmem>> -> memref<1x128xi32, #tpu.memory_space<vmem>>
      %swap3A_674 = tpu.memref_squeeze %swap3A_673 : memref<1x128xi32, #tpu.memory_space<vmem>> -> memref<128xi32, #tpu.memory_space<vmem>>
      %swap3A_675 = arith.constant 80 : index
      %swap3A_676 = tpu.vector_load %swap3A_674[%swap3A_675] {strides = array<i32>} : memref<128xi32, #tpu.memory_space<vmem>>, vector<16xi32>,
      %swap3A_677 = vector.shape_cast %swap3A_676 : vector<16xi32> to vector<16xi32>
      %swap3A_678 = vector.shape_cast %add3A_671 : vector<16xi32> to vector<16xi32>
      tpu.vector_store %swap3A_674[%swap3A_675], %swap3A_678 {strides = array<i32>} : memref<128xi32, #tpu.memory_space<vmem>>, vector<16xi32>,
      %add3A_679 = arith.constant 1600000 : i32
      %add3A_680 = vector.broadcast %add3A_679 : i32 to vector<16xi32>
      %add3A_681 = arith.addi %select_n3A_663, %add3A_680 : vector<16xi32>
      %ge3A_682 = arith.constant 2600000 : i32
      %ge3A_683 = vector.broadcast %ge3A_682 : i32 to vector<16xi32>
      %ge3A_684 = arith.cmpi sge, %add3A_681, %ge3A_683 : vector<16xi32>
      %sub3A_685 = arith.constant 2600000 : i32
      %sub3A_686 = vector.broadcast %sub3A_685 : i32 to vector<16xi32>
      %sub3A_687 = arith.subi %add3A_681, %sub3A_686 : vector<16xi32>
      %select_n3A_688 = arith.select %ge3A_684, %sub3A_687, %add3A_681 : vector<16xi1>, vector<16xi32>
      %mul3A_689 = arith.constant 128 : i32
      %mul3A_690 = arith.muli %scan3A_542, %mul3A_689 : i32
      %add3A_691 = arith.constant 96 : i32
      %add3A_692 = arith.addi %mul3A_690, %add3A_691 : i32
      %get3A_693 = arith.index_cast %add3A_692 : i32 to index
      %get3A_694 = tpu.vector_load %arg5[%get3A_693] {strides = array<i32>} : memref<13312xi32, #tpu.memory_space<vmem>>, vector<16xi32>,
      %get3A_695 = vector.shape_cast %get3A_694 : vector<16xi32> to vector<16xi32>
      %add3A_696 = arith.addi %get3A_695, %select_n3A_688 : vector<16xi32>
      %swap3A_697 = arith.constant 0 : i32
      %swap3A_698 = tpu.memref_slice %arg6[%scan3A_542, %swap3A_697] : memref<104x128xi32, #tpu.memory_space<vmem>> -> memref<1x128xi32, #tpu.memory_space<vmem>>
      %swap3A_699 = tpu.memref_squeeze %swap3A_698 : memref<1x128xi32, #tpu.memory_space<vmem>> -> memref<128xi32, #tpu.memory_space<vmem>>
      %swap3A_700 = arith.constant 96 : index
      %swap3A_701 = tpu.vector_load %swap3A_699[%swap3A_700] {strides = array<i32>} : memref<128xi32, #tpu.memory_space<vmem>>, vector<16xi32>,
      %swap3A_702 = vector.shape_cast %swap3A_701 : vector<16xi32> to vector<16xi32>
      %swap3A_703 = vector.shape_cast %add3A_696 : vector<16xi32> to vector<16xi32>
      tpu.vector_store %swap3A_699[%swap3A_700], %swap3A_703 {strides = array<i32>} : memref<128xi32, #tpu.memory_space<vmem>>, vector<16xi32>,
      %add3A_704 = arith.constant 1600000 : i32
      %add3A_705 = vector.broadcast %add3A_704 : i32 to vector<16xi32>
      %add3A_706 = arith.addi %select_n3A_688, %add3A_705 : vector<16xi32>
      %ge3A_707 = arith.constant 2600000 : i32
      %ge3A_708 = vector.broadcast %ge3A_707 : i32 to vector<16xi32>
      %ge3A_709 = arith.cmpi sge, %add3A_706, %ge3A_708 : vector<16xi32>
      %sub3A_710 = arith.constant 2600000 : i32
      %sub3A_711 = vector.broadcast %sub3A_710 : i32 to vector<16xi32>
      %sub3A_712 = arith.subi %add3A_706, %sub3A_711 : vector<16xi32>
      %select_n3A_713 = arith.select %ge3A_709, %sub3A_712, %add3A_706 : vector<16xi1>, vector<16xi32>
      %mul3A_714 = arith.constant 128 : i32
      %mul3A_715 = arith.muli %scan3A_542, %mul3A_714 : i32
      %add3A_716 = arith.constant 112 : i32
      %add3A_717 = arith.addi %mul3A_715, %add3A_716 : i32
      %get3A_718 = arith.index_cast %add3A_717 : i32 to index
      %get3A_719 = tpu.vector_load %arg5[%get3A_718] {strides = array<i32>} : memref<13312xi32, #tpu.memory_space<vmem>>, vector<16xi32>,
      %get3A_720 = vector.shape_cast %get3A_719 : vector<16xi32> to vector<16xi32>
      %add3A_721 = arith.addi %get3A_720, %select_n3A_713 : vector<16xi32>
      %swap3A_722 = arith.constant 0 : i32
      %swap3A_723 = tpu.memref_slice %arg6[%scan3A_542, %swap3A_722] : memref<104x128xi32, #tpu.memory_space<vmem>> -> memref<1x128xi32, #tpu.memory_space<vmem>>
      %swap3A_724 = tpu.memref_squeeze %swap3A_723 : memref<1x128xi32, #tpu.memory_space<vmem>> -> memref<128xi32, #tpu.memory_space<vmem>>
      %swap3A_725 = arith.constant 112 : index
      %swap3A_726 = tpu.vector_load %swap3A_724[%swap3A_725] {strides = array<i32>} : memref<128xi32, #tpu.memory_space<vmem>>, vector<16xi32>,
      %swap3A_727 = vector.shape_cast %swap3A_726 : vector<16xi32> to vector<16xi32>
      %swap3A_728 = vector.shape_cast %add3A_721 : vector<16xi32> to vector<16xi32>
      tpu.vector_store %swap3A_724[%swap3A_725], %swap3A_728 {strides = array<i32>} : memref<128xi32, #tpu.memory_space<vmem>>, vector<16xi32>,
      %add3A_729 = arith.constant 1600000 : i32
      %add3A_730 = vector.broadcast %add3A_729 : i32 to vector<16xi32>
      %add3A_731 = arith.addi %select_n3A_713, %add3A_730 : vector<16xi32>
      %ge3A_732 = arith.constant 2600000 : i32
      %ge3A_733 = vector.broadcast %ge3A_732 : i32 to vector<16xi32>
      %ge3A_734 = arith.cmpi sge, %add3A_731, %ge3A_733 : vector<16xi32>
      %sub3A_735 = arith.constant 2600000 : i32
      %sub3A_736 = vector.broadcast %sub3A_735 : i32 to vector<16xi32>
      %sub3A_737 = arith.subi %add3A_731, %sub3A_736 : vector<16xi32>
      %select_n3A_738 = arith.select %ge3A_734, %sub3A_737, %add3A_731 : vector<16xi1>, vector<16xi32>
      scf.yield %select_n3A_738 : vector<16xi32>
    }
    %scan3A_10 = arith.constant 104 : i32
    %dma_start3A = arith.constant 0 : i32
    %dma_start3A_11 = arith.constant 0 : i32
    %dma_start3A_12 = arith.constant 0 : i32
    %dma_start3A_13 = arith.constant 0 : i32
    %dma_start3A_14 = arith.constant 0 : i32
    %dma_start3A_15 = tpu.memref_slice %arg7[%dma_start3A_11, %dma_start3A_13, %dma_start3A_14] : memref<8x128x32xf32, #tpu.memory_space<vmem>> -> memref<1x128x32xf32, #tpu.memory_space<vmem>>
    %dma_start3A_16 = tpu.memref_squeeze %dma_start3A_15 : memref<1x128x32xf32, #tpu.memory_space<vmem>> -> memref<128x32xf32, #tpu.memory_space<vmem>>
    %dma_start3A_17 = arith.constant 0 : i32
    %dma_start3A_18 = tpu.memref_slice %arg6[%dma_start3A, %dma_start3A_17] : memref<104x128xi32, #tpu.memory_space<vmem>> -> memref<1x128xi32, #tpu.memory_space<vmem>>
    %dma_start3A_19 = tpu.memref_squeeze %dma_start3A_18 : memref<1x128xi32, #tpu.memory_space<vmem>> -> memref<128xi32, #tpu.memory_space<vmem>>
    %dma_start3A_20 = arith.constant 0 : i32
    %dma_start3A_21 = arith.constant 0 : i32
    %dma_start3A_22 = tpu.memref_slice %arg3[%dma_start3A_20, %dma_start3A_21] : memref<2600000x32xf32, #tpu.memory_space<hbm>> -> memref<2600000x32xf32, #tpu.memory_space<hbm>>
    %dma_start3A_23 = tpu.memref_slice %arg8[%dma_start3A_12] : memref<8x!tpu.dma_semaphore, #tpu.memory_space<semaphore_mem>> -> memref<1x!tpu.dma_semaphore, #tpu.memory_space<semaphore_mem>>
    %dma_start3A_24 = tpu.memref_squeeze %dma_start3A_23 : memref<1x!tpu.dma_semaphore, #tpu.memory_space<semaphore_mem>> -> memref<!tpu.dma_semaphore, #tpu.memory_space<semaphore_mem>>
    tpu.enqueue_indirect_dma source(%dma_start3A_22 : memref<2600000x32xf32, #tpu.memory_space<hbm>>) target(%dma_start3A_16 : memref<128x32xf32, #tpu.memory_space<vmem>>) offsets(%dma_start3A_19 : memref<128xi32, #tpu.memory_space<vmem>>) semaphore(%dma_start3A_24 : memref<!tpu.dma_semaphore, #tpu.memory_space<semaphore_mem>>)
    %dma_start3A_25 = arith.constant 1 : i32
    %dma_start3A_26 = arith.constant 1 : i32
    %dma_start3A_27 = arith.constant 1 : i32
    %dma_start3A_28 = arith.constant 0 : i32
    %dma_start3A_29 = arith.constant 0 : i32
    %dma_start3A_30 = tpu.memref_slice %arg7[%dma_start3A_26, %dma_start3A_28, %dma_start3A_29] : memref<8x128x32xf32, #tpu.memory_space<vmem>> -> memref<1x128x32xf32, #tpu.memory_space<vmem>>
    %dma_start3A_31 = tpu.memref_squeeze %dma_start3A_30 : memref<1x128x32xf32, #tpu.memory_space<vmem>> -> memref<128x32xf32, #tpu.memory_space<vmem>>
    %dma_start3A_32 = arith.constant 0 : i32
    %dma_start3A_33 = tpu.memref_slice %arg6[%dma_start3A_25, %dma_start3A_32] : memref<104x128xi32, #tpu.memory_space<vmem>> -> memref<1x128xi32, #tpu.memory_space<vmem>>
    %dma_start3A_34 = tpu.memref_squeeze %dma_start3A_33 : memref<1x128xi32, #tpu.memory_space<vmem>> -> memref<128xi32, #tpu.memory_space<vmem>>
    %dma_start3A_35 = arith.constant 0 : i32
    %dma_start3A_36 = arith.constant 0 : i32
    %dma_start3A_37 = tpu.memref_slice %arg3[%dma_start3A_35, %dma_start3A_36] : memref<2600000x32xf32, #tpu.memory_space<hbm>> -> memref<2600000x32xf32, #tpu.memory_space<hbm>>
    %dma_start3A_38 = tpu.memref_slice %arg8[%dma_start3A_27] : memref<8x!tpu.dma_semaphore, #tpu.memory_space<semaphore_mem>> -> memref<1x!tpu.dma_semaphore, #tpu.memory_space<semaphore_mem>>
    %dma_start3A_39 = tpu.memref_squeeze %dma_start3A_38 : memref<1x!tpu.dma_semaphore, #tpu.memory_space<semaphore_mem>> -> memref<!tpu.dma_semaphore, #tpu.memory_space<semaphore_mem>>
    tpu.enqueue_indirect_dma source(%dma_start3A_37 : memref<2600000x32xf32, #tpu.memory_space<hbm>>) target(%dma_start3A_31 : memref<128x32xf32, #tpu.memory_space<vmem>>) offsets(%dma_start3A_34 : memref<128xi32, #tpu.memory_space<vmem>>) semaphore(%dma_start3A_39 : memref<!tpu.dma_semaphore, #tpu.memory_space<semaphore_mem>>)
    %dma_start3A_40 = arith.constant 2 : i32
    %dma_start3A_41 = arith.constant 2 : i32
    %dma_start3A_42 = arith.constant 2 : i32
    %dma_start3A_43 = arith.constant 0 : i32
    %dma_start3A_44 = arith.constant 0 : i32
    %dma_start3A_45 = tpu.memref_slice %arg7[%dma_start3A_41, %dma_start3A_43, %dma_start3A_44] : memref<8x128x32xf32, #tpu.memory_space<vmem>> -> memref<1x128x32xf32, #tpu.memory_space<vmem>>
    %dma_start3A_46 = tpu.memref_squeeze %dma_start3A_45 : memref<1x128x32xf32, #tpu.memory_space<vmem>> -> memref<128x32xf32, #tpu.memory_space<vmem>>
    %dma_start3A_47 = arith.constant 0 : i32
    %dma_start3A_48 = tpu.memref_slice %arg6[%dma_start3A_40, %dma_start3A_47] : memref<104x128xi32, #tpu.memory_space<vmem>> -> memref<1x128xi32, #tpu.memory_space<vmem>>
    %dma_start3A_49 = tpu.memref_squeeze %dma_start3A_48 : memref<1x128xi32, #tpu.memory_space<vmem>> -> memref<128xi32, #tpu.memory_space<vmem>>
    %dma_start3A_50 = arith.constant 0 : i32
    %dma_start3A_51 = arith.constant 0 : i32
    %dma_start3A_52 = tpu.memref_slice %arg3[%dma_start3A_50, %dma_start3A_51] : memref<2600000x32xf32, #tpu.memory_space<hbm>> -> memref<2600000x32xf32, #tpu.memory_space<hbm>>
    %dma_start3A_53 = tpu.memref_slice %arg8[%dma_start3A_42] : memref<8x!tpu.dma_semaphore, #tpu.memory_space<semaphore_mem>> -> memref<1x!tpu.dma_semaphore, #tpu.memory_space<semaphore_mem>>
    %dma_start3A_54 = tpu.memref_squeeze %dma_start3A_53 : memref<1x!tpu.dma_semaphore, #tpu.memory_space<semaphore_mem>> -> memref<!tpu.dma_semaphore, #tpu.memory_space<semaphore_mem>>
    tpu.enqueue_indirect_dma source(%dma_start3A_52 : memref<2600000x32xf32, #tpu.memory_space<hbm>>) target(%dma_start3A_46 : memref<128x32xf32, #tpu.memory_space<vmem>>) offsets(%dma_start3A_49 : memref<128xi32, #tpu.memory_space<vmem>>) semaphore(%dma_start3A_54 : memref<!tpu.dma_semaphore, #tpu.memory_space<semaphore_mem>>)
    %dma_start3A_55 = arith.constant 3 : i32
    %dma_start3A_56 = arith.constant 3 : i32
    %dma_start3A_57 = arith.constant 3 : i32
    %dma_start3A_58 = arith.constant 0 : i32
    %dma_start3A_59 = arith.constant 0 : i32
    %dma_start3A_60 = tpu.memref_slice %arg7[%dma_start3A_56, %dma_start3A_58, %dma_start3A_59] : memref<8x128x32xf32, #tpu.memory_space<vmem>> -> memref<1x128x32xf32, #tpu.memory_space<vmem>>
    %dma_start3A_61 = tpu.memref_squeeze %dma_start3A_60 : memref<1x128x32xf32, #tpu.memory_space<vmem>> -> memref<128x32xf32, #tpu.memory_space<vmem>>
    %dma_start3A_62 = arith.constant 0 : i32
    %dma_start3A_63 = tpu.memref_slice %arg6[%dma_start3A_55, %dma_start3A_62] : memref<104x128xi32, #tpu.memory_space<vmem>> -> memref<1x128xi32, #tpu.memory_space<vmem>>
    %dma_start3A_64 = tpu.memref_squeeze %dma_start3A_63 : memref<1x128xi32, #tpu.memory_space<vmem>> -> memref<128xi32, #tpu.memory_space<vmem>>
    %dma_start3A_65 = arith.constant 0 : i32
    %dma_start3A_66 = arith.constant 0 : i32
    %dma_start3A_67 = tpu.memref_slice %arg3[%dma_start3A_65, %dma_start3A_66] : memref<2600000x32xf32, #tpu.memory_space<hbm>> -> memref<2600000x32xf32, #tpu.memory_space<hbm>>
    %dma_start3A_68 = tpu.memref_slice %arg8[%dma_start3A_57] : memref<8x!tpu.dma_semaphore, #tpu.memory_space<semaphore_mem>> -> memref<1x!tpu.dma_semaphore, #tpu.memory_space<semaphore_mem>>
    %dma_start3A_69 = tpu.memref_squeeze %dma_start3A_68 : memref<1x!tpu.dma_semaphore, #tpu.memory_space<semaphore_mem>> -> memref<!tpu.dma_semaphore, #tpu.memory_space<semaphore_mem>>
    tpu.enqueue_indirect_dma source(%dma_start3A_67 : memref<2600000x32xf32, #tpu.memory_space<hbm>>) target(%dma_start3A_61 : memref<128x32xf32, #tpu.memory_space<vmem>>) offsets(%dma_start3A_64 : memref<128xi32, #tpu.memory_space<vmem>>) semaphore(%dma_start3A_69 : memref<!tpu.dma_semaphore, #tpu.memory_space<semaphore_mem>>)
    %dma_start3A_70 = arith.constant 4 : i32
    %dma_start3A_71 = arith.constant 4 : i32
    %dma_start3A_72 = arith.constant 4 : i32
    %dma_start3A_73 = arith.constant 0 : i32
    %dma_start3A_74 = arith.constant 0 : i32
    %dma_start3A_75 = tpu.memref_slice %arg7[%dma_start3A_71, %dma_start3A_73, %dma_start3A_74] : memref<8x128x32xf32, #tpu.memory_space<vmem>> -> memref<1x128x32xf32, #tpu.memory_space<vmem>>
    %dma_start3A_76 = tpu.memref_squeeze %dma_start3A_75 : memref<1x128x32xf32, #tpu.memory_space<vmem>> -> memref<128x32xf32, #tpu.memory_space<vmem>>
    %dma_start3A_77 = arith.constant 0 : i32
    %dma_start3A_78 = tpu.memref_slice %arg6[%dma_start3A_70, %dma_start3A_77] : memref<104x128xi32, #tpu.memory_space<vmem>> -> memref<1x128xi32, #tpu.memory_space<vmem>>
    %dma_start3A_79 = tpu.memref_squeeze %dma_start3A_78 : memref<1x128xi32, #tpu.memory_space<vmem>> -> memref<128xi32, #tpu.memory_space<vmem>>
    %dma_start3A_80 = arith.constant 0 : i32
    %dma_start3A_81 = arith.constant 0 : i32
    %dma_start3A_82 = tpu.memref_slice %arg3[%dma_start3A_80, %dma_start3A_81] : memref<2600000x32xf32, #tpu.memory_space<hbm>> -> memref<2600000x32xf32, #tpu.memory_space<hbm>>
    %dma_start3A_83 = tpu.memref_slice %arg8[%dma_start3A_72] : memref<8x!tpu.dma_semaphore, #tpu.memory_space<semaphore_mem>> -> memref<1x!tpu.dma_semaphore, #tpu.memory_space<semaphore_mem>>
    %dma_start3A_84 = tpu.memref_squeeze %dma_start3A_83 : memref<1x!tpu.dma_semaphore, #tpu.memory_space<semaphore_mem>> -> memref<!tpu.dma_semaphore, #tpu.memory_space<semaphore_mem>>
    tpu.enqueue_indirect_dma source(%dma_start3A_82 : memref<2600000x32xf32, #tpu.memory_space<hbm>>) target(%dma_start3A_76 : memref<128x32xf32, #tpu.memory_space<vmem>>) offsets(%dma_start3A_79 : memref<128xi32, #tpu.memory_space<vmem>>) semaphore(%dma_start3A_84 : memref<!tpu.dma_semaphore, #tpu.memory_space<semaphore_mem>>)
    %dma_start3A_85 = arith.constant 5 : i32
    %dma_start3A_86 = arith.constant 5 : i32
    %dma_start3A_87 = arith.constant 5 : i32
    %dma_start3A_88 = arith.constant 0 : i32
    %dma_start3A_89 = arith.constant 0 : i32
    %dma_start3A_90 = tpu.memref_slice %arg7[%dma_start3A_86, %dma_start3A_88, %dma_start3A_89] : memref<8x128x32xf32, #tpu.memory_space<vmem>> -> memref<1x128x32xf32, #tpu.memory_space<vmem>>
    %dma_start3A_91 = tpu.memref_squeeze %dma_start3A_90 : memref<1x128x32xf32, #tpu.memory_space<vmem>> -> memref<128x32xf32, #tpu.memory_space<vmem>>
    %dma_start3A_92 = arith.constant 0 : i32
    %dma_start3A_93 = tpu.memref_slice %arg6[%dma_start3A_85, %dma_start3A_92] : memref<104x128xi32, #tpu.memory_space<vmem>> -> memref<1x128xi32, #tpu.memory_space<vmem>>
    %dma_start3A_94 = tpu.memref_squeeze %dma_start3A_93 : memref<1x128xi32, #tpu.memory_space<vmem>> -> memref<128xi32, #tpu.memory_space<vmem>>
    %dma_start3A_95 = arith.constant 0 : i32
    %dma_start3A_96 = arith.constant 0 : i32
    %dma_start3A_97 = tpu.memref_slice %arg3[%dma_start3A_95, %dma_start3A_96] : memref<2600000x32xf32, #tpu.memory_space<hbm>> -> memref<2600000x32xf32, #tpu.memory_space<hbm>>
    %dma_start3A_98 = tpu.memref_slice %arg8[%dma_start3A_87] : memref<8x!tpu.dma_semaphore, #tpu.memory_space<semaphore_mem>> -> memref<1x!tpu.dma_semaphore, #tpu.memory_space<semaphore_mem>>
    %dma_start3A_99 = tpu.memref_squeeze %dma_start3A_98 : memref<1x!tpu.dma_semaphore, #tpu.memory_space<semaphore_mem>> -> memref<!tpu.dma_semaphore, #tpu.memory_space<semaphore_mem>>
    tpu.enqueue_indirect_dma source(%dma_start3A_97 : memref<2600000x32xf32, #tpu.memory_space<hbm>>) target(%dma_start3A_91 : memref<128x32xf32, #tpu.memory_space<vmem>>) offsets(%dma_start3A_94 : memref<128xi32, #tpu.memory_space<vmem>>) semaphore(%dma_start3A_99 : memref<!tpu.dma_semaphore, #tpu.memory_space<semaphore_mem>>)
    %dma_start3A_100 = arith.constant 6 : i32
    %dma_start3A_101 = arith.constant 6 : i32
    %dma_start3A_102 = arith.constant 6 : i32
    %dma_start3A_103 = arith.constant 0 : i32
    %dma_start3A_104 = arith.constant 0 : i32
    %dma_start3A_105 = tpu.memref_slice %arg7[%dma_start3A_101, %dma_start3A_103, %dma_start3A_104] : memref<8x128x32xf32, #tpu.memory_space<vmem>> -> memref<1x128x32xf32, #tpu.memory_space<vmem>>
    %dma_start3A_106 = tpu.memref_squeeze %dma_start3A_105 : memref<1x128x32xf32, #tpu.memory_space<vmem>> -> memref<128x32xf32, #tpu.memory_space<vmem>>
    %dma_start3A_107 = arith.constant 0 : i32
    %dma_start3A_108 = tpu.memref_slice %arg6[%dma_start3A_100, %dma_start3A_107] : memref<104x128xi32, #tpu.memory_space<vmem>> -> memref<1x128xi32, #tpu.memory_space<vmem>>
    %dma_start3A_109 = tpu.memref_squeeze %dma_start3A_108 : memref<1x128xi32, #tpu.memory_space<vmem>> -> memref<128xi32, #tpu.memory_space<vmem>>
    %dma_start3A_110 = arith.constant 0 : i32
    %dma_start3A_111 = arith.constant 0 : i32
    %dma_start3A_112 = tpu.memref_slice %arg3[%dma_start3A_110, %dma_start3A_111] : memref<2600000x32xf32, #tpu.memory_space<hbm>> -> memref<2600000x32xf32, #tpu.memory_space<hbm>>
    %dma_start3A_113 = tpu.memref_slice %arg8[%dma_start3A_102] : memref<8x!tpu.dma_semaphore, #tpu.memory_space<semaphore_mem>> -> memref<1x!tpu.dma_semaphore, #tpu.memory_space<semaphore_mem>>
    %dma_start3A_114 = tpu.memref_squeeze %dma_start3A_113 : memref<1x!tpu.dma_semaphore, #tpu.memory_space<semaphore_mem>> -> memref<!tpu.dma_semaphore, #tpu.memory_space<semaphore_mem>>
    tpu.enqueue_indirect_dma source(%dma_start3A_112 : memref<2600000x32xf32, #tpu.memory_space<hbm>>) target(%dma_start3A_106 : memref<128x32xf32, #tpu.memory_space<vmem>>) offsets(%dma_start3A_109 : memref<128xi32, #tpu.memory_space<vmem>>) semaphore(%dma_start3A_114 : memref<!tpu.dma_semaphore, #tpu.memory_space<semaphore_mem>>)
    %dma_start3A_115 = arith.constant 7 : i32
    %dma_start3A_116 = arith.constant 7 : i32
    %dma_start3A_117 = arith.constant 7 : i32
    %dma_start3A_118 = arith.constant 0 : i32
    %dma_start3A_119 = arith.constant 0 : i32
    %dma_start3A_120 = tpu.memref_slice %arg7[%dma_start3A_116, %dma_start3A_118, %dma_start3A_119] : memref<8x128x32xf32, #tpu.memory_space<vmem>> -> memref<1x128x32xf32, #tpu.memory_space<vmem>>
    %dma_start3A_121 = tpu.memref_squeeze %dma_start3A_120 : memref<1x128x32xf32, #tpu.memory_space<vmem>> -> memref<128x32xf32, #tpu.memory_space<vmem>>
    %dma_start3A_122 = arith.constant 0 : i32
    %dma_start3A_123 = tpu.memref_slice %arg6[%dma_start3A_115, %dma_start3A_122] : memref<104x128xi32, #tpu.memory_space<vmem>> -> memref<1x128xi32, #tpu.memory_space<vmem>>
    %dma_start3A_124 = tpu.memref_squeeze %dma_start3A_123 : memref<1x128xi32, #tpu.memory_space<vmem>> -> memref<128xi32, #tpu.memory_space<vmem>>
    %dma_start3A_125 = arith.constant 0 : i32
    %dma_start3A_126 = arith.constant 0 : i32
    %dma_start3A_127 = tpu.memref_slice %arg3[%dma_start3A_125, %dma_start3A_126] : memref<2600000x32xf32, #tpu.memory_space<hbm>> -> memref<2600000x32xf32, #tpu.memory_space<hbm>>
    %dma_start3A_128 = tpu.memref_slice %arg8[%dma_start3A_117] : memref<8x!tpu.dma_semaphore, #tpu.memory_space<semaphore_mem>> -> memref<1x!tpu.dma_semaphore, #tpu.memory_space<semaphore_mem>>
    %dma_start3A_129 = tpu.memref_squeeze %dma_start3A_128 : memref<1x!tpu.dma_semaphore, #tpu.memory_space<semaphore_mem>> -> memref<!tpu.dma_semaphore, #tpu.memory_space<semaphore_mem>>
    tpu.enqueue_indirect_dma source(%dma_start3A_127 : memref<2600000x32xf32, #tpu.memory_space<hbm>>) target(%dma_start3A_121 : memref<128x32xf32, #tpu.memory_space<vmem>>) offsets(%dma_start3A_124 : memref<128xi32, #tpu.memory_space<vmem>>) semaphore(%dma_start3A_129 : memref<!tpu.dma_semaphore, #tpu.memory_space<semaphore_mem>>)
    %scan3A_130 = arith.constant 0 : i32
    %scan3A_131 = arith.constant 12 : i32
    %scan3A_132 = arith.addi %scan3A_130, %scan3A_131 : i32
    %scan3A_133 = arith.constant 1 : i32
    scf.for %scan3A_542 = %scan3A_130 to %scan3A_132 step %scan3A_133  : i32 {
      %mul3A_543 = arith.constant 8 : i32
      %mul3A_544 = arith.muli %scan3A_542, %mul3A_543 : i32
      %add3A_545 = arith.constant 0 : i32
      %add3A_546 = arith.addi %mul3A_544, %add3A_545 : i32
      %dma_wait3A_547 = arith.constant 0 : i32
      %dma_wait3A_548 = arith.constant 0 : i32
      %dma_wait3A_549 = arith.constant 0 : i32
      %dma_wait3A_550 = arith.constant 0 : i32
      %dma_wait3A_551 = tpu.memref_slice %arg7[%dma_wait3A_547, %dma_wait3A_549, %dma_wait3A_550] : memref<8x128x32xf32, #tpu.memory_space<vmem>> -> memref<1x128x32xf32, #tpu.memory_space<vmem>>
      %dma_wait3A_552 = tpu.memref_squeeze %dma_wait3A_551 : memref<1x128x32xf32, #tpu.memory_space<vmem>> -> memref<128x32xf32, #tpu.memory_space<vmem>>
      %dma_wait3A_553 = arith.constant 0 : i32
      %dma_wait3A_554 = tpu.memref_slice %arg6[%add3A_546, %dma_wait3A_553] : memref<104x128xi32, #tpu.memory_space<vmem>> -> memref<1x128xi32, #tpu.memory_space<vmem>>
      %dma_wait3A_555 = tpu.memref_squeeze %dma_wait3A_554 : memref<1x128xi32, #tpu.memory_space<vmem>> -> memref<128xi32, #tpu.memory_space<vmem>>
      %dma_wait3A_556 = arith.constant 0 : i32
      %dma_wait3A_557 = arith.constant 0 : i32
      %dma_wait3A_558 = tpu.memref_slice %arg3[%dma_wait3A_556, %dma_wait3A_557] : memref<2600000x32xf32, #tpu.memory_space<hbm>> -> memref<2600000x32xf32, #tpu.memory_space<hbm>>
      %dma_wait3A_559 = tpu.memref_slice %arg8[%dma_wait3A_548] : memref<8x!tpu.dma_semaphore, #tpu.memory_space<semaphore_mem>> -> memref<1x!tpu.dma_semaphore, #tpu.memory_space<semaphore_mem>>
      %dma_wait3A_560 = tpu.memref_squeeze %dma_wait3A_559 : memref<1x!tpu.dma_semaphore, #tpu.memory_space<semaphore_mem>> -> memref<!tpu.dma_semaphore, #tpu.memory_space<semaphore_mem>>
      tpu.wait_indirect_dma semaphore(%dma_wait3A_560 : memref<!tpu.dma_semaphore, #tpu.memory_space<semaphore_mem>>) src(%dma_wait3A_558 : memref<2600000x32xf32, #tpu.memory_space<hbm>>) dst(%dma_wait3A_552 : memref<128x32xf32, #tpu.memory_space<vmem>>)
      %mul3A_561 = arith.constant 128 : i32
      %mul3A_562 = arith.muli %add3A_546, %mul3A_561 : i32
      %add3A_563 = arith.addi %mul3A_2, %mul3A_562 : i32
      %dma_start3A_564 = arith.constant 0 : i32
      %dma_start3A_565 = arith.constant 0 : i32
      %dma_start3A_566 = arith.constant 0 : i32
      %dma_start3A_567 = arith.constant 0 : i32
      %dma_start3A_568 = tpu.memref_slice %arg7[%dma_start3A_564, %dma_start3A_566, %dma_start3A_567] : memref<8x128x32xf32, #tpu.memory_space<vmem>> -> memref<1x128x32xf32, #tpu.memory_space<vmem>>
      %dma_start3A_569 = tpu.memref_squeeze %dma_start3A_568 : memref<1x128x32xf32, #tpu.memory_space<vmem>> -> memref<128x32xf32, #tpu.memory_space<vmem>>
      %dma_start3A_570 = arith.constant 0 : i32
      %dma_start3A_571 = tpu.memref_slice %arg4[%add3A_563, %dma_start3A_570] : memref<425984x32xf32, #tpu.memory_space<hbm>> -> memref<128x32xf32, #tpu.memory_space<hbm>>
      %dma_start3A_572 = tpu.memref_slice %arg9[%dma_start3A_565] : memref<8x!tpu.dma_semaphore, #tpu.memory_space<semaphore_mem>> -> memref<1x!tpu.dma_semaphore, #tpu.memory_space<semaphore_mem>>
      %dma_start3A_573 = tpu.memref_squeeze %dma_start3A_572 : memref<1x!tpu.dma_semaphore, #tpu.memory_space<semaphore_mem>> -> memref<!tpu.dma_semaphore, #tpu.memory_space<semaphore_mem>>
      %dma_start3A_574 = arith.constant 0 : i32
      %dma_start3A_575 = tpu.memref_slice %arg4[%add3A_563, %dma_start3A_574] : memref<425984x32xf32, #tpu.memory_space<hbm>> -> memref<128x32xf32, #tpu.memory_space<hbm>>
      %dma_start3A_576 = arith.constant 0 : i32
      %dma_start3A_577 = arith.constant 0 : i32
      %dma_start3A_578 = tpu.memref_slice %arg7[%dma_start3A_564, %dma_start3A_576, %dma_start3A_577] : memref<8x128x32xf32, #tpu.memory_space<vmem>> -> memref<1x128x32xf32, #tpu.memory_space<vmem>>
      %dma_start3A_579 = tpu.memref_squeeze %dma_start3A_578 : memref<1x128x32xf32, #tpu.memory_space<vmem>> -> memref<128x32xf32, #tpu.memory_space<vmem>>
      tpu.enqueue_dma source(%dma_start3A_579 : memref<128x32xf32, #tpu.memory_space<vmem>>) target(%dma_start3A_575 : memref<128x32xf32, #tpu.memory_space<hbm>>) target_semaphore(%dma_start3A_573 : memref<!tpu.dma_semaphore, #tpu.memory_space<semaphore_mem>>)
      %mul3A_580 = arith.constant 128 : i32
      %mul3A_581 = arith.muli %add3A_546, %mul3A_580 : i32
      %add3A_582 = arith.addi %mul3A_2, %mul3A_581 : i32
      %dma_wait3A_583 = arith.constant 0 : i32
      %dma_wait3A_584 = arith.constant 0 : i32
      %dma_wait3A_585 = arith.constant 0 : i32
      %dma_wait3A_586 = arith.constant 0 : i32
      %dma_wait3A_587 = tpu.memref_slice %arg7[%dma_wait3A_583, %dma_wait3A_585, %dma_wait3A_586] : memref<8x128x32xf32, #tpu.memory_space<vmem>> -> memref<1x128x32xf32, #tpu.memory_space<vmem>>
      %dma_wait3A_588 = tpu.memref_squeeze %dma_wait3A_587 : memref<1x128x32xf32, #tpu.memory_space<vmem>> -> memref<128x32xf32, #tpu.memory_space<vmem>>
      %dma_wait3A_589 = arith.constant 0 : i32
      %dma_wait3A_590 = tpu.memref_slice %arg4[%add3A_582, %dma_wait3A_589] : memref<425984x32xf32, #tpu.memory_space<hbm>> -> memref<128x32xf32, #tpu.memory_space<hbm>>
      %dma_wait3A_591 = tpu.memref_slice %arg9[%dma_wait3A_584] : memref<8x!tpu.dma_semaphore, #tpu.memory_space<semaphore_mem>> -> memref<1x!tpu.dma_semaphore, #tpu.memory_space<semaphore_mem>>
      %dma_wait3A_592 = tpu.memref_squeeze %dma_wait3A_591 : memref<1x!tpu.dma_semaphore, #tpu.memory_space<semaphore_mem>> -> memref<!tpu.dma_semaphore, #tpu.memory_space<semaphore_mem>>
      %dma_wait3A_593 = arith.constant 0 : i32
      %dma_wait3A_594 = tpu.memref_slice %arg4[%add3A_582, %dma_wait3A_593] : memref<425984x32xf32, #tpu.memory_space<hbm>> -> memref<128x32xf32, #tpu.memory_space<hbm>>
      %dma_wait3A_595 = arith.constant 0 : i32
      %dma_wait3A_596 = arith.constant 0 : i32
      %dma_wait3A_597 = tpu.memref_slice %arg7[%dma_wait3A_583, %dma_wait3A_595, %dma_wait3A_596] : memref<8x128x32xf32, #tpu.memory_space<vmem>> -> memref<1x128x32xf32, #tpu.memory_space<vmem>>
      %dma_wait3A_598 = tpu.memref_squeeze %dma_wait3A_597 : memref<1x128x32xf32, #tpu.memory_space<vmem>> -> memref<128x32xf32, #tpu.memory_space<vmem>>
      tpu.wait_dma2 semaphore(%dma_wait3A_592 : memref<!tpu.dma_semaphore, #tpu.memory_space<semaphore_mem>>) src(%dma_wait3A_598 : memref<128x32xf32, #tpu.memory_space<vmem>>) dst(%dma_wait3A_594 : memref<128x32xf32, #tpu.memory_space<hbm>>)
      %add3A_599 = arith.constant 8 : i32
      %add3A_600 = arith.addi %add3A_546, %add3A_599 : i32
      %dma_start3A_601 = arith.constant 0 : i32
      %dma_start3A_602 = arith.constant 0 : i32
      %dma_start3A_603 = arith.constant 0 : i32
      %dma_start3A_604 = arith.constant 0 : i32
      %dma_start3A_605 = tpu.memref_slice %arg7[%dma_start3A_601, %dma_start3A_603, %dma_start3A_604] : memref<8x128x32xf32, #tpu.memory_space<vmem>> -> memref<1x128x32xf32, #tpu.memory_space<vmem>>
      %dma_start3A_606 = tpu.memref_squeeze %dma_start3A_605 : memref<1x128x32xf32, #tpu.memory_space<vmem>> -> memref<128x32xf32, #tpu.memory_space<vmem>>
      %dma_start3A_607 = arith.constant 0 : i32
      %dma_start3A_608 = tpu.memref_slice %arg6[%add3A_600, %dma_start3A_607] : memref<104x128xi32, #tpu.memory_space<vmem>> -> memref<1x128xi32, #tpu.memory_space<vmem>>
      %dma_start3A_609 = tpu.memref_squeeze %dma_start3A_608 : memref<1x128xi32, #tpu.memory_space<vmem>> -> memref<128xi32, #tpu.memory_space<vmem>>
      %dma_start3A_610 = arith.constant 0 : i32
      %dma_start3A_611 = arith.constant 0 : i32
      %dma_start3A_612 = tpu.memref_slice %arg3[%dma_start3A_610, %dma_start3A_611] : memref<2600000x32xf32, #tpu.memory_space<hbm>> -> memref<2600000x32xf32, #tpu.memory_space<hbm>>
      %dma_start3A_613 = tpu.memref_slice %arg8[%dma_start3A_602] : memref<8x!tpu.dma_semaphore, #tpu.memory_space<semaphore_mem>> -> memref<1x!tpu.dma_semaphore, #tpu.memory_space<semaphore_mem>>
      %dma_start3A_614 = tpu.memref_squeeze %dma_start3A_613 : memref<1x!tpu.dma_semaphore, #tpu.memory_space<semaphore_mem>> -> memref<!tpu.dma_semaphore, #tpu.memory_space<semaphore_mem>>
      tpu.enqueue_indirect_dma source(%dma_start3A_612 : memref<2600000x32xf32, #tpu.memory_space<hbm>>) target(%dma_start3A_606 : memref<128x32xf32, #tpu.memory_space<vmem>>) offsets(%dma_start3A_609 : memref<128xi32, #tpu.memory_space<vmem>>) semaphore(%dma_start3A_614 : memref<!tpu.dma_semaphore, #tpu.memory_space<semaphore_mem>>)
      %mul3A_615 = arith.constant 8 : i32
      %mul3A_616 = arith.muli %scan3A_542, %mul3A_615 : i32
      %add3A_617 = arith.constant 1 : i32
      %add3A_618 = arith.addi %mul3A_616, %add3A_617 : i32
      %dma_wait3A_619 = arith.constant 1 : i32
      %dma_wait3A_620 = arith.constant 1 : i32
      %dma_wait3A_621 = arith.constant 0 : i32
      %dma_wait3A_622 = arith.constant 0 : i32
      %dma_wait3A_623 = tpu.memref_slice %arg7[%dma_wait3A_619, %dma_wait3A_621, %dma_wait3A_622] : memref<8x128x32xf32, #tpu.memory_space<vmem>> -> memref<1x128x32xf32, #tpu.memory_space<vmem>>
      %dma_wait3A_624 = tpu.memref_squeeze %dma_wait3A_623 : memref<1x128x32xf32, #tpu.memory_space<vmem>> -> memref<128x32xf32, #tpu.memory_space<vmem>>
      %dma_wait3A_625 = arith.constant 0 : i32
      %dma_wait3A_626 = tpu.memref_slice %arg6[%add3A_618, %dma_wait3A_625] : memref<104x128xi32, #tpu.memory_space<vmem>> -> memref<1x128xi32, #tpu.memory_space<vmem>>
      %dma_wait3A_627 = tpu.memref_squeeze %dma_wait3A_626 : memref<1x128xi32, #tpu.memory_space<vmem>> -> memref<128xi32, #tpu.memory_space<vmem>>
      %dma_wait3A_628 = arith.constant 0 : i32
      %dma_wait3A_629 = arith.constant 0 : i32
      %dma_wait3A_630 = tpu.memref_slice %arg3[%dma_wait3A_628, %dma_wait3A_629] : memref<2600000x32xf32, #tpu.memory_space<hbm>> -> memref<2600000x32xf32, #tpu.memory_space<hbm>>
      %dma_wait3A_631 = tpu.memref_slice %arg8[%dma_wait3A_620] : memref<8x!tpu.dma_semaphore, #tpu.memory_space<semaphore_mem>> -> memref<1x!tpu.dma_semaphore, #tpu.memory_space<semaphore_mem>>
      %dma_wait3A_632 = tpu.memref_squeeze %dma_wait3A_631 : memref<1x!tpu.dma_semaphore, #tpu.memory_space<semaphore_mem>> -> memref<!tpu.dma_semaphore, #tpu.memory_space<semaphore_mem>>
      tpu.wait_indirect_dma semaphore(%dma_wait3A_632 : memref<!tpu.dma_semaphore, #tpu.memory_space<semaphore_mem>>) src(%dma_wait3A_630 : memref<2600000x32xf32, #tpu.memory_space<hbm>>) dst(%dma_wait3A_624 : memref<128x32xf32, #tpu.memory_space<vmem>>)
      %mul3A_633 = arith.constant 128 : i32
      %mul3A_634 = arith.muli %add3A_618, %mul3A_633 : i32
      %add3A_635 = arith.addi %mul3A_2, %mul3A_634 : i32
      %dma_start3A_636 = arith.constant 1 : i32
      %dma_start3A_637 = arith.constant 1 : i32
      %dma_start3A_638 = arith.constant 0 : i32
      %dma_start3A_639 = arith.constant 0 : i32
      %dma_start3A_640 = tpu.memref_slice %arg7[%dma_start3A_636, %dma_start3A_638, %dma_start3A_639] : memref<8x128x32xf32, #tpu.memory_space<vmem>> -> memref<1x128x32xf32, #tpu.memory_space<vmem>>
      %dma_start3A_641 = tpu.memref_squeeze %dma_start3A_640 : memref<1x128x32xf32, #tpu.memory_space<vmem>> -> memref<128x32xf32, #tpu.memory_space<vmem>>
      %dma_start3A_642 = arith.constant 0 : i32
      %dma_start3A_643 = tpu.memref_slice %arg4[%add3A_635, %dma_start3A_642] : memref<425984x32xf32, #tpu.memory_space<hbm>> -> memref<128x32xf32, #tpu.memory_space<hbm>>
      %dma_start3A_644 = tpu.memref_slice %arg9[%dma_start3A_637] : memref<8x!tpu.dma_semaphore, #tpu.memory_space<semaphore_mem>> -> memref<1x!tpu.dma_semaphore, #tpu.memory_space<semaphore_mem>>
      %dma_start3A_645 = tpu.memref_squeeze %dma_start3A_644 : memref<1x!tpu.dma_semaphore, #tpu.memory_space<semaphore_mem>> -> memref<!tpu.dma_semaphore, #tpu.memory_space<semaphore_mem>>
      %dma_start3A_646 = arith.constant 0 : i32
      %dma_start3A_647 = tpu.memref_slice %arg4[%add3A_635, %dma_start3A_646] : memref<425984x32xf32, #tpu.memory_space<hbm>> -> memref<128x32xf32, #tpu.memory_space<hbm>>
      %dma_start3A_648 = arith.constant 0 : i32
      %dma_start3A_649 = arith.constant 0 : i32
      %dma_start3A_650 = tpu.memref_slice %arg7[%dma_start3A_636, %dma_start3A_648, %dma_start3A_649] : memref<8x128x32xf32, #tpu.memory_space<vmem>> -> memref<1x128x32xf32, #tpu.memory_space<vmem>>
      %dma_start3A_651 = tpu.memref_squeeze %dma_start3A_650 : memref<1x128x32xf32, #tpu.memory_space<vmem>> -> memref<128x32xf32, #tpu.memory_space<vmem>>
      tpu.enqueue_dma source(%dma_start3A_651 : memref<128x32xf32, #tpu.memory_space<vmem>>) target(%dma_start3A_647 : memref<128x32xf32, #tpu.memory_space<hbm>>) target_semaphore(%dma_start3A_645 : memref<!tpu.dma_semaphore, #tpu.memory_space<semaphore_mem>>)
      %mul3A_652 = arith.constant 128 : i32
      %mul3A_653 = arith.muli %add3A_618, %mul3A_652 : i32
      %add3A_654 = arith.addi %mul3A_2, %mul3A_653 : i32
      %dma_wait3A_655 = arith.constant 1 : i32
      %dma_wait3A_656 = arith.constant 1 : i32
      %dma_wait3A_657 = arith.constant 0 : i32
      %dma_wait3A_658 = arith.constant 0 : i32
      %dma_wait3A_659 = tpu.memref_slice %arg7[%dma_wait3A_655, %dma_wait3A_657, %dma_wait3A_658] : memref<8x128x32xf32, #tpu.memory_space<vmem>> -> memref<1x128x32xf32, #tpu.memory_space<vmem>>
      %dma_wait3A_660 = tpu.memref_squeeze %dma_wait3A_659 : memref<1x128x32xf32, #tpu.memory_space<vmem>> -> memref<128x32xf32, #tpu.memory_space<vmem>>
      %dma_wait3A_661 = arith.constant 0 : i32
      %dma_wait3A_662 = tpu.memref_slice %arg4[%add3A_654, %dma_wait3A_661] : memref<425984x32xf32, #tpu.memory_space<hbm>> -> memref<128x32xf32, #tpu.memory_space<hbm>>
      %dma_wait3A_663 = tpu.memref_slice %arg9[%dma_wait3A_656] : memref<8x!tpu.dma_semaphore, #tpu.memory_space<semaphore_mem>> -> memref<1x!tpu.dma_semaphore, #tpu.memory_space<semaphore_mem>>
      %dma_wait3A_664 = tpu.memref_squeeze %dma_wait3A_663 : memref<1x!tpu.dma_semaphore, #tpu.memory_space<semaphore_mem>> -> memref<!tpu.dma_semaphore, #tpu.memory_space<semaphore_mem>>
      %dma_wait3A_665 = arith.constant 0 : i32
      %dma_wait3A_666 = tpu.memref_slice %arg4[%add3A_654, %dma_wait3A_665] : memref<425984x32xf32, #tpu.memory_space<hbm>> -> memref<128x32xf32, #tpu.memory_space<hbm>>
      %dma_wait3A_667 = arith.constant 0 : i32
      %dma_wait3A_668 = arith.constant 0 : i32
      %dma_wait3A_669 = tpu.memref_slice %arg7[%dma_wait3A_655, %dma_wait3A_667, %dma_wait3A_668] : memref<8x128x32xf32, #tpu.memory_space<vmem>> -> memref<1x128x32xf32, #tpu.memory_space<vmem>>
      %dma_wait3A_670 = tpu.memref_squeeze %dma_wait3A_669 : memref<1x128x32xf32, #tpu.memory_space<vmem>> -> memref<128x32xf32, #tpu.memory_space<vmem>>
      tpu.wait_dma2 semaphore(%dma_wait3A_664 : memref<!tpu.dma_semaphore, #tpu.memory_space<semaphore_mem>>) src(%dma_wait3A_670 : memref<128x32xf32, #tpu.memory_space<vmem>>) dst(%dma_wait3A_666 : memref<128x32xf32, #tpu.memory_space<hbm>>)
      %add3A_671 = arith.constant 8 : i32
      %add3A_672 = arith.addi %add3A_618, %add3A_671 : i32
      %dma_start3A_673 = arith.constant 1 : i32
      %dma_start3A_674 = arith.constant 1 : i32
      %dma_start3A_675 = arith.constant 0 : i32
      %dma_start3A_676 = arith.constant 0 : i32
      %dma_start3A_677 = tpu.memref_slice %arg7[%dma_start3A_673, %dma_start3A_675, %dma_start3A_676] : memref<8x128x32xf32, #tpu.memory_space<vmem>> -> memref<1x128x32xf32, #tpu.memory_space<vmem>>
      %dma_start3A_678 = tpu.memref_squeeze %dma_start3A_677 : memref<1x128x32xf32, #tpu.memory_space<vmem>> -> memref<128x32xf32, #tpu.memory_space<vmem>>
      %dma_start3A_679 = arith.constant 0 : i32
      %dma_start3A_680 = tpu.memref_slice %arg6[%add3A_672, %dma_start3A_679] : memref<104x128xi32, #tpu.memory_space<vmem>> -> memref<1x128xi32, #tpu.memory_space<vmem>>
      %dma_start3A_681 = tpu.memref_squeeze %dma_start3A_680 : memref<1x128xi32, #tpu.memory_space<vmem>> -> memref<128xi32, #tpu.memory_space<vmem>>
      %dma_start3A_682 = arith.constant 0 : i32
      %dma_start3A_683 = arith.constant 0 : i32
      %dma_start3A_684 = tpu.memref_slice %arg3[%dma_start3A_682, %dma_start3A_683] : memref<2600000x32xf32, #tpu.memory_space<hbm>> -> memref<2600000x32xf32, #tpu.memory_space<hbm>>
      %dma_start3A_685 = tpu.memref_slice %arg8[%dma_start3A_674] : memref<8x!tpu.dma_semaphore, #tpu.memory_space<semaphore_mem>> -> memref<1x!tpu.dma_semaphore, #tpu.memory_space<semaphore_mem>>
      %dma_start3A_686 = tpu.memref_squeeze %dma_start3A_685 : memref<1x!tpu.dma_semaphore, #tpu.memory_space<semaphore_mem>> -> memref<!tpu.dma_semaphore, #tpu.memory_space<semaphore_mem>>
      tpu.enqueue_indirect_dma source(%dma_start3A_684 : memref<2600000x32xf32, #tpu.memory_space<hbm>>) target(%dma_start3A_678 : memref<128x32xf32, #tpu.memory_space<vmem>>) offsets(%dma_start3A_681 : memref<128xi32, #tpu.memory_space<vmem>>) semaphore(%dma_start3A_686 : memref<!tpu.dma_semaphore, #tpu.memory_space<semaphore_mem>>)
      %mul3A_687 = arith.constant 8 : i32
      %mul3A_688 = arith.muli %scan3A_542, %mul3A_687 : i32
      %add3A_689 = arith.constant 2 : i32
      %add3A_690 = arith.addi %mul3A_688, %add3A_689 : i32
      %dma_wait3A_691 = arith.constant 2 : i32
      %dma_wait3A_692 = arith.constant 2 : i32
      %dma_wait3A_693 = arith.constant 0 : i32
      %dma_wait3A_694 = arith.constant 0 : i32
      %dma_wait3A_695 = tpu.memref_slice %arg7[%dma_wait3A_691, %dma_wait3A_693, %dma_wait3A_694] : memref<8x128x32xf32, #tpu.memory_space<vmem>> -> memref<1x128x32xf32, #tpu.memory_space<vmem>>
      %dma_wait3A_696 = tpu.memref_squeeze %dma_wait3A_695 : memref<1x128x32xf32, #tpu.memory_space<vmem>> -> memref<128x32xf32, #tpu.memory_space<vmem>>
      %dma_wait3A_697 = arith.constant 0 : i32
      %dma_wait3A_698 = tpu.memref_slice %arg6[%add3A_690, %dma_wait3A_697] : memref<104x128xi32, #tpu.memory_space<vmem>> -> memref<1x128xi32, #tpu.memory_space<vmem>>
      %dma_wait3A_699 = tpu.memref_squeeze %dma_wait3A_698 : memref<1x128xi32, #tpu.memory_space<vmem>> -> memref<128xi32, #tpu.memory_space<vmem>>
      %dma_wait3A_700 = arith.constant 0 : i32
      %dma_wait3A_701 = arith.constant 0 : i32
      %dma_wait3A_702 = tpu.memref_slice %arg3[%dma_wait3A_700, %dma_wait3A_701] : memref<2600000x32xf32, #tpu.memory_space<hbm>> -> memref<2600000x32xf32, #tpu.memory_space<hbm>>
      %dma_wait3A_703 = tpu.memref_slice %arg8[%dma_wait3A_692] : memref<8x!tpu.dma_semaphore, #tpu.memory_space<semaphore_mem>> -> memref<1x!tpu.dma_semaphore, #tpu.memory_space<semaphore_mem>>
      %dma_wait3A_704 = tpu.memref_squeeze %dma_wait3A_703 : memref<1x!tpu.dma_semaphore, #tpu.memory_space<semaphore_mem>> -> memref<!tpu.dma_semaphore, #tpu.memory_space<semaphore_mem>>
      tpu.wait_indirect_dma semaphore(%dma_wait3A_704 : memref<!tpu.dma_semaphore, #tpu.memory_space<semaphore_mem>>) src(%dma_wait3A_702 : memref<2600000x32xf32, #tpu.memory_space<hbm>>) dst(%dma_wait3A_696 : memref<128x32xf32, #tpu.memory_space<vmem>>)
      %mul3A_705 = arith.constant 128 : i32
      %mul3A_706 = arith.muli %add3A_690, %mul3A_705 : i32
      %add3A_707 = arith.addi %mul3A_2, %mul3A_706 : i32
      %dma_start3A_708 = arith.constant 2 : i32
      %dma_start3A_709 = arith.constant 2 : i32
      %dma_start3A_710 = arith.constant 0 : i32
      %dma_start3A_711 = arith.constant 0 : i32
      %dma_start3A_712 = tpu.memref_slice %arg7[%dma_start3A_708, %dma_start3A_710, %dma_start3A_711] : memref<8x128x32xf32, #tpu.memory_space<vmem>> -> memref<1x128x32xf32, #tpu.memory_space<vmem>>
      %dma_start3A_713 = tpu.memref_squeeze %dma_start3A_712 : memref<1x128x32xf32, #tpu.memory_space<vmem>> -> memref<128x32xf32, #tpu.memory_space<vmem>>
      %dma_start3A_714 = arith.constant 0 : i32
      %dma_start3A_715 = tpu.memref_slice %arg4[%add3A_707, %dma_start3A_714] : memref<425984x32xf32, #tpu.memory_space<hbm>> -> memref<128x32xf32, #tpu.memory_space<hbm>>
      %dma_start3A_716 = tpu.memref_slice %arg9[%dma_start3A_709] : memref<8x!tpu.dma_semaphore, #tpu.memory_space<semaphore_mem>> -> memref<1x!tpu.dma_semaphore, #tpu.memory_space<semaphore_mem>>
      %dma_start3A_717 = tpu.memref_squeeze %dma_start3A_716 : memref<1x!tpu.dma_semaphore, #tpu.memory_space<semaphore_mem>> -> memref<!tpu.dma_semaphore, #tpu.memory_space<semaphore_mem>>
      %dma_start3A_718 = arith.constant 0 : i32
      %dma_start3A_719 = tpu.memref_slice %arg4[%add3A_707, %dma_start3A_718] : memref<425984x32xf32, #tpu.memory_space<hbm>> -> memref<128x32xf32, #tpu.memory_space<hbm>>
      %dma_start3A_720 = arith.constant 0 : i32
      %dma_start3A_721 = arith.constant 0 : i32
      %dma_start3A_722 = tpu.memref_slice %arg7[%dma_start3A_708, %dma_start3A_720, %dma_start3A_721] : memref<8x128x32xf32, #tpu.memory_space<vmem>> -> memref<1x128x32xf32, #tpu.memory_space<vmem>>
      %dma_start3A_723 = tpu.memref_squeeze %dma_start3A_722 : memref<1x128x32xf32, #tpu.memory_space<vmem>> -> memref<128x32xf32, #tpu.memory_space<vmem>>
      tpu.enqueue_dma source(%dma_start3A_723 : memref<128x32xf32, #tpu.memory_space<vmem>>) target(%dma_start3A_719 : memref<128x32xf32, #tpu.memory_space<hbm>>) target_semaphore(%dma_start3A_717 : memref<!tpu.dma_semaphore, #tpu.memory_space<semaphore_mem>>)
      %mul3A_724 = arith.constant 128 : i32
      %mul3A_725 = arith.muli %add3A_690, %mul3A_724 : i32
      %add3A_726 = arith.addi %mul3A_2, %mul3A_725 : i32
      %dma_wait3A_727 = arith.constant 2 : i32
      %dma_wait3A_728 = arith.constant 2 : i32
      %dma_wait3A_729 = arith.constant 0 : i32
      %dma_wait3A_730 = arith.constant 0 : i32
      %dma_wait3A_731 = tpu.memref_slice %arg7[%dma_wait3A_727, %dma_wait3A_729, %dma_wait3A_730] : memref<8x128x32xf32, #tpu.memory_space<vmem>> -> memref<1x128x32xf32, #tpu.memory_space<vmem>>
      %dma_wait3A_732 = tpu.memref_squeeze %dma_wait3A_731 : memref<1x128x32xf32, #tpu.memory_space<vmem>> -> memref<128x32xf32, #tpu.memory_space<vmem>>
      %dma_wait3A_733 = arith.constant 0 : i32
      %dma_wait3A_734 = tpu.memref_slice %arg4[%add3A_726, %dma_wait3A_733] : memref<425984x32xf32, #tpu.memory_space<hbm>> -> memref<128x32xf32, #tpu.memory_space<hbm>>
      %dma_wait3A_735 = tpu.memref_slice %arg9[%dma_wait3A_728] : memref<8x!tpu.dma_semaphore, #tpu.memory_space<semaphore_mem>> -> memref<1x!tpu.dma_semaphore, #tpu.memory_space<semaphore_mem>>
      %dma_wait3A_736 = tpu.memref_squeeze %dma_wait3A_735 : memref<1x!tpu.dma_semaphore, #tpu.memory_space<semaphore_mem>> -> memref<!tpu.dma_semaphore, #tpu.memory_space<semaphore_mem>>
      %dma_wait3A_737 = arith.constant 0 : i32
      %dma_wait3A_738 = tpu.memref_slice %arg4[%add3A_726, %dma_wait3A_737] : memref<425984x32xf32, #tpu.memory_space<hbm>> -> memref<128x32xf32, #tpu.memory_space<hbm>>
      %dma_wait3A_739 = arith.constant 0 : i32
      %dma_wait3A_740 = arith.constant 0 : i32
      %dma_wait3A_741 = tpu.memref_slice %arg7[%dma_wait3A_727, %dma_wait3A_739, %dma_wait3A_740] : memref<8x128x32xf32, #tpu.memory_space<vmem>> -> memref<1x128x32xf32, #tpu.memory_space<vmem>>
      %dma_wait3A_742 = tpu.memref_squeeze %dma_wait3A_741 : memref<1x128x32xf32, #tpu.memory_space<vmem>> -> memref<128x32xf32, #tpu.memory_space<vmem>>
      tpu.wait_dma2 semaphore(%dma_wait3A_736 : memref<!tpu.dma_semaphore, #tpu.memory_space<semaphore_mem>>) src(%dma_wait3A_742 : memref<128x32xf32, #tpu.memory_space<vmem>>) dst(%dma_wait3A_738 : memref<128x32xf32, #tpu.memory_space<hbm>>)
      %add3A_743 = arith.constant 8 : i32
      %add3A_744 = arith.addi %add3A_690, %add3A_743 : i32
      %dma_start3A_745 = arith.constant 2 : i32
      %dma_start3A_746 = arith.constant 2 : i32
      %dma_start3A_747 = arith.constant 0 : i32
      %dma_start3A_748 = arith.constant 0 : i32
      %dma_start3A_749 = tpu.memref_slice %arg7[%dma_start3A_745, %dma_start3A_747, %dma_start3A_748] : memref<8x128x32xf32, #tpu.memory_space<vmem>> -> memref<1x128x32xf32, #tpu.memory_space<vmem>>
      %dma_start3A_750 = tpu.memref_squeeze %dma_start3A_749 : memref<1x128x32xf32, #tpu.memory_space<vmem>> -> memref<128x32xf32, #tpu.memory_space<vmem>>
      %dma_start3A_751 = arith.constant 0 : i32
      %dma_start3A_752 = tpu.memref_slice %arg6[%add3A_744, %dma_start3A_751] : memref<104x128xi32, #tpu.memory_space<vmem>> -> memref<1x128xi32, #tpu.memory_space<vmem>>
      %dma_start3A_753 = tpu.memref_squeeze %dma_start3A_752 : memref<1x128xi32, #tpu.memory_space<vmem>> -> memref<128xi32, #tpu.memory_space<vmem>>
      %dma_start3A_754 = arith.constant 0 : i32
      %dma_start3A_755 = arith.constant 0 : i32
      %dma_start3A_756 = tpu.memref_slice %arg3[%dma_start3A_754, %dma_start3A_755] : memref<2600000x32xf32, #tpu.memory_space<hbm>> -> memref<2600000x32xf32, #tpu.memory_space<hbm>>
      %dma_start3A_757 = tpu.memref_slice %arg8[%dma_start3A_746] : memref<8x!tpu.dma_semaphore, #tpu.memory_space<semaphore_mem>> -> memref<1x!tpu.dma_semaphore, #tpu.memory_space<semaphore_mem>>
      %dma_start3A_758 = tpu.memref_squeeze %dma_start3A_757 : memref<1x!tpu.dma_semaphore, #tpu.memory_space<semaphore_mem>> -> memref<!tpu.dma_semaphore, #tpu.memory_space<semaphore_mem>>
      tpu.enqueue_indirect_dma source(%dma_start3A_756 : memref<2600000x32xf32, #tpu.memory_space<hbm>>) target(%dma_start3A_750 : memref<128x32xf32, #tpu.memory_space<vmem>>) offsets(%dma_start3A_753 : memref<128xi32, #tpu.memory_space<vmem>>) semaphore(%dma_start3A_758 : memref<!tpu.dma_semaphore, #tpu.memory_space<semaphore_mem>>)
      %mul3A_759 = arith.constant 8 : i32
      %mul3A_760 = arith.muli %scan3A_542, %mul3A_759 : i32
      %add3A_761 = arith.constant 3 : i32
      %add3A_762 = arith.addi %mul3A_760, %add3A_761 : i32
      %dma_wait3A_763 = arith.constant 3 : i32
      %dma_wait3A_764 = arith.constant 3 : i32
      %dma_wait3A_765 = arith.constant 0 : i32
      %dma_wait3A_766 = arith.constant 0 : i32
      %dma_wait3A_767 = tpu.memref_slice %arg7[%dma_wait3A_763, %dma_wait3A_765, %dma_wait3A_766] : memref<8x128x32xf32, #tpu.memory_space<vmem>> -> memref<1x128x32xf32, #tpu.memory_space<vmem>>
      %dma_wait3A_768 = tpu.memref_squeeze %dma_wait3A_767 : memref<1x128x32xf32, #tpu.memory_space<vmem>> -> memref<128x32xf32, #tpu.memory_space<vmem>>
      %dma_wait3A_769 = arith.constant 0 : i32
      %dma_wait3A_770 = tpu.memref_slice %arg6[%add3A_762, %dma_wait3A_769] : memref<104x128xi32, #tpu.memory_space<vmem>> -> memref<1x128xi32, #tpu.memory_space<vmem>>
      %dma_wait3A_771 = tpu.memref_squeeze %dma_wait3A_770 : memref<1x128xi32, #tpu.memory_space<vmem>> -> memref<128xi32, #tpu.memory_space<vmem>>
      %dma_wait3A_772 = arith.constant 0 : i32
      %dma_wait3A_773 = arith.constant 0 : i32
      %dma_wait3A_774 = tpu.memref_slice %arg3[%dma_wait3A_772, %dma_wait3A_773] : memref<2600000x32xf32, #tpu.memory_space<hbm>> -> memref<2600000x32xf32, #tpu.memory_space<hbm>>
      %dma_wait3A_775 = tpu.memref_slice %arg8[%dma_wait3A_764] : memref<8x!tpu.dma_semaphore, #tpu.memory_space<semaphore_mem>> -> memref<1x!tpu.dma_semaphore, #tpu.memory_space<semaphore_mem>>
      %dma_wait3A_776 = tpu.memref_squeeze %dma_wait3A_775 : memref<1x!tpu.dma_semaphore, #tpu.memory_space<semaphore_mem>> -> memref<!tpu.dma_semaphore, #tpu.memory_space<semaphore_mem>>
      tpu.wait_indirect_dma semaphore(%dma_wait3A_776 : memref<!tpu.dma_semaphore, #tpu.memory_space<semaphore_mem>>) src(%dma_wait3A_774 : memref<2600000x32xf32, #tpu.memory_space<hbm>>) dst(%dma_wait3A_768 : memref<128x32xf32, #tpu.memory_space<vmem>>)
      %mul3A_777 = arith.constant 128 : i32
      %mul3A_778 = arith.muli %add3A_762, %mul3A_777 : i32
      %add3A_779 = arith.addi %mul3A_2, %mul3A_778 : i32
      %dma_start3A_780 = arith.constant 3 : i32
      %dma_start3A_781 = arith.constant 3 : i32
      %dma_start3A_782 = arith.constant 0 : i32
      %dma_start3A_783 = arith.constant 0 : i32
      %dma_start3A_784 = tpu.memref_slice %arg7[%dma_start3A_780, %dma_start3A_782, %dma_start3A_783] : memref<8x128x32xf32, #tpu.memory_space<vmem>> -> memref<1x128x32xf32, #tpu.memory_space<vmem>>
      %dma_start3A_785 = tpu.memref_squeeze %dma_start3A_784 : memref<1x128x32xf32, #tpu.memory_space<vmem>> -> memref<128x32xf32, #tpu.memory_space<vmem>>
      %dma_start3A_786 = arith.constant 0 : i32
      %dma_start3A_787 = tpu.memref_slice %arg4[%add3A_779, %dma_start3A_786] : memref<425984x32xf32, #tpu.memory_space<hbm>> -> memref<128x32xf32, #tpu.memory_space<hbm>>
      %dma_start3A_788 = tpu.memref_slice %arg9[%dma_start3A_781] : memref<8x!tpu.dma_semaphore, #tpu.memory_space<semaphore_mem>> -> memref<1x!tpu.dma_semaphore, #tpu.memory_space<semaphore_mem>>
      %dma_start3A_789 = tpu.memref_squeeze %dma_start3A_788 : memref<1x!tpu.dma_semaphore, #tpu.memory_space<semaphore_mem>> -> memref<!tpu.dma_semaphore, #tpu.memory_space<semaphore_mem>>
      %dma_start3A_790 = arith.constant 0 : i32
      %dma_start3A_791 = tpu.memref_slice %arg4[%add3A_779, %dma_start3A_790] : memref<425984x32xf32, #tpu.memory_space<hbm>> -> memref<128x32xf32, #tpu.memory_space<hbm>>
      %dma_start3A_792 = arith.constant 0 : i32
      %dma_start3A_793 = arith.constant 0 : i32
      %dma_start3A_794 = tpu.memref_slice %arg7[%dma_start3A_780, %dma_start3A_792, %dma_start3A_793] : memref<8x128x32xf32, #tpu.memory_space<vmem>> -> memref<1x128x32xf32, #tpu.memory_space<vmem>>
      %dma_start3A_795 = tpu.memref_squeeze %dma_start3A_794 : memref<1x128x32xf32, #tpu.memory_space<vmem>> -> memref<128x32xf32, #tpu.memory_space<vmem>>
      tpu.enqueue_dma source(%dma_start3A_795 : memref<128x32xf32, #tpu.memory_space<vmem>>) target(%dma_start3A_791 : memref<128x32xf32, #tpu.memory_space<hbm>>) target_semaphore(%dma_start3A_789 : memref<!tpu.dma_semaphore, #tpu.memory_space<semaphore_mem>>)
      %mul3A_796 = arith.constant 128 : i32
      %mul3A_797 = arith.muli %add3A_762, %mul3A_796 : i32
      %add3A_798 = arith.addi %mul3A_2, %mul3A_797 : i32
      %dma_wait3A_799 = arith.constant 3 : i32
      %dma_wait3A_800 = arith.constant 3 : i32
      %dma_wait3A_801 = arith.constant 0 : i32
      %dma_wait3A_802 = arith.constant 0 : i32
      %dma_wait3A_803 = tpu.memref_slice %arg7[%dma_wait3A_799, %dma_wait3A_801, %dma_wait3A_802] : memref<8x128x32xf32, #tpu.memory_space<vmem>> -> memref<1x128x32xf32, #tpu.memory_space<vmem>>
      %dma_wait3A_804 = tpu.memref_squeeze %dma_wait3A_803 : memref<1x128x32xf32, #tpu.memory_space<vmem>> -> memref<128x32xf32, #tpu.memory_space<vmem>>
      %dma_wait3A_805 = arith.constant 0 : i32
      %dma_wait3A_806 = tpu.memref_slice %arg4[%add3A_798, %dma_wait3A_805] : memref<425984x32xf32, #tpu.memory_space<hbm>> -> memref<128x32xf32, #tpu.memory_space<hbm>>
      %dma_wait3A_807 = tpu.memref_slice %arg9[%dma_wait3A_800] : memref<8x!tpu.dma_semaphore, #tpu.memory_space<semaphore_mem>> -> memref<1x!tpu.dma_semaphore, #tpu.memory_space<semaphore_mem>>
      %dma_wait3A_808 = tpu.memref_squeeze %dma_wait3A_807 : memref<1x!tpu.dma_semaphore, #tpu.memory_space<semaphore_mem>> -> memref<!tpu.dma_semaphore, #tpu.memory_space<semaphore_mem>>
      %dma_wait3A_809 = arith.constant 0 : i32
      %dma_wait3A_810 = tpu.memref_slice %arg4[%add3A_798, %dma_wait3A_809] : memref<425984x32xf32, #tpu.memory_space<hbm>> -> memref<128x32xf32, #tpu.memory_space<hbm>>
      %dma_wait3A_811 = arith.constant 0 : i32
      %dma_wait3A_812 = arith.constant 0 : i32
      %dma_wait3A_813 = tpu.memref_slice %arg7[%dma_wait3A_799, %dma_wait3A_811, %dma_wait3A_812] : memref<8x128x32xf32, #tpu.memory_space<vmem>> -> memref<1x128x32xf32, #tpu.memory_space<vmem>>
      %dma_wait3A_814 = tpu.memref_squeeze %dma_wait3A_813 : memref<1x128x32xf32, #tpu.memory_space<vmem>> -> memref<128x32xf32, #tpu.memory_space<vmem>>
      tpu.wait_dma2 semaphore(%dma_wait3A_808 : memref<!tpu.dma_semaphore, #tpu.memory_space<semaphore_mem>>) src(%dma_wait3A_814 : memref<128x32xf32, #tpu.memory_space<vmem>>) dst(%dma_wait3A_810 : memref<128x32xf32, #tpu.memory_space<hbm>>)
      %add3A_815 = arith.constant 8 : i32
      %add3A_816 = arith.addi %add3A_762, %add3A_815 : i32
      %dma_start3A_817 = arith.constant 3 : i32
      %dma_start3A_818 = arith.constant 3 : i32
      %dma_start3A_819 = arith.constant 0 : i32
      %dma_start3A_820 = arith.constant 0 : i32
      %dma_start3A_821 = tpu.memref_slice %arg7[%dma_start3A_817, %dma_start3A_819, %dma_start3A_820] : memref<8x128x32xf32, #tpu.memory_space<vmem>> -> memref<1x128x32xf32, #tpu.memory_space<vmem>>
      %dma_start3A_822 = tpu.memref_squeeze %dma_start3A_821 : memref<1x128x32xf32, #tpu.memory_space<vmem>> -> memref<128x32xf32, #tpu.memory_space<vmem>>
      %dma_start3A_823 = arith.constant 0 : i32
      %dma_start3A_824 = tpu.memref_slice %arg6[%add3A_816, %dma_start3A_823] : memref<104x128xi32, #tpu.memory_space<vmem>> -> memref<1x128xi32, #tpu.memory_space<vmem>>
      %dma_start3A_825 = tpu.memref_squeeze %dma_start3A_824 : memref<1x128xi32, #tpu.memory_space<vmem>> -> memref<128xi32, #tpu.memory_space<vmem>>
      %dma_start3A_826 = arith.constant 0 : i32
      %dma_start3A_827 = arith.constant 0 : i32
      %dma_start3A_828 = tpu.memref_slice %arg3[%dma_start3A_826, %dma_start3A_827] : memref<2600000x32xf32, #tpu.memory_space<hbm>> -> memref<2600000x32xf32, #tpu.memory_space<hbm>>
      %dma_start3A_829 = tpu.memref_slice %arg8[%dma_start3A_818] : memref<8x!tpu.dma_semaphore, #tpu.memory_space<semaphore_mem>> -> memref<1x!tpu.dma_semaphore, #tpu.memory_space<semaphore_mem>>
      %dma_start3A_830 = tpu.memref_squeeze %dma_start3A_829 : memref<1x!tpu.dma_semaphore, #tpu.memory_space<semaphore_mem>> -> memref<!tpu.dma_semaphore, #tpu.memory_space<semaphore_mem>>
      tpu.enqueue_indirect_dma source(%dma_start3A_828 : memref<2600000x32xf32, #tpu.memory_space<hbm>>) target(%dma_start3A_822 : memref<128x32xf32, #tpu.memory_space<vmem>>) offsets(%dma_start3A_825 : memref<128xi32, #tpu.memory_space<vmem>>) semaphore(%dma_start3A_830 : memref<!tpu.dma_semaphore, #tpu.memory_space<semaphore_mem>>)
      %mul3A_831 = arith.constant 8 : i32
      %mul3A_832 = arith.muli %scan3A_542, %mul3A_831 : i32
      %add3A_833 = arith.constant 4 : i32
      %add3A_834 = arith.addi %mul3A_832, %add3A_833 : i32
      %dma_wait3A_835 = arith.constant 4 : i32
      %dma_wait3A_836 = arith.constant 4 : i32
      %dma_wait3A_837 = arith.constant 0 : i32
      %dma_wait3A_838 = arith.constant 0 : i32
      %dma_wait3A_839 = tpu.memref_slice %arg7[%dma_wait3A_835, %dma_wait3A_837, %dma_wait3A_838] : memref<8x128x32xf32, #tpu.memory_space<vmem>> -> memref<1x128x32xf32, #tpu.memory_space<vmem>>
      %dma_wait3A_840 = tpu.memref_squeeze %dma_wait3A_839 : memref<1x128x32xf32, #tpu.memory_space<vmem>> -> memref<128x32xf32, #tpu.memory_space<vmem>>
      %dma_wait3A_841 = arith.constant 0 : i32
      %dma_wait3A_842 = tpu.memref_slice %arg6[%add3A_834, %dma_wait3A_841] : memref<104x128xi32, #tpu.memory_space<vmem>> -> memref<1x128xi32, #tpu.memory_space<vmem>>
      %dma_wait3A_843 = tpu.memref_squeeze %dma_wait3A_842 : memref<1x128xi32, #tpu.memory_space<vmem>> -> memref<128xi32, #tpu.memory_space<vmem>>
      %dma_wait3A_844 = arith.constant 0 : i32
      %dma_wait3A_845 = arith.constant 0 : i32
      %dma_wait3A_846 = tpu.memref_slice %arg3[%dma_wait3A_844, %dma_wait3A_845] : memref<2600000x32xf32, #tpu.memory_space<hbm>> -> memref<2600000x32xf32, #tpu.memory_space<hbm>>
      %dma_wait3A_847 = tpu.memref_slice %arg8[%dma_wait3A_836] : memref<8x!tpu.dma_semaphore, #tpu.memory_space<semaphore_mem>> -> memref<1x!tpu.dma_semaphore, #tpu.memory_space<semaphore_mem>>
      %dma_wait3A_848 = tpu.memref_squeeze %dma_wait3A_847 : memref<1x!tpu.dma_semaphore, #tpu.memory_space<semaphore_mem>> -> memref<!tpu.dma_semaphore, #tpu.memory_space<semaphore_mem>>
      tpu.wait_indirect_dma semaphore(%dma_wait3A_848 : memref<!tpu.dma_semaphore, #tpu.memory_space<semaphore_mem>>) src(%dma_wait3A_846 : memref<2600000x32xf32, #tpu.memory_space<hbm>>) dst(%dma_wait3A_840 : memref<128x32xf32, #tpu.memory_space<vmem>>)
      %mul3A_849 = arith.constant 128 : i32
      %mul3A_850 = arith.muli %add3A_834, %mul3A_849 : i32
      %add3A_851 = arith.addi %mul3A_2, %mul3A_850 : i32
      %dma_start3A_852 = arith.constant 4 : i32
      %dma_start3A_853 = arith.constant 4 : i32
      %dma_start3A_854 = arith.constant 0 : i32
      %dma_start3A_855 = arith.constant 0 : i32
      %dma_start3A_856 = tpu.memref_slice %arg7[%dma_start3A_852, %dma_start3A_854, %dma_start3A_855] : memref<8x128x32xf32, #tpu.memory_space<vmem>> -> memref<1x128x32xf32, #tpu.memory_space<vmem>>
      %dma_start3A_857 = tpu.memref_squeeze %dma_start3A_856 : memref<1x128x32xf32, #tpu.memory_space<vmem>> -> memref<128x32xf32, #tpu.memory_space<vmem>>
      %dma_start3A_858 = arith.constant 0 : i32
      %dma_start3A_859 = tpu.memref_slice %arg4[%add3A_851, %dma_start3A_858] : memref<425984x32xf32, #tpu.memory_space<hbm>> -> memref<128x32xf32, #tpu.memory_space<hbm>>
      %dma_start3A_860 = tpu.memref_slice %arg9[%dma_start3A_853] : memref<8x!tpu.dma_semaphore, #tpu.memory_space<semaphore_mem>> -> memref<1x!tpu.dma_semaphore, #tpu.memory_space<semaphore_mem>>
      %dma_start3A_861 = tpu.memref_squeeze %dma_start3A_860 : memref<1x!tpu.dma_semaphore, #tpu.memory_space<semaphore_mem>> -> memref<!tpu.dma_semaphore, #tpu.memory_space<semaphore_mem>>
      %dma_start3A_862 = arith.constant 0 : i32
      %dma_start3A_863 = tpu.memref_slice %arg4[%add3A_851, %dma_start3A_862] : memref<425984x32xf32, #tpu.memory_space<hbm>> -> memref<128x32xf32, #tpu.memory_space<hbm>>
      %dma_start3A_864 = arith.constant 0 : i32
      %dma_start3A_865 = arith.constant 0 : i32
      %dma_start3A_866 = tpu.memref_slice %arg7[%dma_start3A_852, %dma_start3A_864, %dma_start3A_865] : memref<8x128x32xf32, #tpu.memory_space<vmem>> -> memref<1x128x32xf32, #tpu.memory_space<vmem>>
      %dma_start3A_867 = tpu.memref_squeeze %dma_start3A_866 : memref<1x128x32xf32, #tpu.memory_space<vmem>> -> memref<128x32xf32, #tpu.memory_space<vmem>>
      tpu.enqueue_dma source(%dma_start3A_867 : memref<128x32xf32, #tpu.memory_space<vmem>>) target(%dma_start3A_863 : memref<128x32xf32, #tpu.memory_space<hbm>>) target_semaphore(%dma_start3A_861 : memref<!tpu.dma_semaphore, #tpu.memory_space<semaphore_mem>>)
      %mul3A_868 = arith.constant 128 : i32
      %mul3A_869 = arith.muli %add3A_834, %mul3A_868 : i32
      %add3A_870 = arith.addi %mul3A_2, %mul3A_869 : i32
      %dma_wait3A_871 = arith.constant 4 : i32
      %dma_wait3A_872 = arith.constant 4 : i32
      %dma_wait3A_873 = arith.constant 0 : i32
      %dma_wait3A_874 = arith.constant 0 : i32
      %dma_wait3A_875 = tpu.memref_slice %arg7[%dma_wait3A_871, %dma_wait3A_873, %dma_wait3A_874] : memref<8x128x32xf32, #tpu.memory_space<vmem>> -> memref<1x128x32xf32, #tpu.memory_space<vmem>>
      %dma_wait3A_876 = tpu.memref_squeeze %dma_wait3A_875 : memref<1x128x32xf32, #tpu.memory_space<vmem>> -> memref<128x32xf32, #tpu.memory_space<vmem>>
      %dma_wait3A_877 = arith.constant 0 : i32
      %dma_wait3A_878 = tpu.memref_slice %arg4[%add3A_870, %dma_wait3A_877] : memref<425984x32xf32, #tpu.memory_space<hbm>> -> memref<128x32xf32, #tpu.memory_space<hbm>>
      %dma_wait3A_879 = tpu.memref_slice %arg9[%dma_wait3A_872] : memref<8x!tpu.dma_semaphore, #tpu.memory_space<semaphore_mem>> -> memref<1x!tpu.dma_semaphore, #tpu.memory_space<semaphore_mem>>
      %dma_wait3A_880 = tpu.memref_squeeze %dma_wait3A_879 : memref<1x!tpu.dma_semaphore, #tpu.memory_space<semaphore_mem>> -> memref<!tpu.dma_semaphore, #tpu.memory_space<semaphore_mem>>
      %dma_wait3A_881 = arith.constant 0 : i32
      %dma_wait3A_882 = tpu.memref_slice %arg4[%add3A_870, %dma_wait3A_881] : memref<425984x32xf32, #tpu.memory_space<hbm>> -> memref<128x32xf32, #tpu.memory_space<hbm>>
      %dma_wait3A_883 = arith.constant 0 : i32
      %dma_wait3A_884 = arith.constant 0 : i32
      %dma_wait3A_885 = tpu.memref_slice %arg7[%dma_wait3A_871, %dma_wait3A_883, %dma_wait3A_884] : memref<8x128x32xf32, #tpu.memory_space<vmem>> -> memref<1x128x32xf32, #tpu.memory_space<vmem>>
      %dma_wait3A_886 = tpu.memref_squeeze %dma_wait3A_885 : memref<1x128x32xf32, #tpu.memory_space<vmem>> -> memref<128x32xf32, #tpu.memory_space<vmem>>
      tpu.wait_dma2 semaphore(%dma_wait3A_880 : memref<!tpu.dma_semaphore, #tpu.memory_space<semaphore_mem>>) src(%dma_wait3A_886 : memref<128x32xf32, #tpu.memory_space<vmem>>) dst(%dma_wait3A_882 : memref<128x32xf32, #tpu.memory_space<hbm>>)
      %add3A_887 = arith.constant 8 : i32
      %add3A_888 = arith.addi %add3A_834, %add3A_887 : i32
      %dma_start3A_889 = arith.constant 4 : i32
      %dma_start3A_890 = arith.constant 4 : i32
      %dma_start3A_891 = arith.constant 0 : i32
      %dma_start3A_892 = arith.constant 0 : i32
      %dma_start3A_893 = tpu.memref_slice %arg7[%dma_start3A_889, %dma_start3A_891, %dma_start3A_892] : memref<8x128x32xf32, #tpu.memory_space<vmem>> -> memref<1x128x32xf32, #tpu.memory_space<vmem>>
      %dma_start3A_894 = tpu.memref_squeeze %dma_start3A_893 : memref<1x128x32xf32, #tpu.memory_space<vmem>> -> memref<128x32xf32, #tpu.memory_space<vmem>>
      %dma_start3A_895 = arith.constant 0 : i32
      %dma_start3A_896 = tpu.memref_slice %arg6[%add3A_888, %dma_start3A_895] : memref<104x128xi32, #tpu.memory_space<vmem>> -> memref<1x128xi32, #tpu.memory_space<vmem>>
      %dma_start3A_897 = tpu.memref_squeeze %dma_start3A_896 : memref<1x128xi32, #tpu.memory_space<vmem>> -> memref<128xi32, #tpu.memory_space<vmem>>
      %dma_start3A_898 = arith.constant 0 : i32
      %dma_start3A_899 = arith.constant 0 : i32
      %dma_start3A_900 = tpu.memref_slice %arg3[%dma_start3A_898, %dma_start3A_899] : memref<2600000x32xf32, #tpu.memory_space<hbm>> -> memref<2600000x32xf32, #tpu.memory_space<hbm>>
      %dma_start3A_901 = tpu.memref_slice %arg8[%dma_start3A_890] : memref<8x!tpu.dma_semaphore, #tpu.memory_space<semaphore_mem>> -> memref<1x!tpu.dma_semaphore, #tpu.memory_space<semaphore_mem>>
      %dma_start3A_902 = tpu.memref_squeeze %dma_start3A_901 : memref<1x!tpu.dma_semaphore, #tpu.memory_space<semaphore_mem>> -> memref<!tpu.dma_semaphore, #tpu.memory_space<semaphore_mem>>
      tpu.enqueue_indirect_dma source(%dma_start3A_900 : memref<2600000x32xf32, #tpu.memory_space<hbm>>) target(%dma_start3A_894 : memref<128x32xf32, #tpu.memory_space<vmem>>) offsets(%dma_start3A_897 : memref<128xi32, #tpu.memory_space<vmem>>) semaphore(%dma_start3A_902 : memref<!tpu.dma_semaphore, #tpu.memory_space<semaphore_mem>>)
      %mul3A_903 = arith.constant 8 : i32
      %mul3A_904 = arith.muli %scan3A_542, %mul3A_903 : i32
      %add3A_905 = arith.constant 5 : i32
      %add3A_906 = arith.addi %mul3A_904, %add3A_905 : i32
      %dma_wait3A_907 = arith.constant 5 : i32
      %dma_wait3A_908 = arith.constant 5 : i32
      %dma_wait3A_909 = arith.constant 0 : i32
      %dma_wait3A_910 = arith.constant 0 : i32
      %dma_wait3A_911 = tpu.memref_slice %arg7[%dma_wait3A_907, %dma_wait3A_909, %dma_wait3A_910] : memref<8x128x32xf32, #tpu.memory_space<vmem>> -> memref<1x128x32xf32, #tpu.memory_space<vmem>>
      %dma_wait3A_912 = tpu.memref_squeeze %dma_wait3A_911 : memref<1x128x32xf32, #tpu.memory_space<vmem>> -> memref<128x32xf32, #tpu.memory_space<vmem>>
      %dma_wait3A_913 = arith.constant 0 : i32
      %dma_wait3A_914 = tpu.memref_slice %arg6[%add3A_906, %dma_wait3A_913] : memref<104x128xi32, #tpu.memory_space<vmem>> -> memref<1x128xi32, #tpu.memory_space<vmem>>
      %dma_wait3A_915 = tpu.memref_squeeze %dma_wait3A_914 : memref<1x128xi32, #tpu.memory_space<vmem>> -> memref<128xi32, #tpu.memory_space<vmem>>
      %dma_wait3A_916 = arith.constant 0 : i32
      %dma_wait3A_917 = arith.constant 0 : i32
      %dma_wait3A_918 = tpu.memref_slice %arg3[%dma_wait3A_916, %dma_wait3A_917] : memref<2600000x32xf32, #tpu.memory_space<hbm>> -> memref<2600000x32xf32, #tpu.memory_space<hbm>>
      %dma_wait3A_919 = tpu.memref_slice %arg8[%dma_wait3A_908] : memref<8x!tpu.dma_semaphore, #tpu.memory_space<semaphore_mem>> -> memref<1x!tpu.dma_semaphore, #tpu.memory_space<semaphore_mem>>
      %dma_wait3A_920 = tpu.memref_squeeze %dma_wait3A_919 : memref<1x!tpu.dma_semaphore, #tpu.memory_space<semaphore_mem>> -> memref<!tpu.dma_semaphore, #tpu.memory_space<semaphore_mem>>
      tpu.wait_indirect_dma semaphore(%dma_wait3A_920 : memref<!tpu.dma_semaphore, #tpu.memory_space<semaphore_mem>>) src(%dma_wait3A_918 : memref<2600000x32xf32, #tpu.memory_space<hbm>>) dst(%dma_wait3A_912 : memref<128x32xf32, #tpu.memory_space<vmem>>)
      %mul3A_921 = arith.constant 128 : i32
      %mul3A_922 = arith.muli %add3A_906, %mul3A_921 : i32
      %add3A_923 = arith.addi %mul3A_2, %mul3A_922 : i32
      %dma_start3A_924 = arith.constant 5 : i32
      %dma_start3A_925 = arith.constant 5 : i32
      %dma_start3A_926 = arith.constant 0 : i32
      %dma_start3A_927 = arith.constant 0 : i32
      %dma_start3A_928 = tpu.memref_slice %arg7[%dma_start3A_924, %dma_start3A_926, %dma_start3A_927] : memref<8x128x32xf32, #tpu.memory_space<vmem>> -> memref<1x128x32xf32, #tpu.memory_space<vmem>>
      %dma_start3A_929 = tpu.memref_squeeze %dma_start3A_928 : memref<1x128x32xf32, #tpu.memory_space<vmem>> -> memref<128x32xf32, #tpu.memory_space<vmem>>
      %dma_start3A_930 = arith.constant 0 : i32
      %dma_start3A_931 = tpu.memref_slice %arg4[%add3A_923, %dma_start3A_930] : memref<425984x32xf32, #tpu.memory_space<hbm>> -> memref<128x32xf32, #tpu.memory_space<hbm>>
      %dma_start3A_932 = tpu.memref_slice %arg9[%dma_start3A_925] : memref<8x!tpu.dma_semaphore, #tpu.memory_space<semaphore_mem>> -> memref<1x!tpu.dma_semaphore, #tpu.memory_space<semaphore_mem>>
      %dma_start3A_933 = tpu.memref_squeeze %dma_start3A_932 : memref<1x!tpu.dma_semaphore, #tpu.memory_space<semaphore_mem>> -> memref<!tpu.dma_semaphore, #tpu.memory_space<semaphore_mem>>
      %dma_start3A_934 = arith.constant 0 : i32
      %dma_start3A_935 = tpu.memref_slice %arg4[%add3A_923, %dma_start3A_934] : memref<425984x32xf32, #tpu.memory_space<hbm>> -> memref<128x32xf32, #tpu.memory_space<hbm>>
      %dma_start3A_936 = arith.constant 0 : i32
      %dma_start3A_937 = arith.constant 0 : i32
      %dma_start3A_938 = tpu.memref_slice %arg7[%dma_start3A_924, %dma_start3A_936, %dma_start3A_937] : memref<8x128x32xf32, #tpu.memory_space<vmem>> -> memref<1x128x32xf32, #tpu.memory_space<vmem>>
      %dma_start3A_939 = tpu.memref_squeeze %dma_start3A_938 : memref<1x128x32xf32, #tpu.memory_space<vmem>> -> memref<128x32xf32, #tpu.memory_space<vmem>>
      tpu.enqueue_dma source(%dma_start3A_939 : memref<128x32xf32, #tpu.memory_space<vmem>>) target(%dma_start3A_935 : memref<128x32xf32, #tpu.memory_space<hbm>>) target_semaphore(%dma_start3A_933 : memref<!tpu.dma_semaphore, #tpu.memory_space<semaphore_mem>>)
      %mul3A_940 = arith.constant 128 : i32
      %mul3A_941 = arith.muli %add3A_906, %mul3A_940 : i32
      %add3A_942 = arith.addi %mul3A_2, %mul3A_941 : i32
      %dma_wait3A_943 = arith.constant 5 : i32
      %dma_wait3A_944 = arith.constant 5 : i32
      %dma_wait3A_945 = arith.constant 0 : i32
      %dma_wait3A_946 = arith.constant 0 : i32
      %dma_wait3A_947 = tpu.memref_slice %arg7[%dma_wait3A_943, %dma_wait3A_945, %dma_wait3A_946] : memref<8x128x32xf32, #tpu.memory_space<vmem>> -> memref<1x128x32xf32, #tpu.memory_space<vmem>>
      %dma_wait3A_948 = tpu.memref_squeeze %dma_wait3A_947 : memref<1x128x32xf32, #tpu.memory_space<vmem>> -> memref<128x32xf32, #tpu.memory_space<vmem>>
      %dma_wait3A_949 = arith.constant 0 : i32
      %dma_wait3A_950 = tpu.memref_slice %arg4[%add3A_942, %dma_wait3A_949] : memref<425984x32xf32, #tpu.memory_space<hbm>> -> memref<128x32xf32, #tpu.memory_space<hbm>>
      %dma_wait3A_951 = tpu.memref_slice %arg9[%dma_wait3A_944] : memref<8x!tpu.dma_semaphore, #tpu.memory_space<semaphore_mem>> -> memref<1x!tpu.dma_semaphore, #tpu.memory_space<semaphore_mem>>
      %dma_wait3A_952 = tpu.memref_squeeze %dma_wait3A_951 : memref<1x!tpu.dma_semaphore, #tpu.memory_space<semaphore_mem>> -> memref<!tpu.dma_semaphore, #tpu.memory_space<semaphore_mem>>
      %dma_wait3A_953 = arith.constant 0 : i32
      %dma_wait3A_954 = tpu.memref_slice %arg4[%add3A_942, %dma_wait3A_953] : memref<425984x32xf32, #tpu.memory_space<hbm>> -> memref<128x32xf32, #tpu.memory_space<hbm>>
      %dma_wait3A_955 = arith.constant 0 : i32
      %dma_wait3A_956 = arith.constant 0 : i32
      %dma_wait3A_957 = tpu.memref_slice %arg7[%dma_wait3A_943, %dma_wait3A_955, %dma_wait3A_956] : memref<8x128x32xf32, #tpu.memory_space<vmem>> -> memref<1x128x32xf32, #tpu.memory_space<vmem>>
      %dma_wait3A_958 = tpu.memref_squeeze %dma_wait3A_957 : memref<1x128x32xf32, #tpu.memory_space<vmem>> -> memref<128x32xf32, #tpu.memory_space<vmem>>
      tpu.wait_dma2 semaphore(%dma_wait3A_952 : memref<!tpu.dma_semaphore, #tpu.memory_space<semaphore_mem>>) src(%dma_wait3A_958 : memref<128x32xf32, #tpu.memory_space<vmem>>) dst(%dma_wait3A_954 : memref<128x32xf32, #tpu.memory_space<hbm>>)
      %add3A_959 = arith.constant 8 : i32
      %add3A_960 = arith.addi %add3A_906, %add3A_959 : i32
      %dma_start3A_961 = arith.constant 5 : i32
      %dma_start3A_962 = arith.constant 5 : i32
      %dma_start3A_963 = arith.constant 0 : i32
      %dma_start3A_964 = arith.constant 0 : i32
      %dma_start3A_965 = tpu.memref_slice %arg7[%dma_start3A_961, %dma_start3A_963, %dma_start3A_964] : memref<8x128x32xf32, #tpu.memory_space<vmem>> -> memref<1x128x32xf32, #tpu.memory_space<vmem>>
      %dma_start3A_966 = tpu.memref_squeeze %dma_start3A_965 : memref<1x128x32xf32, #tpu.memory_space<vmem>> -> memref<128x32xf32, #tpu.memory_space<vmem>>
      %dma_start3A_967 = arith.constant 0 : i32
      %dma_start3A_968 = tpu.memref_slice %arg6[%add3A_960, %dma_start3A_967] : memref<104x128xi32, #tpu.memory_space<vmem>> -> memref<1x128xi32, #tpu.memory_space<vmem>>
      %dma_start3A_969 = tpu.memref_squeeze %dma_start3A_968 : memref<1x128xi32, #tpu.memory_space<vmem>> -> memref<128xi32, #tpu.memory_space<vmem>>
      %dma_start3A_970 = arith.constant 0 : i32
      %dma_start3A_971 = arith.constant 0 : i32
      %dma_start3A_972 = tpu.memref_slice %arg3[%dma_start3A_970, %dma_start3A_971] : memref<2600000x32xf32, #tpu.memory_space<hbm>> -> memref<2600000x32xf32, #tpu.memory_space<hbm>>
      %dma_start3A_973 = tpu.memref_slice %arg8[%dma_start3A_962] : memref<8x!tpu.dma_semaphore, #tpu.memory_space<semaphore_mem>> -> memref<1x!tpu.dma_semaphore, #tpu.memory_space<semaphore_mem>>
      %dma_start3A_974 = tpu.memref_squeeze %dma_start3A_973 : memref<1x!tpu.dma_semaphore, #tpu.memory_space<semaphore_mem>> -> memref<!tpu.dma_semaphore, #tpu.memory_space<semaphore_mem>>
      tpu.enqueue_indirect_dma source(%dma_start3A_972 : memref<2600000x32xf32, #tpu.memory_space<hbm>>) target(%dma_start3A_966 : memref<128x32xf32, #tpu.memory_space<vmem>>) offsets(%dma_start3A_969 : memref<128xi32, #tpu.memory_space<vmem>>) semaphore(%dma_start3A_974 : memref<!tpu.dma_semaphore, #tpu.memory_space<semaphore_mem>>)
      %mul3A_975 = arith.constant 8 : i32
      %mul3A_976 = arith.muli %scan3A_542, %mul3A_975 : i32
      %add3A_977 = arith.constant 6 : i32
      %add3A_978 = arith.addi %mul3A_976, %add3A_977 : i32
      %dma_wait3A_979 = arith.constant 6 : i32
      %dma_wait3A_980 = arith.constant 6 : i32
      %dma_wait3A_981 = arith.constant 0 : i32
      %dma_wait3A_982 = arith.constant 0 : i32
      %dma_wait3A_983 = tpu.memref_slice %arg7[%dma_wait3A_979, %dma_wait3A_981, %dma_wait3A_982] : memref<8x128x32xf32, #tpu.memory_space<vmem>> -> memref<1x128x32xf32, #tpu.memory_space<vmem>>
      %dma_wait3A_984 = tpu.memref_squeeze %dma_wait3A_983 : memref<1x128x32xf32, #tpu.memory_space<vmem>> -> memref<128x32xf32, #tpu.memory_space<vmem>>
      %dma_wait3A_985 = arith.constant 0 : i32
      %dma_wait3A_986 = tpu.memref_slice %arg6[%add3A_978, %dma_wait3A_985] : memref<104x128xi32, #tpu.memory_space<vmem>> -> memref<1x128xi32, #tpu.memory_space<vmem>>
      %dma_wait3A_987 = tpu.memref_squeeze %dma_wait3A_986 : memref<1x128xi32, #tpu.memory_space<vmem>> -> memref<128xi32, #tpu.memory_space<vmem>>
      %dma_wait3A_988 = arith.constant 0 : i32
      %dma_wait3A_989 = arith.constant 0 : i32
      %dma_wait3A_990 = tpu.memref_slice %arg3[%dma_wait3A_988, %dma_wait3A_989] : memref<2600000x32xf32, #tpu.memory_space<hbm>> -> memref<2600000x32xf32, #tpu.memory_space<hbm>>
      %dma_wait3A_991 = tpu.memref_slice %arg8[%dma_wait3A_980] : memref<8x!tpu.dma_semaphore, #tpu.memory_space<semaphore_mem>> -> memref<1x!tpu.dma_semaphore, #tpu.memory_space<semaphore_mem>>
      %dma_wait3A_992 = tpu.memref_squeeze %dma_wait3A_991 : memref<1x!tpu.dma_semaphore, #tpu.memory_space<semaphore_mem>> -> memref<!tpu.dma_semaphore, #tpu.memory_space<semaphore_mem>>
      tpu.wait_indirect_dma semaphore(%dma_wait3A_992 : memref<!tpu.dma_semaphore, #tpu.memory_space<semaphore_mem>>) src(%dma_wait3A_990 : memref<2600000x32xf32, #tpu.memory_space<hbm>>) dst(%dma_wait3A_984 : memref<128x32xf32, #tpu.memory_space<vmem>>)
      %mul3A_993 = arith.constant 128 : i32
      %mul3A_994 = arith.muli %add3A_978, %mul3A_993 : i32
      %add3A_995 = arith.addi %mul3A_2, %mul3A_994 : i32
      %dma_start3A_996 = arith.constant 6 : i32
      %dma_start3A_997 = arith.constant 6 : i32
      %dma_start3A_998 = arith.constant 0 : i32
      %dma_start3A_999 = arith.constant 0 : i32
      %dma_start3A_1000 = tpu.memref_slice %arg7[%dma_start3A_996, %dma_start3A_998, %dma_start3A_999] : memref<8x128x32xf32, #tpu.memory_space<vmem>> -> memref<1x128x32xf32, #tpu.memory_space<vmem>>
      %dma_start3A_1001 = tpu.memref_squeeze %dma_start3A_1000 : memref<1x128x32xf32, #tpu.memory_space<vmem>> -> memref<128x32xf32, #tpu.memory_space<vmem>>
      %dma_start3A_1002 = arith.constant 0 : i32
      %dma_start3A_1003 = tpu.memref_slice %arg4[%add3A_995, %dma_start3A_1002] : memref<425984x32xf32, #tpu.memory_space<hbm>> -> memref<128x32xf32, #tpu.memory_space<hbm>>
      %dma_start3A_1004 = tpu.memref_slice %arg9[%dma_start3A_997] : memref<8x!tpu.dma_semaphore, #tpu.memory_space<semaphore_mem>> -> memref<1x!tpu.dma_semaphore, #tpu.memory_space<semaphore_mem>>
      %dma_start3A_1005 = tpu.memref_squeeze %dma_start3A_1004 : memref<1x!tpu.dma_semaphore, #tpu.memory_space<semaphore_mem>> -> memref<!tpu.dma_semaphore, #tpu.memory_space<semaphore_mem>>
      %dma_start3A_1006 = arith.constant 0 : i32
      %dma_start3A_1007 = tpu.memref_slice %arg4[%add3A_995, %dma_start3A_1006] : memref<425984x32xf32, #tpu.memory_space<hbm>> -> memref<128x32xf32, #tpu.memory_space<hbm>>
      %dma_start3A_1008 = arith.constant 0 : i32
      %dma_start3A_1009 = arith.constant 0 : i32
      %dma_start3A_1010 = tpu.memref_slice %arg7[%dma_start3A_996, %dma_start3A_1008, %dma_start3A_1009] : memref<8x128x32xf32, #tpu.memory_space<vmem>> -> memref<1x128x32xf32, #tpu.memory_space<vmem>>
      %dma_start3A_1011 = tpu.memref_squeeze %dma_start3A_1010 : memref<1x128x32xf32, #tpu.memory_space<vmem>> -> memref<128x32xf32, #tpu.memory_space<vmem>>
      tpu.enqueue_dma source(%dma_start3A_1011 : memref<128x32xf32, #tpu.memory_space<vmem>>) target(%dma_start3A_1007 : memref<128x32xf32, #tpu.memory_space<hbm>>) target_semaphore(%dma_start3A_1005 : memref<!tpu.dma_semaphore, #tpu.memory_space<semaphore_mem>>)
      %mul3A_1012 = arith.constant 128 : i32
      %mul3A_1013 = arith.muli %add3A_978, %mul3A_1012 : i32
      %add3A_1014 = arith.addi %mul3A_2, %mul3A_1013 : i32
      %dma_wait3A_1015 = arith.constant 6 : i32
      %dma_wait3A_1016 = arith.constant 6 : i32
      %dma_wait3A_1017 = arith.constant 0 : i32
      %dma_wait3A_1018 = arith.constant 0 : i32
      %dma_wait3A_1019 = tpu.memref_slice %arg7[%dma_wait3A_1015, %dma_wait3A_1017, %dma_wait3A_1018] : memref<8x128x32xf32, #tpu.memory_space<vmem>> -> memref<1x128x32xf32, #tpu.memory_space<vmem>>
      %dma_wait3A_1020 = tpu.memref_squeeze %dma_wait3A_1019 : memref<1x128x32xf32, #tpu.memory_space<vmem>> -> memref<128x32xf32, #tpu.memory_space<vmem>>
      %dma_wait3A_1021 = arith.constant 0 : i32
      %dma_wait3A_1022 = tpu.memref_slice %arg4[%add3A_1014, %dma_wait3A_1021] : memref<425984x32xf32, #tpu.memory_space<hbm>> -> memref<128x32xf32, #tpu.memory_space<hbm>>
      %dma_wait3A_1023 = tpu.memref_slice %arg9[%dma_wait3A_1016] : memref<8x!tpu.dma_semaphore, #tpu.memory_space<semaphore_mem>> -> memref<1x!tpu.dma_semaphore, #tpu.memory_space<semaphore_mem>>
      %dma_wait3A_1024 = tpu.memref_squeeze %dma_wait3A_1023 : memref<1x!tpu.dma_semaphore, #tpu.memory_space<semaphore_mem>> -> memref<!tpu.dma_semaphore, #tpu.memory_space<semaphore_mem>>
      %dma_wait3A_1025 = arith.constant 0 : i32
      %dma_wait3A_1026 = tpu.memref_slice %arg4[%add3A_1014, %dma_wait3A_1025] : memref<425984x32xf32, #tpu.memory_space<hbm>> -> memref<128x32xf32, #tpu.memory_space<hbm>>
      %dma_wait3A_1027 = arith.constant 0 : i32
      %dma_wait3A_1028 = arith.constant 0 : i32
      %dma_wait3A_1029 = tpu.memref_slice %arg7[%dma_wait3A_1015, %dma_wait3A_1027, %dma_wait3A_1028] : memref<8x128x32xf32, #tpu.memory_space<vmem>> -> memref<1x128x32xf32, #tpu.memory_space<vmem>>
      %dma_wait3A_1030 = tpu.memref_squeeze %dma_wait3A_1029 : memref<1x128x32xf32, #tpu.memory_space<vmem>> -> memref<128x32xf32, #tpu.memory_space<vmem>>
      tpu.wait_dma2 semaphore(%dma_wait3A_1024 : memref<!tpu.dma_semaphore, #tpu.memory_space<semaphore_mem>>) src(%dma_wait3A_1030 : memref<128x32xf32, #tpu.memory_space<vmem>>) dst(%dma_wait3A_1026 : memref<128x32xf32, #tpu.memory_space<hbm>>)
      %add3A_1031 = arith.constant 8 : i32
      %add3A_1032 = arith.addi %add3A_978, %add3A_1031 : i32
      %dma_start3A_1033 = arith.constant 6 : i32
      %dma_start3A_1034 = arith.constant 6 : i32
      %dma_start3A_1035 = arith.constant 0 : i32
      %dma_start3A_1036 = arith.constant 0 : i32
      %dma_start3A_1037 = tpu.memref_slice %arg7[%dma_start3A_1033, %dma_start3A_1035, %dma_start3A_1036] : memref<8x128x32xf32, #tpu.memory_space<vmem>> -> memref<1x128x32xf32, #tpu.memory_space<vmem>>
      %dma_start3A_1038 = tpu.memref_squeeze %dma_start3A_1037 : memref<1x128x32xf32, #tpu.memory_space<vmem>> -> memref<128x32xf32, #tpu.memory_space<vmem>>
      %dma_start3A_1039 = arith.constant 0 : i32
      %dma_start3A_1040 = tpu.memref_slice %arg6[%add3A_1032, %dma_start3A_1039] : memref<104x128xi32, #tpu.memory_space<vmem>> -> memref<1x128xi32, #tpu.memory_space<vmem>>
      %dma_start3A_1041 = tpu.memref_squeeze %dma_start3A_1040 : memref<1x128xi32, #tpu.memory_space<vmem>> -> memref<128xi32, #tpu.memory_space<vmem>>
      %dma_start3A_1042 = arith.constant 0 : i32
      %dma_start3A_1043 = arith.constant 0 : i32
      %dma_start3A_1044 = tpu.memref_slice %arg3[%dma_start3A_1042, %dma_start3A_1043] : memref<2600000x32xf32, #tpu.memory_space<hbm>> -> memref<2600000x32xf32, #tpu.memory_space<hbm>>
      %dma_start3A_1045 = tpu.memref_slice %arg8[%dma_start3A_1034] : memref<8x!tpu.dma_semaphore, #tpu.memory_space<semaphore_mem>> -> memref<1x!tpu.dma_semaphore, #tpu.memory_space<semaphore_mem>>
      %dma_start3A_1046 = tpu.memref_squeeze %dma_start3A_1045 : memref<1x!tpu.dma_semaphore, #tpu.memory_space<semaphore_mem>> -> memref<!tpu.dma_semaphore, #tpu.memory_space<semaphore_mem>>
      tpu.enqueue_indirect_dma source(%dma_start3A_1044 : memref<2600000x32xf32, #tpu.memory_space<hbm>>) target(%dma_start3A_1038 : memref<128x32xf32, #tpu.memory_space<vmem>>) offsets(%dma_start3A_1041 : memref<128xi32, #tpu.memory_space<vmem>>) semaphore(%dma_start3A_1046 : memref<!tpu.dma_semaphore, #tpu.memory_space<semaphore_mem>>)
      %mul3A_1047 = arith.constant 8 : i32
      %mul3A_1048 = arith.muli %scan3A_542, %mul3A_1047 : i32
      %add3A_1049 = arith.constant 7 : i32
      %add3A_1050 = arith.addi %mul3A_1048, %add3A_1049 : i32
      %dma_wait3A_1051 = arith.constant 7 : i32
      %dma_wait3A_1052 = arith.constant 7 : i32
      %dma_wait3A_1053 = arith.constant 0 : i32
      %dma_wait3A_1054 = arith.constant 0 : i32
      %dma_wait3A_1055 = tpu.memref_slice %arg7[%dma_wait3A_1051, %dma_wait3A_1053, %dma_wait3A_1054] : memref<8x128x32xf32, #tpu.memory_space<vmem>> -> memref<1x128x32xf32, #tpu.memory_space<vmem>>
      %dma_wait3A_1056 = tpu.memref_squeeze %dma_wait3A_1055 : memref<1x128x32xf32, #tpu.memory_space<vmem>> -> memref<128x32xf32, #tpu.memory_space<vmem>>
      %dma_wait3A_1057 = arith.constant 0 : i32
      %dma_wait3A_1058 = tpu.memref_slice %arg6[%add3A_1050, %dma_wait3A_1057] : memref<104x128xi32, #tpu.memory_space<vmem>> -> memref<1x128xi32, #tpu.memory_space<vmem>>
      %dma_wait3A_1059 = tpu.memref_squeeze %dma_wait3A_1058 : memref<1x128xi32, #tpu.memory_space<vmem>> -> memref<128xi32, #tpu.memory_space<vmem>>
      %dma_wait3A_1060 = arith.constant 0 : i32
      %dma_wait3A_1061 = arith.constant 0 : i32
      %dma_wait3A_1062 = tpu.memref_slice %arg3[%dma_wait3A_1060, %dma_wait3A_1061] : memref<2600000x32xf32, #tpu.memory_space<hbm>> -> memref<2600000x32xf32, #tpu.memory_space<hbm>>
      %dma_wait3A_1063 = tpu.memref_slice %arg8[%dma_wait3A_1052] : memref<8x!tpu.dma_semaphore, #tpu.memory_space<semaphore_mem>> -> memref<1x!tpu.dma_semaphore, #tpu.memory_space<semaphore_mem>>
      %dma_wait3A_1064 = tpu.memref_squeeze %dma_wait3A_1063 : memref<1x!tpu.dma_semaphore, #tpu.memory_space<semaphore_mem>> -> memref<!tpu.dma_semaphore, #tpu.memory_space<semaphore_mem>>
      tpu.wait_indirect_dma semaphore(%dma_wait3A_1064 : memref<!tpu.dma_semaphore, #tpu.memory_space<semaphore_mem>>) src(%dma_wait3A_1062 : memref<2600000x32xf32, #tpu.memory_space<hbm>>) dst(%dma_wait3A_1056 : memref<128x32xf32, #tpu.memory_space<vmem>>)
      %mul3A_1065 = arith.constant 128 : i32
      %mul3A_1066 = arith.muli %add3A_1050, %mul3A_1065 : i32
      %add3A_1067 = arith.addi %mul3A_2, %mul3A_1066 : i32
      %dma_start3A_1068 = arith.constant 7 : i32
      %dma_start3A_1069 = arith.constant 7 : i32
      %dma_start3A_1070 = arith.constant 0 : i32
      %dma_start3A_1071 = arith.constant 0 : i32
      %dma_start3A_1072 = tpu.memref_slice %arg7[%dma_start3A_1068, %dma_start3A_1070, %dma_start3A_1071] : memref<8x128x32xf32, #tpu.memory_space<vmem>> -> memref<1x128x32xf32, #tpu.memory_space<vmem>>
      %dma_start3A_1073 = tpu.memref_squeeze %dma_start3A_1072 : memref<1x128x32xf32, #tpu.memory_space<vmem>> -> memref<128x32xf32, #tpu.memory_space<vmem>>
      %dma_start3A_1074 = arith.constant 0 : i32
      %dma_start3A_1075 = tpu.memref_slice %arg4[%add3A_1067, %dma_start3A_1074] : memref<425984x32xf32, #tpu.memory_space<hbm>> -> memref<128x32xf32, #tpu.memory_space<hbm>>
      %dma_start3A_1076 = tpu.memref_slice %arg9[%dma_start3A_1069] : memref<8x!tpu.dma_semaphore, #tpu.memory_space<semaphore_mem>> -> memref<1x!tpu.dma_semaphore, #tpu.memory_space<semaphore_mem>>
      %dma_start3A_1077 = tpu.memref_squeeze %dma_start3A_1076 : memref<1x!tpu.dma_semaphore, #tpu.memory_space<semaphore_mem>> -> memref<!tpu.dma_semaphore, #tpu.memory_space<semaphore_mem>>
      %dma_start3A_1078 = arith.constant 0 : i32
      %dma_start3A_1079 = tpu.memref_slice %arg4[%add3A_1067, %dma_start3A_1078] : memref<425984x32xf32, #tpu.memory_space<hbm>> -> memref<128x32xf32, #tpu.memory_space<hbm>>
      %dma_start3A_1080 = arith.constant 0 : i32
      %dma_start3A_1081 = arith.constant 0 : i32
      %dma_start3A_1082 = tpu.memref_slice %arg7[%dma_start3A_1068, %dma_start3A_1080, %dma_start3A_1081] : memref<8x128x32xf32, #tpu.memory_space<vmem>> -> memref<1x128x32xf32, #tpu.memory_space<vmem>>
      %dma_start3A_1083 = tpu.memref_squeeze %dma_start3A_1082 : memref<1x128x32xf32, #tpu.memory_space<vmem>> -> memref<128x32xf32, #tpu.memory_space<vmem>>
      tpu.enqueue_dma source(%dma_start3A_1083 : memref<128x32xf32, #tpu.memory_space<vmem>>) target(%dma_start3A_1079 : memref<128x32xf32, #tpu.memory_space<hbm>>) target_semaphore(%dma_start3A_1077 : memref<!tpu.dma_semaphore, #tpu.memory_space<semaphore_mem>>)
      %mul3A_1084 = arith.constant 128 : i32
      %mul3A_1085 = arith.muli %add3A_1050, %mul3A_1084 : i32
      %add3A_1086 = arith.addi %mul3A_2, %mul3A_1085 : i32
      %dma_wait3A_1087 = arith.constant 7 : i32
      %dma_wait3A_1088 = arith.constant 7 : i32
      %dma_wait3A_1089 = arith.constant 0 : i32
      %dma_wait3A_1090 = arith.constant 0 : i32
      %dma_wait3A_1091 = tpu.memref_slice %arg7[%dma_wait3A_1087, %dma_wait3A_1089, %dma_wait3A_1090] : memref<8x128x32xf32, #tpu.memory_space<vmem>> -> memref<1x128x32xf32, #tpu.memory_space<vmem>>
      %dma_wait3A_1092 = tpu.memref_squeeze %dma_wait3A_1091 : memref<1x128x32xf32, #tpu.memory_space<vmem>> -> memref<128x32xf32, #tpu.memory_space<vmem>>
      %dma_wait3A_1093 = arith.constant 0 : i32
      %dma_wait3A_1094 = tpu.memref_slice %arg4[%add3A_1086, %dma_wait3A_1093] : memref<425984x32xf32, #tpu.memory_space<hbm>> -> memref<128x32xf32, #tpu.memory_space<hbm>>
      %dma_wait3A_1095 = tpu.memref_slice %arg9[%dma_wait3A_1088] : memref<8x!tpu.dma_semaphore, #tpu.memory_space<semaphore_mem>> -> memref<1x!tpu.dma_semaphore, #tpu.memory_space<semaphore_mem>>
      %dma_wait3A_1096 = tpu.memref_squeeze %dma_wait3A_1095 : memref<1x!tpu.dma_semaphore, #tpu.memory_space<semaphore_mem>> -> memref<!tpu.dma_semaphore, #tpu.memory_space<semaphore_mem>>
      %dma_wait3A_1097 = arith.constant 0 : i32
      %dma_wait3A_1098 = tpu.memref_slice %arg4[%add3A_1086, %dma_wait3A_1097] : memref<425984x32xf32, #tpu.memory_space<hbm>> -> memref<128x32xf32, #tpu.memory_space<hbm>>
      %dma_wait3A_1099 = arith.constant 0 : i32
      %dma_wait3A_1100 = arith.constant 0 : i32
      %dma_wait3A_1101 = tpu.memref_slice %arg7[%dma_wait3A_1087, %dma_wait3A_1099, %dma_wait3A_1100] : memref<8x128x32xf32, #tpu.memory_space<vmem>> -> memref<1x128x32xf32, #tpu.memory_space<vmem>>
      %dma_wait3A_1102 = tpu.memref_squeeze %dma_wait3A_1101 : memref<1x128x32xf32, #tpu.memory_space<vmem>> -> memref<128x32xf32, #tpu.memory_space<vmem>>
      tpu.wait_dma2 semaphore(%dma_wait3A_1096 : memref<!tpu.dma_semaphore, #tpu.memory_space<semaphore_mem>>) src(%dma_wait3A_1102 : memref<128x32xf32, #tpu.memory_space<vmem>>) dst(%dma_wait3A_1098 : memref<128x32xf32, #tpu.memory_space<hbm>>)
      %add3A_1103 = arith.constant 8 : i32
      %add3A_1104 = arith.addi %add3A_1050, %add3A_1103 : i32
      %dma_start3A_1105 = arith.constant 7 : i32
      %dma_start3A_1106 = arith.constant 7 : i32
      %dma_start3A_1107 = arith.constant 0 : i32
      %dma_start3A_1108 = arith.constant 0 : i32
      %dma_start3A_1109 = tpu.memref_slice %arg7[%dma_start3A_1105, %dma_start3A_1107, %dma_start3A_1108] : memref<8x128x32xf32, #tpu.memory_space<vmem>> -> memref<1x128x32xf32, #tpu.memory_space<vmem>>
      %dma_start3A_1110 = tpu.memref_squeeze %dma_start3A_1109 : memref<1x128x32xf32, #tpu.memory_space<vmem>> -> memref<128x32xf32, #tpu.memory_space<vmem>>
      %dma_start3A_1111 = arith.constant 0 : i32
      %dma_start3A_1112 = tpu.memref_slice %arg6[%add3A_1104, %dma_start3A_1111] : memref<104x128xi32, #tpu.memory_space<vmem>> -> memref<1x128xi32, #tpu.memory_space<vmem>>
      %dma_start3A_1113 = tpu.memref_squeeze %dma_start3A_1112 : memref<1x128xi32, #tpu.memory_space<vmem>> -> memref<128xi32, #tpu.memory_space<vmem>>
      %dma_start3A_1114 = arith.constant 0 : i32
      %dma_start3A_1115 = arith.constant 0 : i32
      %dma_start3A_1116 = tpu.memref_slice %arg3[%dma_start3A_1114, %dma_start3A_1115] : memref<2600000x32xf32, #tpu.memory_space<hbm>> -> memref<2600000x32xf32, #tpu.memory_space<hbm>>
      %dma_start3A_1117 = tpu.memref_slice %arg8[%dma_start3A_1106] : memref<8x!tpu.dma_semaphore, #tpu.memory_space<semaphore_mem>> -> memref<1x!tpu.dma_semaphore, #tpu.memory_space<semaphore_mem>>
      %dma_start3A_1118 = tpu.memref_squeeze %dma_start3A_1117 : memref<1x!tpu.dma_semaphore, #tpu.memory_space<semaphore_mem>> -> memref<!tpu.dma_semaphore, #tpu.memory_space<semaphore_mem>>
      tpu.enqueue_indirect_dma source(%dma_start3A_1116 : memref<2600000x32xf32, #tpu.memory_space<hbm>>) target(%dma_start3A_1110 : memref<128x32xf32, #tpu.memory_space<vmem>>) offsets(%dma_start3A_1113 : memref<128xi32, #tpu.memory_space<vmem>>) semaphore(%dma_start3A_1118 : memref<!tpu.dma_semaphore, #tpu.memory_space<semaphore_mem>>)
    }
    %scan3A_134 = arith.constant 12 : i32
    %dma_wait3A = arith.constant 96 : i32
    %dma_wait3A_135 = arith.constant 0 : i32
    %dma_wait3A_136 = arith.constant 0 : i32
    %dma_wait3A_137 = arith.constant 0 : i32
    %dma_wait3A_138 = arith.constant 0 : i32
    %dma_wait3A_139 = tpu.memref_slice %arg7[%dma_wait3A_135, %dma_wait3A_137, %dma_wait3A_138] : memref<8x128x32xf32, #tpu.memory_space<vmem>> -> memref<1x128x32xf32, #tpu.memory_space<vmem>>
    %dma_wait3A_140 = tpu.memref_squeeze %dma_wait3A_139 : memref<1x128x32xf32, #tpu.memory_space<vmem>> -> memref<128x32xf32, #tpu.memory_space<vmem>>
    %dma_wait3A_141 = arith.constant 0 : i32
    %dma_wait3A_142 = tpu.memref_slice %arg6[%dma_wait3A, %dma_wait3A_141] : memref<104x128xi32, #tpu.memory_space<vmem>> -> memref<1x128xi32, #tpu.memory_space<vmem>>
    %dma_wait3A_143 = tpu.memref_squeeze %dma_wait3A_142 : memref<1x128xi32, #tpu.memory_space<vmem>> -> memref<128xi32, #tpu.memory_space<vmem>>
    %dma_wait3A_144 = arith.constant 0 : i32
    %dma_wait3A_145 = arith.constant 0 : i32
    %dma_wait3A_146 = tpu.memref_slice %arg3[%dma_wait3A_144, %dma_wait3A_145] : memref<2600000x32xf32, #tpu.memory_space<hbm>> -> memref<2600000x32xf32, #tpu.memory_space<hbm>>
    %dma_wait3A_147 = tpu.memref_slice %arg8[%dma_wait3A_136] : memref<8x!tpu.dma_semaphore, #tpu.memory_space<semaphore_mem>> -> memref<1x!tpu.dma_semaphore, #tpu.memory_space<semaphore_mem>>
    %dma_wait3A_148 = tpu.memref_squeeze %dma_wait3A_147 : memref<1x!tpu.dma_semaphore, #tpu.memory_space<semaphore_mem>> -> memref<!tpu.dma_semaphore, #tpu.memory_space<semaphore_mem>>
    tpu.wait_indirect_dma semaphore(%dma_wait3A_148 : memref<!tpu.dma_semaphore, #tpu.memory_space<semaphore_mem>>) src(%dma_wait3A_146 : memref<2600000x32xf32, #tpu.memory_space<hbm>>) dst(%dma_wait3A_140 : memref<128x32xf32, #tpu.memory_space<vmem>>)
    %add3A_149 = arith.constant 12288 : i32
    %add3A_150 = arith.addi %mul3A_2, %add3A_149 : i32
    %dma_start3A_151 = arith.constant 0 : i32
    %dma_start3A_152 = arith.constant 0 : i32
    %dma_start3A_153 = arith.constant 0 : i32
    %dma_start3A_154 = arith.constant 0 : i32
    %dma_start3A_155 = tpu.memref_slice %arg7[%dma_start3A_151, %dma_start3A_153, %dma_start3A_154] : memref<8x128x32xf32, #tpu.memory_space<vmem>> -> memref<1x128x32xf32, #tpu.memory_space<vmem>>
    %dma_start3A_156 = tpu.memref_squeeze %dma_start3A_155 : memref<1x128x32xf32, #tpu.memory_space<vmem>> -> memref<128x32xf32, #tpu.memory_space<vmem>>
    %dma_start3A_157 = arith.constant 0 : i32
    %dma_start3A_158 = tpu.memref_slice %arg4[%add3A_150, %dma_start3A_157] : memref<425984x32xf32, #tpu.memory_space<hbm>> -> memref<128x32xf32, #tpu.memory_space<hbm>>
    %dma_start3A_159 = tpu.memref_slice %arg9[%dma_start3A_152] : memref<8x!tpu.dma_semaphore, #tpu.memory_space<semaphore_mem>> -> memref<1x!tpu.dma_semaphore, #tpu.memory_space<semaphore_mem>>
    %dma_start3A_160 = tpu.memref_squeeze %dma_start3A_159 : memref<1x!tpu.dma_semaphore, #tpu.memory_space<semaphore_mem>> -> memref<!tpu.dma_semaphore, #tpu.memory_space<semaphore_mem>>
    %dma_start3A_161 = arith.constant 0 : i32
    %dma_start3A_162 = tpu.memref_slice %arg4[%add3A_150, %dma_start3A_161] : memref<425984x32xf32, #tpu.memory_space<hbm>> -> memref<128x32xf32, #tpu.memory_space<hbm>>
    %dma_start3A_163 = arith.constant 0 : i32
    %dma_start3A_164 = arith.constant 0 : i32
    %dma_start3A_165 = tpu.memref_slice %arg7[%dma_start3A_151, %dma_start3A_163, %dma_start3A_164] : memref<8x128x32xf32, #tpu.memory_space<vmem>> -> memref<1x128x32xf32, #tpu.memory_space<vmem>>
    %dma_start3A_166 = tpu.memref_squeeze %dma_start3A_165 : memref<1x128x32xf32, #tpu.memory_space<vmem>> -> memref<128x32xf32, #tpu.memory_space<vmem>>
    tpu.enqueue_dma source(%dma_start3A_166 : memref<128x32xf32, #tpu.memory_space<vmem>>) target(%dma_start3A_162 : memref<128x32xf32, #tpu.memory_space<hbm>>) target_semaphore(%dma_start3A_160 : memref<!tpu.dma_semaphore, #tpu.memory_space<semaphore_mem>>)
    %dma_wait3A_167 = arith.constant 97 : i32
    %dma_wait3A_168 = arith.constant 1 : i32
    %dma_wait3A_169 = arith.constant 1 : i32
    %dma_wait3A_170 = arith.constant 0 : i32
    %dma_wait3A_171 = arith.constant 0 : i32
    %dma_wait3A_172 = tpu.memref_slice %arg7[%dma_wait3A_168, %dma_wait3A_170, %dma_wait3A_171] : memref<8x128x32xf32, #tpu.memory_space<vmem>> -> memref<1x128x32xf32, #tpu.memory_space<vmem>>
    %dma_wait3A_173 = tpu.memref_squeeze %dma_wait3A_172 : memref<1x128x32xf32, #tpu.memory_space<vmem>> -> memref<128x32xf32, #tpu.memory_space<vmem>>
    %dma_wait3A_174 = arith.constant 0 : i32
    %dma_wait3A_175 = tpu.memref_slice %arg6[%dma_wait3A_167, %dma_wait3A_174] : memref<104x128xi32, #tpu.memory_space<vmem>> -> memref<1x128xi32, #tpu.memory_space<vmem>>
    %dma_wait3A_176 = tpu.memref_squeeze %dma_wait3A_175 : memref<1x128xi32, #tpu.memory_space<vmem>> -> memref<128xi32, #tpu.memory_space<vmem>>
    %dma_wait3A_177 = arith.constant 0 : i32
    %dma_wait3A_178 = arith.constant 0 : i32
    %dma_wait3A_179 = tpu.memref_slice %arg3[%dma_wait3A_177, %dma_wait3A_178] : memref<2600000x32xf32, #tpu.memory_space<hbm>> -> memref<2600000x32xf32, #tpu.memory_space<hbm>>
    %dma_wait3A_180 = tpu.memref_slice %arg8[%dma_wait3A_169] : memref<8x!tpu.dma_semaphore, #tpu.memory_space<semaphore_mem>> -> memref<1x!tpu.dma_semaphore, #tpu.memory_space<semaphore_mem>>
    %dma_wait3A_181 = tpu.memref_squeeze %dma_wait3A_180 : memref<1x!tpu.dma_semaphore, #tpu.memory_space<semaphore_mem>> -> memref<!tpu.dma_semaphore, #tpu.memory_space<semaphore_mem>>
    tpu.wait_indirect_dma semaphore(%dma_wait3A_181 : memref<!tpu.dma_semaphore, #tpu.memory_space<semaphore_mem>>) src(%dma_wait3A_179 : memref<2600000x32xf32, #tpu.memory_space<hbm>>) dst(%dma_wait3A_173 : memref<128x32xf32, #tpu.memory_space<vmem>>)
    %add3A_182 = arith.constant 12416 : i32
    %add3A_183 = arith.addi %mul3A_2, %add3A_182 : i32
    %dma_start3A_184 = arith.constant 1 : i32
    %dma_start3A_185 = arith.constant 1 : i32
    %dma_start3A_186 = arith.constant 0 : i32
    %dma_start3A_187 = arith.constant 0 : i32
    %dma_start3A_188 = tpu.memref_slice %arg7[%dma_start3A_184, %dma_start3A_186, %dma_start3A_187] : memref<8x128x32xf32, #tpu.memory_space<vmem>> -> memref<1x128x32xf32, #tpu.memory_space<vmem>>
    %dma_start3A_189 = tpu.memref_squeeze %dma_start3A_188 : memref<1x128x32xf32, #tpu.memory_space<vmem>> -> memref<128x32xf32, #tpu.memory_space<vmem>>
    %dma_start3A_190 = arith.constant 0 : i32
    %dma_start3A_191 = tpu.memref_slice %arg4[%add3A_183, %dma_start3A_190] : memref<425984x32xf32, #tpu.memory_space<hbm>> -> memref<128x32xf32, #tpu.memory_space<hbm>>
    %dma_start3A_192 = tpu.memref_slice %arg9[%dma_start3A_185] : memref<8x!tpu.dma_semaphore, #tpu.memory_space<semaphore_mem>> -> memref<1x!tpu.dma_semaphore, #tpu.memory_space<semaphore_mem>>
    %dma_start3A_193 = tpu.memref_squeeze %dma_start3A_192 : memref<1x!tpu.dma_semaphore, #tpu.memory_space<semaphore_mem>> -> memref<!tpu.dma_semaphore, #tpu.memory_space<semaphore_mem>>
    %dma_start3A_194 = arith.constant 0 : i32
    %dma_start3A_195 = tpu.memref_slice %arg4[%add3A_183, %dma_start3A_194] : memref<425984x32xf32, #tpu.memory_space<hbm>> -> memref<128x32xf32, #tpu.memory_space<hbm>>
    %dma_start3A_196 = arith.constant 0 : i32
    %dma_start3A_197 = arith.constant 0 : i32
    %dma_start3A_198 = tpu.memref_slice %arg7[%dma_start3A_184, %dma_start3A_196, %dma_start3A_197] : memref<8x128x32xf32, #tpu.memory_space<vmem>> -> memref<1x128x32xf32, #tpu.memory_space<vmem>>
    %dma_start3A_199 = tpu.memref_squeeze %dma_start3A_198 : memref<1x128x32xf32, #tpu.memory_space<vmem>> -> memref<128x32xf32, #tpu.memory_space<vmem>>
    tpu.enqueue_dma source(%dma_start3A_199 : memref<128x32xf32, #tpu.memory_space<vmem>>) target(%dma_start3A_195 : memref<128x32xf32, #tpu.memory_space<hbm>>) target_semaphore(%dma_start3A_193 : memref<!tpu.dma_semaphore, #tpu.memory_space<semaphore_mem>>)
    %dma_wait3A_200 = arith.constant 98 : i32
    %dma_wait3A_201 = arith.constant 2 : i32
    %dma_wait3A_202 = arith.constant 2 : i32
    %dma_wait3A_203 = arith.constant 0 : i32
    %dma_wait3A_204 = arith.constant 0 : i32
    %dma_wait3A_205 = tpu.memref_slice %arg7[%dma_wait3A_201, %dma_wait3A_203, %dma_wait3A_204] : memref<8x128x32xf32, #tpu.memory_space<vmem>> -> memref<1x128x32xf32, #tpu.memory_space<vmem>>
    %dma_wait3A_206 = tpu.memref_squeeze %dma_wait3A_205 : memref<1x128x32xf32, #tpu.memory_space<vmem>> -> memref<128x32xf32, #tpu.memory_space<vmem>>
    %dma_wait3A_207 = arith.constant 0 : i32
    %dma_wait3A_208 = tpu.memref_slice %arg6[%dma_wait3A_200, %dma_wait3A_207] : memref<104x128xi32, #tpu.memory_space<vmem>> -> memref<1x128xi32, #tpu.memory_space<vmem>>
    %dma_wait3A_209 = tpu.memref_squeeze %dma_wait3A_208 : memref<1x128xi32, #tpu.memory_space<vmem>> -> memref<128xi32, #tpu.memory_space<vmem>>
    %dma_wait3A_210 = arith.constant 0 : i32
    %dma_wait3A_211 = arith.constant 0 : i32
    %dma_wait3A_212 = tpu.memref_slice %arg3[%dma_wait3A_210, %dma_wait3A_211] : memref<2600000x32xf32, #tpu.memory_space<hbm>> -> memref<2600000x32xf32, #tpu.memory_space<hbm>>
    %dma_wait3A_213 = tpu.memref_slice %arg8[%dma_wait3A_202] : memref<8x!tpu.dma_semaphore, #tpu.memory_space<semaphore_mem>> -> memref<1x!tpu.dma_semaphore, #tpu.memory_space<semaphore_mem>>
    %dma_wait3A_214 = tpu.memref_squeeze %dma_wait3A_213 : memref<1x!tpu.dma_semaphore, #tpu.memory_space<semaphore_mem>> -> memref<!tpu.dma_semaphore, #tpu.memory_space<semaphore_mem>>
    tpu.wait_indirect_dma semaphore(%dma_wait3A_214 : memref<!tpu.dma_semaphore, #tpu.memory_space<semaphore_mem>>) src(%dma_wait3A_212 : memref<2600000x32xf32, #tpu.memory_space<hbm>>) dst(%dma_wait3A_206 : memref<128x32xf32, #tpu.memory_space<vmem>>)
    %add3A_215 = arith.constant 12544 : i32
    %add3A_216 = arith.addi %mul3A_2, %add3A_215 : i32
    %dma_start3A_217 = arith.constant 2 : i32
    %dma_start3A_218 = arith.constant 2 : i32
    %dma_start3A_219 = arith.constant 0 : i32
    %dma_start3A_220 = arith.constant 0 : i32
    %dma_start3A_221 = tpu.memref_slice %arg7[%dma_start3A_217, %dma_start3A_219, %dma_start3A_220] : memref<8x128x32xf32, #tpu.memory_space<vmem>> -> memref<1x128x32xf32, #tpu.memory_space<vmem>>
    %dma_start3A_222 = tpu.memref_squeeze %dma_start3A_221 : memref<1x128x32xf32, #tpu.memory_space<vmem>> -> memref<128x32xf32, #tpu.memory_space<vmem>>
    %dma_start3A_223 = arith.constant 0 : i32
    %dma_start3A_224 = tpu.memref_slice %arg4[%add3A_216, %dma_start3A_223] : memref<425984x32xf32, #tpu.memory_space<hbm>> -> memref<128x32xf32, #tpu.memory_space<hbm>>
    %dma_start3A_225 = tpu.memref_slice %arg9[%dma_start3A_218] : memref<8x!tpu.dma_semaphore, #tpu.memory_space<semaphore_mem>> -> memref<1x!tpu.dma_semaphore, #tpu.memory_space<semaphore_mem>>
    %dma_start3A_226 = tpu.memref_squeeze %dma_start3A_225 : memref<1x!tpu.dma_semaphore, #tpu.memory_space<semaphore_mem>> -> memref<!tpu.dma_semaphore, #tpu.memory_space<semaphore_mem>>
    %dma_start3A_227 = arith.constant 0 : i32
    %dma_start3A_228 = tpu.memref_slice %arg4[%add3A_216, %dma_start3A_227] : memref<425984x32xf32, #tpu.memory_space<hbm>> -> memref<128x32xf32, #tpu.memory_space<hbm>>
    %dma_start3A_229 = arith.constant 0 : i32
    %dma_start3A_230 = arith.constant 0 : i32
    %dma_start3A_231 = tpu.memref_slice %arg7[%dma_start3A_217, %dma_start3A_229, %dma_start3A_230] : memref<8x128x32xf32, #tpu.memory_space<vmem>> -> memref<1x128x32xf32, #tpu.memory_space<vmem>>
    %dma_start3A_232 = tpu.memref_squeeze %dma_start3A_231 : memref<1x128x32xf32, #tpu.memory_space<vmem>> -> memref<128x32xf32, #tpu.memory_space<vmem>>
    tpu.enqueue_dma source(%dma_start3A_232 : memref<128x32xf32, #tpu.memory_space<vmem>>) target(%dma_start3A_228 : memref<128x32xf32, #tpu.memory_space<hbm>>) target_semaphore(%dma_start3A_226 : memref<!tpu.dma_semaphore, #tpu.memory_space<semaphore_mem>>)
    %dma_wait3A_233 = arith.constant 99 : i32
    %dma_wait3A_234 = arith.constant 3 : i32
    %dma_wait3A_235 = arith.constant 3 : i32
    %dma_wait3A_236 = arith.constant 0 : i32
    %dma_wait3A_237 = arith.constant 0 : i32
    %dma_wait3A_238 = tpu.memref_slice %arg7[%dma_wait3A_234, %dma_wait3A_236, %dma_wait3A_237] : memref<8x128x32xf32, #tpu.memory_space<vmem>> -> memref<1x128x32xf32, #tpu.memory_space<vmem>>
    %dma_wait3A_239 = tpu.memref_squeeze %dma_wait3A_238 : memref<1x128x32xf32, #tpu.memory_space<vmem>> -> memref<128x32xf32, #tpu.memory_space<vmem>>
    %dma_wait3A_240 = arith.constant 0 : i32
    %dma_wait3A_241 = tpu.memref_slice %arg6[%dma_wait3A_233, %dma_wait3A_240] : memref<104x128xi32, #tpu.memory_space<vmem>> -> memref<1x128xi32, #tpu.memory_space<vmem>>
    %dma_wait3A_242 = tpu.memref_squeeze %dma_wait3A_241 : memref<1x128xi32, #tpu.memory_space<vmem>> -> memref<128xi32, #tpu.memory_space<vmem>>
    %dma_wait3A_243 = arith.constant 0 : i32
    %dma_wait3A_244 = arith.constant 0 : i32
    %dma_wait3A_245 = tpu.memref_slice %arg3[%dma_wait3A_243, %dma_wait3A_244] : memref<2600000x32xf32, #tpu.memory_space<hbm>> -> memref<2600000x32xf32, #tpu.memory_space<hbm>>
    %dma_wait3A_246 = tpu.memref_slice %arg8[%dma_wait3A_235] : memref<8x!tpu.dma_semaphore, #tpu.memory_space<semaphore_mem>> -> memref<1x!tpu.dma_semaphore, #tpu.memory_space<semaphore_mem>>
    %dma_wait3A_247 = tpu.memref_squeeze %dma_wait3A_246 : memref<1x!tpu.dma_semaphore, #tpu.memory_space<semaphore_mem>> -> memref<!tpu.dma_semaphore, #tpu.memory_space<semaphore_mem>>
    tpu.wait_indirect_dma semaphore(%dma_wait3A_247 : memref<!tpu.dma_semaphore, #tpu.memory_space<semaphore_mem>>) src(%dma_wait3A_245 : memref<2600000x32xf32, #tpu.memory_space<hbm>>) dst(%dma_wait3A_239 : memref<128x32xf32, #tpu.memory_space<vmem>>)
    %add3A_248 = arith.constant 12672 : i32
    %add3A_249 = arith.addi %mul3A_2, %add3A_248 : i32
    %dma_start3A_250 = arith.constant 3 : i32
    %dma_start3A_251 = arith.constant 3 : i32
    %dma_start3A_252 = arith.constant 0 : i32
    %dma_start3A_253 = arith.constant 0 : i32
    %dma_start3A_254 = tpu.memref_slice %arg7[%dma_start3A_250, %dma_start3A_252, %dma_start3A_253] : memref<8x128x32xf32, #tpu.memory_space<vmem>> -> memref<1x128x32xf32, #tpu.memory_space<vmem>>
    %dma_start3A_255 = tpu.memref_squeeze %dma_start3A_254 : memref<1x128x32xf32, #tpu.memory_space<vmem>> -> memref<128x32xf32, #tpu.memory_space<vmem>>
    %dma_start3A_256 = arith.constant 0 : i32
    %dma_start3A_257 = tpu.memref_slice %arg4[%add3A_249, %dma_start3A_256] : memref<425984x32xf32, #tpu.memory_space<hbm>> -> memref<128x32xf32, #tpu.memory_space<hbm>>
    %dma_start3A_258 = tpu.memref_slice %arg9[%dma_start3A_251] : memref<8x!tpu.dma_semaphore, #tpu.memory_space<semaphore_mem>> -> memref<1x!tpu.dma_semaphore, #tpu.memory_space<semaphore_mem>>
    %dma_start3A_259 = tpu.memref_squeeze %dma_start3A_258 : memref<1x!tpu.dma_semaphore, #tpu.memory_space<semaphore_mem>> -> memref<!tpu.dma_semaphore, #tpu.memory_space<semaphore_mem>>
    %dma_start3A_260 = arith.constant 0 : i32
    %dma_start3A_261 = tpu.memref_slice %arg4[%add3A_249, %dma_start3A_260] : memref<425984x32xf32, #tpu.memory_space<hbm>> -> memref<128x32xf32, #tpu.memory_space<hbm>>
    %dma_start3A_262 = arith.constant 0 : i32
    %dma_start3A_263 = arith.constant 0 : i32
    %dma_start3A_264 = tpu.memref_slice %arg7[%dma_start3A_250, %dma_start3A_262, %dma_start3A_263] : memref<8x128x32xf32, #tpu.memory_space<vmem>> -> memref<1x128x32xf32, #tpu.memory_space<vmem>>
    %dma_start3A_265 = tpu.memref_squeeze %dma_start3A_264 : memref<1x128x32xf32, #tpu.memory_space<vmem>> -> memref<128x32xf32, #tpu.memory_space<vmem>>
    tpu.enqueue_dma source(%dma_start3A_265 : memref<128x32xf32, #tpu.memory_space<vmem>>) target(%dma_start3A_261 : memref<128x32xf32, #tpu.memory_space<hbm>>) target_semaphore(%dma_start3A_259 : memref<!tpu.dma_semaphore, #tpu.memory_space<semaphore_mem>>)
    %dma_wait3A_266 = arith.constant 100 : i32
    %dma_wait3A_267 = arith.constant 4 : i32
    %dma_wait3A_268 = arith.constant 4 : i32
    %dma_wait3A_269 = arith.constant 0 : i32
    %dma_wait3A_270 = arith.constant 0 : i32
    %dma_wait3A_271 = tpu.memref_slice %arg7[%dma_wait3A_267, %dma_wait3A_269, %dma_wait3A_270] : memref<8x128x32xf32, #tpu.memory_space<vmem>> -> memref<1x128x32xf32, #tpu.memory_space<vmem>>
    %dma_wait3A_272 = tpu.memref_squeeze %dma_wait3A_271 : memref<1x128x32xf32, #tpu.memory_space<vmem>> -> memref<128x32xf32, #tpu.memory_space<vmem>>
    %dma_wait3A_273 = arith.constant 0 : i32
    %dma_wait3A_274 = tpu.memref_slice %arg6[%dma_wait3A_266, %dma_wait3A_273] : memref<104x128xi32, #tpu.memory_space<vmem>> -> memref<1x128xi32, #tpu.memory_space<vmem>>
    %dma_wait3A_275 = tpu.memref_squeeze %dma_wait3A_274 : memref<1x128xi32, #tpu.memory_space<vmem>> -> memref<128xi32, #tpu.memory_space<vmem>>
    %dma_wait3A_276 = arith.constant 0 : i32
    %dma_wait3A_277 = arith.constant 0 : i32
    %dma_wait3A_278 = tpu.memref_slice %arg3[%dma_wait3A_276, %dma_wait3A_277] : memref<2600000x32xf32, #tpu.memory_space<hbm>> -> memref<2600000x32xf32, #tpu.memory_space<hbm>>
    %dma_wait3A_279 = tpu.memref_slice %arg8[%dma_wait3A_268] : memref<8x!tpu.dma_semaphore, #tpu.memory_space<semaphore_mem>> -> memref<1x!tpu.dma_semaphore, #tpu.memory_space<semaphore_mem>>
    %dma_wait3A_280 = tpu.memref_squeeze %dma_wait3A_279 : memref<1x!tpu.dma_semaphore, #tpu.memory_space<semaphore_mem>> -> memref<!tpu.dma_semaphore, #tpu.memory_space<semaphore_mem>>
    tpu.wait_indirect_dma semaphore(%dma_wait3A_280 : memref<!tpu.dma_semaphore, #tpu.memory_space<semaphore_mem>>) src(%dma_wait3A_278 : memref<2600000x32xf32, #tpu.memory_space<hbm>>) dst(%dma_wait3A_272 : memref<128x32xf32, #tpu.memory_space<vmem>>)
    %add3A_281 = arith.constant 12800 : i32
    %add3A_282 = arith.addi %mul3A_2, %add3A_281 : i32
    %dma_start3A_283 = arith.constant 4 : i32
    %dma_start3A_284 = arith.constant 4 : i32
    %dma_start3A_285 = arith.constant 0 : i32
    %dma_start3A_286 = arith.constant 0 : i32
    %dma_start3A_287 = tpu.memref_slice %arg7[%dma_start3A_283, %dma_start3A_285, %dma_start3A_286] : memref<8x128x32xf32, #tpu.memory_space<vmem>> -> memref<1x128x32xf32, #tpu.memory_space<vmem>>
    %dma_start3A_288 = tpu.memref_squeeze %dma_start3A_287 : memref<1x128x32xf32, #tpu.memory_space<vmem>> -> memref<128x32xf32, #tpu.memory_space<vmem>>
    %dma_start3A_289 = arith.constant 0 : i32
    %dma_start3A_290 = tpu.memref_slice %arg4[%add3A_282, %dma_start3A_289] : memref<425984x32xf32, #tpu.memory_space<hbm>> -> memref<128x32xf32, #tpu.memory_space<hbm>>
    %dma_start3A_291 = tpu.memref_slice %arg9[%dma_start3A_284] : memref<8x!tpu.dma_semaphore, #tpu.memory_space<semaphore_mem>> -> memref<1x!tpu.dma_semaphore, #tpu.memory_space<semaphore_mem>>
    %dma_start3A_292 = tpu.memref_squeeze %dma_start3A_291 : memref<1x!tpu.dma_semaphore, #tpu.memory_space<semaphore_mem>> -> memref<!tpu.dma_semaphore, #tpu.memory_space<semaphore_mem>>
    %dma_start3A_293 = arith.constant 0 : i32
    %dma_start3A_294 = tpu.memref_slice %arg4[%add3A_282, %dma_start3A_293] : memref<425984x32xf32, #tpu.memory_space<hbm>> -> memref<128x32xf32, #tpu.memory_space<hbm>>
    %dma_start3A_295 = arith.constant 0 : i32
    %dma_start3A_296 = arith.constant 0 : i32
    %dma_start3A_297 = tpu.memref_slice %arg7[%dma_start3A_283, %dma_start3A_295, %dma_start3A_296] : memref<8x128x32xf32, #tpu.memory_space<vmem>> -> memref<1x128x32xf32, #tpu.memory_space<vmem>>
    %dma_start3A_298 = tpu.memref_squeeze %dma_start3A_297 : memref<1x128x32xf32, #tpu.memory_space<vmem>> -> memref<128x32xf32, #tpu.memory_space<vmem>>
    tpu.enqueue_dma source(%dma_start3A_298 : memref<128x32xf32, #tpu.memory_space<vmem>>) target(%dma_start3A_294 : memref<128x32xf32, #tpu.memory_space<hbm>>) target_semaphore(%dma_start3A_292 : memref<!tpu.dma_semaphore, #tpu.memory_space<semaphore_mem>>)
    %dma_wait3A_299 = arith.constant 101 : i32
    %dma_wait3A_300 = arith.constant 5 : i32
    %dma_wait3A_301 = arith.constant 5 : i32
    %dma_wait3A_302 = arith.constant 0 : i32
    %dma_wait3A_303 = arith.constant 0 : i32
    %dma_wait3A_304 = tpu.memref_slice %arg7[%dma_wait3A_300, %dma_wait3A_302, %dma_wait3A_303] : memref<8x128x32xf32, #tpu.memory_space<vmem>> -> memref<1x128x32xf32, #tpu.memory_space<vmem>>
    %dma_wait3A_305 = tpu.memref_squeeze %dma_wait3A_304 : memref<1x128x32xf32, #tpu.memory_space<vmem>> -> memref<128x32xf32, #tpu.memory_space<vmem>>
    %dma_wait3A_306 = arith.constant 0 : i32
    %dma_wait3A_307 = tpu.memref_slice %arg6[%dma_wait3A_299, %dma_wait3A_306] : memref<104x128xi32, #tpu.memory_space<vmem>> -> memref<1x128xi32, #tpu.memory_space<vmem>>
    %dma_wait3A_308 = tpu.memref_squeeze %dma_wait3A_307 : memref<1x128xi32, #tpu.memory_space<vmem>> -> memref<128xi32, #tpu.memory_space<vmem>>
    %dma_wait3A_309 = arith.constant 0 : i32
    %dma_wait3A_310 = arith.constant 0 : i32
    %dma_wait3A_311 = tpu.memref_slice %arg3[%dma_wait3A_309, %dma_wait3A_310] : memref<2600000x32xf32, #tpu.memory_space<hbm>> -> memref<2600000x32xf32, #tpu.memory_space<hbm>>
    %dma_wait3A_312 = tpu.memref_slice %arg8[%dma_wait3A_301] : memref<8x!tpu.dma_semaphore, #tpu.memory_space<semaphore_mem>> -> memref<1x!tpu.dma_semaphore, #tpu.memory_space<semaphore_mem>>
    %dma_wait3A_313 = tpu.memref_squeeze %dma_wait3A_312 : memref<1x!tpu.dma_semaphore, #tpu.memory_space<semaphore_mem>> -> memref<!tpu.dma_semaphore, #tpu.memory_space<semaphore_mem>>
    tpu.wait_indirect_dma semaphore(%dma_wait3A_313 : memref<!tpu.dma_semaphore, #tpu.memory_space<semaphore_mem>>) src(%dma_wait3A_311 : memref<2600000x32xf32, #tpu.memory_space<hbm>>) dst(%dma_wait3A_305 : memref<128x32xf32, #tpu.memory_space<vmem>>)
    %add3A_314 = arith.constant 12928 : i32
    %add3A_315 = arith.addi %mul3A_2, %add3A_314 : i32
    %dma_start3A_316 = arith.constant 5 : i32
    %dma_start3A_317 = arith.constant 5 : i32
    %dma_start3A_318 = arith.constant 0 : i32
    %dma_start3A_319 = arith.constant 0 : i32
    %dma_start3A_320 = tpu.memref_slice %arg7[%dma_start3A_316, %dma_start3A_318, %dma_start3A_319] : memref<8x128x32xf32, #tpu.memory_space<vmem>> -> memref<1x128x32xf32, #tpu.memory_space<vmem>>
    %dma_start3A_321 = tpu.memref_squeeze %dma_start3A_320 : memref<1x128x32xf32, #tpu.memory_space<vmem>> -> memref<128x32xf32, #tpu.memory_space<vmem>>
    %dma_start3A_322 = arith.constant 0 : i32
    %dma_start3A_323 = tpu.memref_slice %arg4[%add3A_315, %dma_start3A_322] : memref<425984x32xf32, #tpu.memory_space<hbm>> -> memref<128x32xf32, #tpu.memory_space<hbm>>
    %dma_start3A_324 = tpu.memref_slice %arg9[%dma_start3A_317] : memref<8x!tpu.dma_semaphore, #tpu.memory_space<semaphore_mem>> -> memref<1x!tpu.dma_semaphore, #tpu.memory_space<semaphore_mem>>
    %dma_start3A_325 = tpu.memref_squeeze %dma_start3A_324 : memref<1x!tpu.dma_semaphore, #tpu.memory_space<semaphore_mem>> -> memref<!tpu.dma_semaphore, #tpu.memory_space<semaphore_mem>>
    %dma_start3A_326 = arith.constant 0 : i32
    %dma_start3A_327 = tpu.memref_slice %arg4[%add3A_315, %dma_start3A_326] : memref<425984x32xf32, #tpu.memory_space<hbm>> -> memref<128x32xf32, #tpu.memory_space<hbm>>
    %dma_start3A_328 = arith.constant 0 : i32
    %dma_start3A_329 = arith.constant 0 : i32
    %dma_start3A_330 = tpu.memref_slice %arg7[%dma_start3A_316, %dma_start3A_328, %dma_start3A_329] : memref<8x128x32xf32, #tpu.memory_space<vmem>> -> memref<1x128x32xf32, #tpu.memory_space<vmem>>
    %dma_start3A_331 = tpu.memref_squeeze %dma_start3A_330 : memref<1x128x32xf32, #tpu.memory_space<vmem>> -> memref<128x32xf32, #tpu.memory_space<vmem>>
    tpu.enqueue_dma source(%dma_start3A_331 : memref<128x32xf32, #tpu.memory_space<vmem>>) target(%dma_start3A_327 : memref<128x32xf32, #tpu.memory_space<hbm>>) target_semaphore(%dma_start3A_325 : memref<!tpu.dma_semaphore, #tpu.memory_space<semaphore_mem>>)
    %dma_wait3A_332 = arith.constant 102 : i32
    %dma_wait3A_333 = arith.constant 6 : i32
    %dma_wait3A_334 = arith.constant 6 : i32
    %dma_wait3A_335 = arith.constant 0 : i32
    %dma_wait3A_336 = arith.constant 0 : i32
    %dma_wait3A_337 = tpu.memref_slice %arg7[%dma_wait3A_333, %dma_wait3A_335, %dma_wait3A_336] : memref<8x128x32xf32, #tpu.memory_space<vmem>> -> memref<1x128x32xf32, #tpu.memory_space<vmem>>
    %dma_wait3A_338 = tpu.memref_squeeze %dma_wait3A_337 : memref<1x128x32xf32, #tpu.memory_space<vmem>> -> memref<128x32xf32, #tpu.memory_space<vmem>>
    %dma_wait3A_339 = arith.constant 0 : i32
    %dma_wait3A_340 = tpu.memref_slice %arg6[%dma_wait3A_332, %dma_wait3A_339] : memref<104x128xi32, #tpu.memory_space<vmem>> -> memref<1x128xi32, #tpu.memory_space<vmem>>
    %dma_wait3A_341 = tpu.memref_squeeze %dma_wait3A_340 : memref<1x128xi32, #tpu.memory_space<vmem>> -> memref<128xi32, #tpu.memory_space<vmem>>
    %dma_wait3A_342 = arith.constant 0 : i32
    %dma_wait3A_343 = arith.constant 0 : i32
    %dma_wait3A_344 = tpu.memref_slice %arg3[%dma_wait3A_342, %dma_wait3A_343] : memref<2600000x32xf32, #tpu.memory_space<hbm>> -> memref<2600000x32xf32, #tpu.memory_space<hbm>>
    %dma_wait3A_345 = tpu.memref_slice %arg8[%dma_wait3A_334] : memref<8x!tpu.dma_semaphore, #tpu.memory_space<semaphore_mem>> -> memref<1x!tpu.dma_semaphore, #tpu.memory_space<semaphore_mem>>
    %dma_wait3A_346 = tpu.memref_squeeze %dma_wait3A_345 : memref<1x!tpu.dma_semaphore, #tpu.memory_space<semaphore_mem>> -> memref<!tpu.dma_semaphore, #tpu.memory_space<semaphore_mem>>
    tpu.wait_indirect_dma semaphore(%dma_wait3A_346 : memref<!tpu.dma_semaphore, #tpu.memory_space<semaphore_mem>>) src(%dma_wait3A_344 : memref<2600000x32xf32, #tpu.memory_space<hbm>>) dst(%dma_wait3A_338 : memref<128x32xf32, #tpu.memory_space<vmem>>)
    %add3A_347 = arith.constant 13056 : i32
    %add3A_348 = arith.addi %mul3A_2, %add3A_347 : i32
    %dma_start3A_349 = arith.constant 6 : i32
    %dma_start3A_350 = arith.constant 6 : i32
    %dma_start3A_351 = arith.constant 0 : i32
    %dma_start3A_352 = arith.constant 0 : i32
    %dma_start3A_353 = tpu.memref_slice %arg7[%dma_start3A_349, %dma_start3A_351, %dma_start3A_352] : memref<8x128x32xf32, #tpu.memory_space<vmem>> -> memref<1x128x32xf32, #tpu.memory_space<vmem>>
    %dma_start3A_354 = tpu.memref_squeeze %dma_start3A_353 : memref<1x128x32xf32, #tpu.memory_space<vmem>> -> memref<128x32xf32, #tpu.memory_space<vmem>>
    %dma_start3A_355 = arith.constant 0 : i32
    %dma_start3A_356 = tpu.memref_slice %arg4[%add3A_348, %dma_start3A_355] : memref<425984x32xf32, #tpu.memory_space<hbm>> -> memref<128x32xf32, #tpu.memory_space<hbm>>
    %dma_start3A_357 = tpu.memref_slice %arg9[%dma_start3A_350] : memref<8x!tpu.dma_semaphore, #tpu.memory_space<semaphore_mem>> -> memref<1x!tpu.dma_semaphore, #tpu.memory_space<semaphore_mem>>
    %dma_start3A_358 = tpu.memref_squeeze %dma_start3A_357 : memref<1x!tpu.dma_semaphore, #tpu.memory_space<semaphore_mem>> -> memref<!tpu.dma_semaphore, #tpu.memory_space<semaphore_mem>>
    %dma_start3A_359 = arith.constant 0 : i32
    %dma_start3A_360 = tpu.memref_slice %arg4[%add3A_348, %dma_start3A_359] : memref<425984x32xf32, #tpu.memory_space<hbm>> -> memref<128x32xf32, #tpu.memory_space<hbm>>
    %dma_start3A_361 = arith.constant 0 : i32
    %dma_start3A_362 = arith.constant 0 : i32
    %dma_start3A_363 = tpu.memref_slice %arg7[%dma_start3A_349, %dma_start3A_361, %dma_start3A_362] : memref<8x128x32xf32, #tpu.memory_space<vmem>> -> memref<1x128x32xf32, #tpu.memory_space<vmem>>
    %dma_start3A_364 = tpu.memref_squeeze %dma_start3A_363 : memref<1x128x32xf32, #tpu.memory_space<vmem>> -> memref<128x32xf32, #tpu.memory_space<vmem>>
    tpu.enqueue_dma source(%dma_start3A_364 : memref<128x32xf32, #tpu.memory_space<vmem>>) target(%dma_start3A_360 : memref<128x32xf32, #tpu.memory_space<hbm>>) target_semaphore(%dma_start3A_358 : memref<!tpu.dma_semaphore, #tpu.memory_space<semaphore_mem>>)
    %dma_wait3A_365 = arith.constant 103 : i32
    %dma_wait3A_366 = arith.constant 7 : i32
    %dma_wait3A_367 = arith.constant 7 : i32
    %dma_wait3A_368 = arith.constant 0 : i32
    %dma_wait3A_369 = arith.constant 0 : i32
    %dma_wait3A_370 = tpu.memref_slice %arg7[%dma_wait3A_366, %dma_wait3A_368, %dma_wait3A_369] : memref<8x128x32xf32, #tpu.memory_space<vmem>> -> memref<1x128x32xf32, #tpu.memory_space<vmem>>
    %dma_wait3A_371 = tpu.memref_squeeze %dma_wait3A_370 : memref<1x128x32xf32, #tpu.memory_space<vmem>> -> memref<128x32xf32, #tpu.memory_space<vmem>>
    %dma_wait3A_372 = arith.constant 0 : i32
    %dma_wait3A_373 = tpu.memref_slice %arg6[%dma_wait3A_365, %dma_wait3A_372] : memref<104x128xi32, #tpu.memory_space<vmem>> -> memref<1x128xi32, #tpu.memory_space<vmem>>
    %dma_wait3A_374 = tpu.memref_squeeze %dma_wait3A_373 : memref<1x128xi32, #tpu.memory_space<vmem>> -> memref<128xi32, #tpu.memory_space<vmem>>
    %dma_wait3A_375 = arith.constant 0 : i32
    %dma_wait3A_376 = arith.constant 0 : i32
    %dma_wait3A_377 = tpu.memref_slice %arg3[%dma_wait3A_375, %dma_wait3A_376] : memref<2600000x32xf32, #tpu.memory_space<hbm>> -> memref<2600000x32xf32, #tpu.memory_space<hbm>>
    %dma_wait3A_378 = tpu.memref_slice %arg8[%dma_wait3A_367] : memref<8x!tpu.dma_semaphore, #tpu.memory_space<semaphore_mem>> -> memref<1x!tpu.dma_semaphore, #tpu.memory_space<semaphore_mem>>
    %dma_wait3A_379 = tpu.memref_squeeze %dma_wait3A_378 : memref<1x!tpu.dma_semaphore, #tpu.memory_space<semaphore_mem>> -> memref<!tpu.dma_semaphore, #tpu.memory_space<semaphore_mem>>
    tpu.wait_indirect_dma semaphore(%dma_wait3A_379 : memref<!tpu.dma_semaphore, #tpu.memory_space<semaphore_mem>>) src(%dma_wait3A_377 : memref<2600000x32xf32, #tpu.memory_space<hbm>>) dst(%dma_wait3A_371 : memref<128x32xf32, #tpu.memory_space<vmem>>)
    %add3A_380 = arith.constant 13184 : i32
    %add3A_381 = arith.addi %mul3A_2, %add3A_380 : i32
    %dma_start3A_382 = arith.constant 7 : i32
    %dma_start3A_383 = arith.constant 7 : i32
    %dma_start3A_384 = arith.constant 0 : i32
    %dma_start3A_385 = arith.constant 0 : i32
    %dma_start3A_386 = tpu.memref_slice %arg7[%dma_start3A_382, %dma_start3A_384, %dma_start3A_385] : memref<8x128x32xf32, #tpu.memory_space<vmem>> -> memref<1x128x32xf32, #tpu.memory_space<vmem>>
    %dma_start3A_387 = tpu.memref_squeeze %dma_start3A_386 : memref<1x128x32xf32, #tpu.memory_space<vmem>> -> memref<128x32xf32, #tpu.memory_space<vmem>>
    %dma_start3A_388 = arith.constant 0 : i32
    %dma_start3A_389 = tpu.memref_slice %arg4[%add3A_381, %dma_start3A_388] : memref<425984x32xf32, #tpu.memory_space<hbm>> -> memref<128x32xf32, #tpu.memory_space<hbm>>
    %dma_start3A_390 = tpu.memref_slice %arg9[%dma_start3A_383] : memref<8x!tpu.dma_semaphore, #tpu.memory_space<semaphore_mem>> -> memref<1x!tpu.dma_semaphore, #tpu.memory_space<semaphore_mem>>
    %dma_start3A_391 = tpu.memref_squeeze %dma_start3A_390 : memref<1x!tpu.dma_semaphore, #tpu.memory_space<semaphore_mem>> -> memref<!tpu.dma_semaphore, #tpu.memory_space<semaphore_mem>>
    %dma_start3A_392 = arith.constant 0 : i32
    %dma_start3A_393 = tpu.memref_slice %arg4[%add3A_381, %dma_start3A_392] : memref<425984x32xf32, #tpu.memory_space<hbm>> -> memref<128x32xf32, #tpu.memory_space<hbm>>
    %dma_start3A_394 = arith.constant 0 : i32
    %dma_start3A_395 = arith.constant 0 : i32
    %dma_start3A_396 = tpu.memref_slice %arg7[%dma_start3A_382, %dma_start3A_394, %dma_start3A_395] : memref<8x128x32xf32, #tpu.memory_space<vmem>> -> memref<1x128x32xf32, #tpu.memory_space<vmem>>
    %dma_start3A_397 = tpu.memref_squeeze %dma_start3A_396 : memref<1x128x32xf32, #tpu.memory_space<vmem>> -> memref<128x32xf32, #tpu.memory_space<vmem>>
    tpu.enqueue_dma source(%dma_start3A_397 : memref<128x32xf32, #tpu.memory_space<vmem>>) target(%dma_start3A_393 : memref<128x32xf32, #tpu.memory_space<hbm>>) target_semaphore(%dma_start3A_391 : memref<!tpu.dma_semaphore, #tpu.memory_space<semaphore_mem>>)
    %add3A_398 = arith.constant 12288 : i32
    %add3A_399 = arith.addi %mul3A_2, %add3A_398 : i32
    %dma_wait3A_400 = arith.constant 0 : i32
    %dma_wait3A_401 = arith.constant 0 : i32
    %dma_wait3A_402 = arith.constant 0 : i32
    %dma_wait3A_403 = arith.constant 0 : i32
    %dma_wait3A_404 = tpu.memref_slice %arg7[%dma_wait3A_400, %dma_wait3A_402, %dma_wait3A_403] : memref<8x128x32xf32, #tpu.memory_space<vmem>> -> memref<1x128x32xf32, #tpu.memory_space<vmem>>
    %dma_wait3A_405 = tpu.memref_squeeze %dma_wait3A_404 : memref<1x128x32xf32, #tpu.memory_space<vmem>> -> memref<128x32xf32, #tpu.memory_space<vmem>>
    %dma_wait3A_406 = arith.constant 0 : i32
    %dma_wait3A_407 = tpu.memref_slice %arg4[%add3A_399, %dma_wait3A_406] : memref<425984x32xf32, #tpu.memory_space<hbm>> -> memref<128x32xf32, #tpu.memory_space<hbm>>
    %dma_wait3A_408 = tpu.memref_slice %arg9[%dma_wait3A_401] : memref<8x!tpu.dma_semaphore, #tpu.memory_space<semaphore_mem>> -> memref<1x!tpu.dma_semaphore, #tpu.memory_space<semaphore_mem>>
    %dma_wait3A_409 = tpu.memref_squeeze %dma_wait3A_408 : memref<1x!tpu.dma_semaphore, #tpu.memory_space<semaphore_mem>> -> memref<!tpu.dma_semaphore, #tpu.memory_space<semaphore_mem>>
    %dma_wait3A_410 = arith.constant 0 : i32
    %dma_wait3A_411 = tpu.memref_slice %arg4[%add3A_399, %dma_wait3A_410] : memref<425984x32xf32, #tpu.memory_space<hbm>> -> memref<128x32xf32, #tpu.memory_space<hbm>>
    %dma_wait3A_412 = arith.constant 0 : i32
    %dma_wait3A_413 = arith.constant 0 : i32
    %dma_wait3A_414 = tpu.memref_slice %arg7[%dma_wait3A_400, %dma_wait3A_412, %dma_wait3A_413] : memref<8x128x32xf32, #tpu.memory_space<vmem>> -> memref<1x128x32xf32, #tpu.memory_space<vmem>>
    %dma_wait3A_415 = tpu.memref_squeeze %dma_wait3A_414 : memref<1x128x32xf32, #tpu.memory_space<vmem>> -> memref<128x32xf32, #tpu.memory_space<vmem>>
    tpu.wait_dma2 semaphore(%dma_wait3A_409 : memref<!tpu.dma_semaphore, #tpu.memory_space<semaphore_mem>>) src(%dma_wait3A_415 : memref<128x32xf32, #tpu.memory_space<vmem>>) dst(%dma_wait3A_411 : memref<128x32xf32, #tpu.memory_space<hbm>>)
    %add3A_416 = arith.constant 12416 : i32
    %add3A_417 = arith.addi %mul3A_2, %add3A_416 : i32
    %dma_wait3A_418 = arith.constant 1 : i32
    %dma_wait3A_419 = arith.constant 1 : i32
    %dma_wait3A_420 = arith.constant 0 : i32
    %dma_wait3A_421 = arith.constant 0 : i32
    %dma_wait3A_422 = tpu.memref_slice %arg7[%dma_wait3A_418, %dma_wait3A_420, %dma_wait3A_421] : memref<8x128x32xf32, #tpu.memory_space<vmem>> -> memref<1x128x32xf32, #tpu.memory_space<vmem>>
    %dma_wait3A_423 = tpu.memref_squeeze %dma_wait3A_422 : memref<1x128x32xf32, #tpu.memory_space<vmem>> -> memref<128x32xf32, #tpu.memory_space<vmem>>
    %dma_wait3A_424 = arith.constant 0 : i32
    %dma_wait3A_425 = tpu.memref_slice %arg4[%add3A_417, %dma_wait3A_424] : memref<425984x32xf32, #tpu.memory_space<hbm>> -> memref<128x32xf32, #tpu.memory_space<hbm>>
    %dma_wait3A_426 = tpu.memref_slice %arg9[%dma_wait3A_419] : memref<8x!tpu.dma_semaphore, #tpu.memory_space<semaphore_mem>> -> memref<1x!tpu.dma_semaphore, #tpu.memory_space<semaphore_mem>>
    %dma_wait3A_427 = tpu.memref_squeeze %dma_wait3A_426 : memref<1x!tpu.dma_semaphore, #tpu.memory_space<semaphore_mem>> -> memref<!tpu.dma_semaphore, #tpu.memory_space<semaphore_mem>>
    %dma_wait3A_428 = arith.constant 0 : i32
    %dma_wait3A_429 = tpu.memref_slice %arg4[%add3A_417, %dma_wait3A_428] : memref<425984x32xf32, #tpu.memory_space<hbm>> -> memref<128x32xf32, #tpu.memory_space<hbm>>
    %dma_wait3A_430 = arith.constant 0 : i32
    %dma_wait3A_431 = arith.constant 0 : i32
    %dma_wait3A_432 = tpu.memref_slice %arg7[%dma_wait3A_418, %dma_wait3A_430, %dma_wait3A_431] : memref<8x128x32xf32, #tpu.memory_space<vmem>> -> memref<1x128x32xf32, #tpu.memory_space<vmem>>
    %dma_wait3A_433 = tpu.memref_squeeze %dma_wait3A_432 : memref<1x128x32xf32, #tpu.memory_space<vmem>> -> memref<128x32xf32, #tpu.memory_space<vmem>>
    tpu.wait_dma2 semaphore(%dma_wait3A_427 : memref<!tpu.dma_semaphore, #tpu.memory_space<semaphore_mem>>) src(%dma_wait3A_433 : memref<128x32xf32, #tpu.memory_space<vmem>>) dst(%dma_wait3A_429 : memref<128x32xf32, #tpu.memory_space<hbm>>)
    %add3A_434 = arith.constant 12544 : i32
    %add3A_435 = arith.addi %mul3A_2, %add3A_434 : i32
    %dma_wait3A_436 = arith.constant 2 : i32
    %dma_wait3A_437 = arith.constant 2 : i32
    %dma_wait3A_438 = arith.constant 0 : i32
    %dma_wait3A_439 = arith.constant 0 : i32
    %dma_wait3A_440 = tpu.memref_slice %arg7[%dma_wait3A_436, %dma_wait3A_438, %dma_wait3A_439] : memref<8x128x32xf32, #tpu.memory_space<vmem>> -> memref<1x128x32xf32, #tpu.memory_space<vmem>>
    %dma_wait3A_441 = tpu.memref_squeeze %dma_wait3A_440 : memref<1x128x32xf32, #tpu.memory_space<vmem>> -> memref<128x32xf32, #tpu.memory_space<vmem>>
    %dma_wait3A_442 = arith.constant 0 : i32
    %dma_wait3A_443 = tpu.memref_slice %arg4[%add3A_435, %dma_wait3A_442] : memref<425984x32xf32, #tpu.memory_space<hbm>> -> memref<128x32xf32, #tpu.memory_space<hbm>>
    %dma_wait3A_444 = tpu.memref_slice %arg9[%dma_wait3A_437] : memref<8x!tpu.dma_semaphore, #tpu.memory_space<semaphore_mem>> -> memref<1x!tpu.dma_semaphore, #tpu.memory_space<semaphore_mem>>
    %dma_wait3A_445 = tpu.memref_squeeze %dma_wait3A_444 : memref<1x!tpu.dma_semaphore, #tpu.memory_space<semaphore_mem>> -> memref<!tpu.dma_semaphore, #tpu.memory_space<semaphore_mem>>
    %dma_wait3A_446 = arith.constant 0 : i32
    %dma_wait3A_447 = tpu.memref_slice %arg4[%add3A_435, %dma_wait3A_446] : memref<425984x32xf32, #tpu.memory_space<hbm>> -> memref<128x32xf32, #tpu.memory_space<hbm>>
    %dma_wait3A_448 = arith.constant 0 : i32
    %dma_wait3A_449 = arith.constant 0 : i32
    %dma_wait3A_450 = tpu.memref_slice %arg7[%dma_wait3A_436, %dma_wait3A_448, %dma_wait3A_449] : memref<8x128x32xf32, #tpu.memory_space<vmem>> -> memref<1x128x32xf32, #tpu.memory_space<vmem>>
    %dma_wait3A_451 = tpu.memref_squeeze %dma_wait3A_450 : memref<1x128x32xf32, #tpu.memory_space<vmem>> -> memref<128x32xf32, #tpu.memory_space<vmem>>
    tpu.wait_dma2 semaphore(%dma_wait3A_445 : memref<!tpu.dma_semaphore, #tpu.memory_space<semaphore_mem>>) src(%dma_wait3A_451 : memref<128x32xf32, #tpu.memory_space<vmem>>) dst(%dma_wait3A_447 : memref<128x32xf32, #tpu.memory_space<hbm>>)
    %add3A_452 = arith.constant 12672 : i32
    %add3A_453 = arith.addi %mul3A_2, %add3A_452 : i32
    %dma_wait3A_454 = arith.constant 3 : i32
    %dma_wait3A_455 = arith.constant 3 : i32
    %dma_wait3A_456 = arith.constant 0 : i32
    %dma_wait3A_457 = arith.constant 0 : i32
    %dma_wait3A_458 = tpu.memref_slice %arg7[%dma_wait3A_454, %dma_wait3A_456, %dma_wait3A_457] : memref<8x128x32xf32, #tpu.memory_space<vmem>> -> memref<1x128x32xf32, #tpu.memory_space<vmem>>
    %dma_wait3A_459 = tpu.memref_squeeze %dma_wait3A_458 : memref<1x128x32xf32, #tpu.memory_space<vmem>> -> memref<128x32xf32, #tpu.memory_space<vmem>>
    %dma_wait3A_460 = arith.constant 0 : i32
    %dma_wait3A_461 = tpu.memref_slice %arg4[%add3A_453, %dma_wait3A_460] : memref<425984x32xf32, #tpu.memory_space<hbm>> -> memref<128x32xf32, #tpu.memory_space<hbm>>
    %dma_wait3A_462 = tpu.memref_slice %arg9[%dma_wait3A_455] : memref<8x!tpu.dma_semaphore, #tpu.memory_space<semaphore_mem>> -> memref<1x!tpu.dma_semaphore, #tpu.memory_space<semaphore_mem>>
    %dma_wait3A_463 = tpu.memref_squeeze %dma_wait3A_462 : memref<1x!tpu.dma_semaphore, #tpu.memory_space<semaphore_mem>> -> memref<!tpu.dma_semaphore, #tpu.memory_space<semaphore_mem>>
    %dma_wait3A_464 = arith.constant 0 : i32
    %dma_wait3A_465 = tpu.memref_slice %arg4[%add3A_453, %dma_wait3A_464] : memref<425984x32xf32, #tpu.memory_space<hbm>> -> memref<128x32xf32, #tpu.memory_space<hbm>>
    %dma_wait3A_466 = arith.constant 0 : i32
    %dma_wait3A_467 = arith.constant 0 : i32
    %dma_wait3A_468 = tpu.memref_slice %arg7[%dma_wait3A_454, %dma_wait3A_466, %dma_wait3A_467] : memref<8x128x32xf32, #tpu.memory_space<vmem>> -> memref<1x128x32xf32, #tpu.memory_space<vmem>>
    %dma_wait3A_469 = tpu.memref_squeeze %dma_wait3A_468 : memref<1x128x32xf32, #tpu.memory_space<vmem>> -> memref<128x32xf32, #tpu.memory_space<vmem>>
    tpu.wait_dma2 semaphore(%dma_wait3A_463 : memref<!tpu.dma_semaphore, #tpu.memory_space<semaphore_mem>>) src(%dma_wait3A_469 : memref<128x32xf32, #tpu.memory_space<vmem>>) dst(%dma_wait3A_465 : memref<128x32xf32, #tpu.memory_space<hbm>>)
    %add3A_470 = arith.constant 12800 : i32
    %add3A_471 = arith.addi %mul3A_2, %add3A_470 : i32
    %dma_wait3A_472 = arith.constant 4 : i32
    %dma_wait3A_473 = arith.constant 4 : i32
    %dma_wait3A_474 = arith.constant 0 : i32
    %dma_wait3A_475 = arith.constant 0 : i32
    %dma_wait3A_476 = tpu.memref_slice %arg7[%dma_wait3A_472, %dma_wait3A_474, %dma_wait3A_475] : memref<8x128x32xf32, #tpu.memory_space<vmem>> -> memref<1x128x32xf32, #tpu.memory_space<vmem>>
    %dma_wait3A_477 = tpu.memref_squeeze %dma_wait3A_476 : memref<1x128x32xf32, #tpu.memory_space<vmem>> -> memref<128x32xf32, #tpu.memory_space<vmem>>
    %dma_wait3A_478 = arith.constant 0 : i32
    %dma_wait3A_479 = tpu.memref_slice %arg4[%add3A_471, %dma_wait3A_478] : memref<425984x32xf32, #tpu.memory_space<hbm>> -> memref<128x32xf32, #tpu.memory_space<hbm>>
    %dma_wait3A_480 = tpu.memref_slice %arg9[%dma_wait3A_473] : memref<8x!tpu.dma_semaphore, #tpu.memory_space<semaphore_mem>> -> memref<1x!tpu.dma_semaphore, #tpu.memory_space<semaphore_mem>>
    %dma_wait3A_481 = tpu.memref_squeeze %dma_wait3A_480 : memref<1x!tpu.dma_semaphore, #tpu.memory_space<semaphore_mem>> -> memref<!tpu.dma_semaphore, #tpu.memory_space<semaphore_mem>>
    %dma_wait3A_482 = arith.constant 0 : i32
    %dma_wait3A_483 = tpu.memref_slice %arg4[%add3A_471, %dma_wait3A_482] : memref<425984x32xf32, #tpu.memory_space<hbm>> -> memref<128x32xf32, #tpu.memory_space<hbm>>
    %dma_wait3A_484 = arith.constant 0 : i32
    %dma_wait3A_485 = arith.constant 0 : i32
    %dma_wait3A_486 = tpu.memref_slice %arg7[%dma_wait3A_472, %dma_wait3A_484, %dma_wait3A_485] : memref<8x128x32xf32, #tpu.memory_space<vmem>> -> memref<1x128x32xf32, #tpu.memory_space<vmem>>
    %dma_wait3A_487 = tpu.memref_squeeze %dma_wait3A_486 : memref<1x128x32xf32, #tpu.memory_space<vmem>> -> memref<128x32xf32, #tpu.memory_space<vmem>>
    tpu.wait_dma2 semaphore(%dma_wait3A_481 : memref<!tpu.dma_semaphore, #tpu.memory_space<semaphore_mem>>) src(%dma_wait3A_487 : memref<128x32xf32, #tpu.memory_space<vmem>>) dst(%dma_wait3A_483 : memref<128x32xf32, #tpu.memory_space<hbm>>)
    %add3A_488 = arith.constant 12928 : i32
    %add3A_489 = arith.addi %mul3A_2, %add3A_488 : i32
    %dma_wait3A_490 = arith.constant 5 : i32
    %dma_wait3A_491 = arith.constant 5 : i32
    %dma_wait3A_492 = arith.constant 0 : i32
    %dma_wait3A_493 = arith.constant 0 : i32
    %dma_wait3A_494 = tpu.memref_slice %arg7[%dma_wait3A_490, %dma_wait3A_492, %dma_wait3A_493] : memref<8x128x32xf32, #tpu.memory_space<vmem>> -> memref<1x128x32xf32, #tpu.memory_space<vmem>>
    %dma_wait3A_495 = tpu.memref_squeeze %dma_wait3A_494 : memref<1x128x32xf32, #tpu.memory_space<vmem>> -> memref<128x32xf32, #tpu.memory_space<vmem>>
    %dma_wait3A_496 = arith.constant 0 : i32
    %dma_wait3A_497 = tpu.memref_slice %arg4[%add3A_489, %dma_wait3A_496] : memref<425984x32xf32, #tpu.memory_space<hbm>> -> memref<128x32xf32, #tpu.memory_space<hbm>>
    %dma_wait3A_498 = tpu.memref_slice %arg9[%dma_wait3A_491] : memref<8x!tpu.dma_semaphore, #tpu.memory_space<semaphore_mem>> -> memref<1x!tpu.dma_semaphore, #tpu.memory_space<semaphore_mem>>
    %dma_wait3A_499 = tpu.memref_squeeze %dma_wait3A_498 : memref<1x!tpu.dma_semaphore, #tpu.memory_space<semaphore_mem>> -> memref<!tpu.dma_semaphore, #tpu.memory_space<semaphore_mem>>
    %dma_wait3A_500 = arith.constant 0 : i32
    %dma_wait3A_501 = tpu.memref_slice %arg4[%add3A_489, %dma_wait3A_500] : memref<425984x32xf32, #tpu.memory_space<hbm>> -> memref<128x32xf32, #tpu.memory_space<hbm>>
    %dma_wait3A_502 = arith.constant 0 : i32
    %dma_wait3A_503 = arith.constant 0 : i32
    %dma_wait3A_504 = tpu.memref_slice %arg7[%dma_wait3A_490, %dma_wait3A_502, %dma_wait3A_503] : memref<8x128x32xf32, #tpu.memory_space<vmem>> -> memref<1x128x32xf32, #tpu.memory_space<vmem>>
    %dma_wait3A_505 = tpu.memref_squeeze %dma_wait3A_504 : memref<1x128x32xf32, #tpu.memory_space<vmem>> -> memref<128x32xf32, #tpu.memory_space<vmem>>
    tpu.wait_dma2 semaphore(%dma_wait3A_499 : memref<!tpu.dma_semaphore, #tpu.memory_space<semaphore_mem>>) src(%dma_wait3A_505 : memref<128x32xf32, #tpu.memory_space<vmem>>) dst(%dma_wait3A_501 : memref<128x32xf32, #tpu.memory_space<hbm>>)
    %add3A_506 = arith.constant 13056 : i32
    %add3A_507 = arith.addi %mul3A_2, %add3A_506 : i32
    %dma_wait3A_508 = arith.constant 6 : i32
    %dma_wait3A_509 = arith.constant 6 : i32
    %dma_wait3A_510 = arith.constant 0 : i32
    %dma_wait3A_511 = arith.constant 0 : i32
    %dma_wait3A_512 = tpu.memref_slice %arg7[%dma_wait3A_508, %dma_wait3A_510, %dma_wait3A_511] : memref<8x128x32xf32, #tpu.memory_space<vmem>> -> memref<1x128x32xf32, #tpu.memory_space<vmem>>
    %dma_wait3A_513 = tpu.memref_squeeze %dma_wait3A_512 : memref<1x128x32xf32, #tpu.memory_space<vmem>> -> memref<128x32xf32, #tpu.memory_space<vmem>>
    %dma_wait3A_514 = arith.constant 0 : i32
    %dma_wait3A_515 = tpu.memref_slice %arg4[%add3A_507, %dma_wait3A_514] : memref<425984x32xf32, #tpu.memory_space<hbm>> -> memref<128x32xf32, #tpu.memory_space<hbm>>
    %dma_wait3A_516 = tpu.memref_slice %arg9[%dma_wait3A_509] : memref<8x!tpu.dma_semaphore, #tpu.memory_space<semaphore_mem>> -> memref<1x!tpu.dma_semaphore, #tpu.memory_space<semaphore_mem>>
    %dma_wait3A_517 = tpu.memref_squeeze %dma_wait3A_516 : memref<1x!tpu.dma_semaphore, #tpu.memory_space<semaphore_mem>> -> memref<!tpu.dma_semaphore, #tpu.memory_space<semaphore_mem>>
    %dma_wait3A_518 = arith.constant 0 : i32
    %dma_wait3A_519 = tpu.memref_slice %arg4[%add3A_507, %dma_wait3A_518] : memref<425984x32xf32, #tpu.memory_space<hbm>> -> memref<128x32xf32, #tpu.memory_space<hbm>>
    %dma_wait3A_520 = arith.constant 0 : i32
    %dma_wait3A_521 = arith.constant 0 : i32
    %dma_wait3A_522 = tpu.memref_slice %arg7[%dma_wait3A_508, %dma_wait3A_520, %dma_wait3A_521] : memref<8x128x32xf32, #tpu.memory_space<vmem>> -> memref<1x128x32xf32, #tpu.memory_space<vmem>>
    %dma_wait3A_523 = tpu.memref_squeeze %dma_wait3A_522 : memref<1x128x32xf32, #tpu.memory_space<vmem>> -> memref<128x32xf32, #tpu.memory_space<vmem>>
    tpu.wait_dma2 semaphore(%dma_wait3A_517 : memref<!tpu.dma_semaphore, #tpu.memory_space<semaphore_mem>>) src(%dma_wait3A_523 : memref<128x32xf32, #tpu.memory_space<vmem>>) dst(%dma_wait3A_519 : memref<128x32xf32, #tpu.memory_space<hbm>>)
    %add3A_524 = arith.constant 13184 : i32
    %add3A_525 = arith.addi %mul3A_2, %add3A_524 : i32
    %dma_wait3A_526 = arith.constant 7 : i32
    %dma_wait3A_527 = arith.constant 7 : i32
    %dma_wait3A_528 = arith.constant 0 : i32
    %dma_wait3A_529 = arith.constant 0 : i32
    %dma_wait3A_530 = tpu.memref_slice %arg7[%dma_wait3A_526, %dma_wait3A_528, %dma_wait3A_529] : memref<8x128x32xf32, #tpu.memory_space<vmem>> -> memref<1x128x32xf32, #tpu.memory_space<vmem>>
    %dma_wait3A_531 = tpu.memref_squeeze %dma_wait3A_530 : memref<1x128x32xf32, #tpu.memory_space<vmem>> -> memref<128x32xf32, #tpu.memory_space<vmem>>
    %dma_wait3A_532 = arith.constant 0 : i32
    %dma_wait3A_533 = tpu.memref_slice %arg4[%add3A_525, %dma_wait3A_532] : memref<425984x32xf32, #tpu.memory_space<hbm>> -> memref<128x32xf32, #tpu.memory_space<hbm>>
    %dma_wait3A_534 = tpu.memref_slice %arg9[%dma_wait3A_527] : memref<8x!tpu.dma_semaphore, #tpu.memory_space<semaphore_mem>> -> memref<1x!tpu.dma_semaphore, #tpu.memory_space<semaphore_mem>>
    %dma_wait3A_535 = tpu.memref_squeeze %dma_wait3A_534 : memref<1x!tpu.dma_semaphore, #tpu.memory_space<semaphore_mem>> -> memref<!tpu.dma_semaphore, #tpu.memory_space<semaphore_mem>>
    %dma_wait3A_536 = arith.constant 0 : i32
    %dma_wait3A_537 = tpu.memref_slice %arg4[%add3A_525, %dma_wait3A_536] : memref<425984x32xf32, #tpu.memory_space<hbm>> -> memref<128x32xf32, #tpu.memory_space<hbm>>
    %dma_wait3A_538 = arith.constant 0 : i32
    %dma_wait3A_539 = arith.constant 0 : i32
    %dma_wait3A_540 = tpu.memref_slice %arg7[%dma_wait3A_526, %dma_wait3A_538, %dma_wait3A_539] : memref<8x128x32xf32, #tpu.memory_space<vmem>> -> memref<1x128x32xf32, #tpu.memory_space<vmem>>
    %dma_wait3A_541 = tpu.memref_squeeze %dma_wait3A_540 : memref<1x128x32xf32, #tpu.memory_space<vmem>> -> memref<128x32xf32, #tpu.memory_space<vmem>>
    tpu.wait_dma2 semaphore(%dma_wait3A_535 : memref<!tpu.dma_semaphore, #tpu.memory_space<semaphore_mem>>) src(%dma_wait3A_541 : memref<128x32xf32, #tpu.memory_space<vmem>>) dst(%dma_wait3A_537 : memref<128x32xf32, #tpu.memory_space<hbm>>)
    return
  }
}

module attributes {stable_mosaic.version = 14 : i64} {
  func.func @_tr_body(%arg0: i32, %arg1: memref<32x16384xf32, #tpu.memory_space<vmem>>, %arg2: memref<4096x128xf32, #tpu.memory_space<vmem>>) attributes {dimension_semantics = [#tpu.dimension_semantics<arbitrary>], iteration_bounds = array<i64: 159>, scalar_prefetch = 0 : i64, scratch_operands = 0 : i64, tpu.core_type = #tpu.core_type<tc>, window_params = [{transform_indices = @transform_0, window_bounds = array<i64: 32, 16384>}, {transform_indices = @transform_1, window_bounds = array<i64: 4096, 128>}]} {
    %get3A = arith.constant 0 : index
    %get3A_0 = arith.constant 0 : index
    %get3A_1 = vector.load %arg1[%get3A, %get3A_0] : memref<32x16384xf32, #tpu.memory_space<vmem>>, vector<32x16384xf32>
    %transpose3A = tpu.transpose %get3A_1, [1, 0] : vector<32x16384xf32> -> vector<16384x32xf32>
    %reshape3A = vector.shape_cast %transpose3A : vector<16384x32xf32> to vector<4096x4x32xf32>
    %slice3A = vector.extract_strided_slice %reshape3A {offsets = [0, 0, 0], sizes = [4096, 1, 32], strides = [1, 1, 1]} : vector<4096x4x32xf32> to vector<4096x1x32xf32>
    %squeeze3A = vector.shape_cast %slice3A : vector<4096x1x32xf32> to vector<4096x32xf32>
    %slice3A_2 = vector.extract_strided_slice %reshape3A {offsets = [0, 1, 0], sizes = [4096, 1, 32], strides = [1, 1, 1]} : vector<4096x4x32xf32> to vector<4096x1x32xf32>
    %squeeze3A_3 = vector.shape_cast %slice3A_2 : vector<4096x1x32xf32> to vector<4096x32xf32>
    %slice3A_4 = vector.extract_strided_slice %reshape3A {offsets = [0, 2, 0], sizes = [4096, 1, 32], strides = [1, 1, 1]} : vector<4096x4x32xf32> to vector<4096x1x32xf32>
    %squeeze3A_5 = vector.shape_cast %slice3A_4 : vector<4096x1x32xf32> to vector<4096x32xf32>
    %slice3A_6 = vector.extract_strided_slice %reshape3A {offsets = [0, 3, 0], sizes = [4096, 1, 32], strides = [1, 1, 1]} : vector<4096x4x32xf32> to vector<4096x1x32xf32>
    %squeeze3A_7 = vector.shape_cast %slice3A_6 : vector<4096x1x32xf32> to vector<4096x32xf32>
    %concatenate3A = tpu.concatenate %squeeze3A, %squeeze3A_3, %squeeze3A_5, %squeeze3A_7 in 1 : vector<4096x32xf32>, vector<4096x32xf32>, vector<4096x32xf32>, vector<4096x32xf32> -> vector<4096x128xf32>
    %swap3A = arith.constant 0 : index
    %swap3A_8 = arith.constant 0 : index
    %swap3A_9 = vector.load %arg2[%swap3A, %swap3A_8] : memref<4096x128xf32, #tpu.memory_space<vmem>>, vector<4096x128xf32>
    tpu.vector_store %arg2[%swap3A, %swap3A_8], %concatenate3A {strides = array<i32>} : memref<4096x128xf32, #tpu.memory_space<vmem>>, vector<4096x128xf32>,
    return
  }
  func.func @transform_0(%arg0: i32) -> (i32, i32) {
    %c0_i32 = arith.constant 0 : i32
    %c0_i32_0 = arith.constant 0 : i32
    return %c0_i32, %arg0 : i32, i32
  }
  func.func @transform_1(%arg0: i32) -> (i32, i32) {
    %c0_i32 = arith.constant 0 : i32
    %c0_i32_0 = arith.constant 0 : i32
    return %arg0, %c0_i32 : i32, i32
  }
}

module attributes {stable_mosaic.version = 14 : i64} {
  func.func @_norm_body(%arg0: i32, %arg1: memref<2048x32xf32, #tpu.memory_space<vmem>>, %arg2: memref<2048x32xf32, #tpu.memory_space<vmem>>) attributes {dimension_semantics = [#tpu.dimension_semantics<arbitrary>], iteration_bounds = array<i64: 208>, scalar_prefetch = 0 : i64, scratch_operands = 0 : i64, tpu.core_type = #tpu.core_type<tc>, window_params = [{transform_indices = @transform_0, window_bounds = array<i64: 2048, 32>}, {transform_indices = @transform_1, window_bounds = array<i64: 2048, 32>}]} {
    %get3A = arith.constant 0 : index
    %get3A_0 = arith.constant 0 : index
    %get3A_1 = vector.load %arg1[%get3A, %get3A_0] : memref<2048x32xf32, #tpu.memory_space<vmem>>, vector<2048x32xf32>
    %mul3A = arith.mulf %get3A_1, %get3A_1 : vector<2048x32xf32>
    %reduce_sum3A = arith.constant dense<0.000000e+00> : vector<2048xf32>
    %reduce_sum3A_2 = vector.multi_reduction <add>, %mul3A, %reduce_sum3A [1] : vector<2048x32xf32> to vector<2048xf32>
    %broadcast_in_dim3A = vector.shape_cast %reduce_sum3A_2 : vector<2048xf32> to vector<2048x1xf32>
    %sqrt3A = arith.constant 3.200000e+01 : f32
    %sqrt3A_3 = math.sqrt %sqrt3A : f32
    %sqrt3A_4 = math.sqrt %broadcast_in_dim3A : vector<2048x1xf32>
    %max3A = arith.constant 9.99999968E-21 : f32
    %max3A_5 = vector.broadcast %max3A : f32 to vector<2048x1xf32>
    %max3A_6 = arith.maximumf %sqrt3A_4, %max3A_5 : vector<2048x1xf32>
    %div3A = vector.broadcast %sqrt3A_3 : f32 to vector<2048x1xf32>
    %div3A_7 = arith.divf %div3A, %max3A_6 : vector<2048x1xf32>
    %mul3A_8 = vector.broadcast %div3A_7 : vector<2048x1xf32> to vector<2048x32xf32>
    %mul3A_9 = arith.mulf %get3A_1, %mul3A_8 : vector<2048x32xf32>
    %swap3A = arith.constant 0 : index
    %swap3A_10 = arith.constant 0 : index
    %swap3A_11 = vector.load %arg2[%swap3A, %swap3A_10] : memref<2048x32xf32, #tpu.memory_space<vmem>>, vector<2048x32xf32>
    tpu.vector_store %arg2[%swap3A, %swap3A_10], %mul3A_9 {strides = array<i32>} : memref<2048x32xf32, #tpu.memory_space<vmem>>, vector<2048x32xf32>,
    return
  }
  func.func @transform_0(%arg0: i32) -> (i32, i32) {
    %c0_i32 = arith.constant 0 : i32
    %c0_i32_0 = arith.constant 0 : i32
    return %arg0, %c0_i32 : i32, i32
  }
  func.func @transform_1(%arg0: i32) -> (i32, i32) {
    %c0_i32 = arith.constant 0 : i32
    %c0_i32_0 = arith.constant 0 : i32
    return %arg0, %c0_i32 : i32, i32
  }
}

</mosaic_0001>

<sc_bundles>
// kernel: kernel.5.cloned.1.call-start
scs
__scs_entry_jumppad:
0x0: {  	(pc) =	sbr.rel $0x88, $3  }
0x1: {  	(tag) =	ssettag $0x0;
	lr =	simm.s32 $0x1  }
0x2: {  	[smem:$0x3F9F] =	sst lr;
	_ =	strace $0xD0000000  }
0x3: {  	_ = 	snop  }
0x4: {  	_ = 	snop  }
0x5: {  	_ = 	snop  }
0x6: {  	_ = 	snop  }
0x7: {  	_ = 	snop  }
__scs_overlays_trampoline_lowered:
0x8: {  	[smem:$0x3FAE] =	sst s0  }
0x9: {  	[smem:$0x3FAF] =	sst s1  }
0xa: {  	[smem:$0x3FB0] =	sst s2  }
0xb: {  	[smem:$0x3FB1] =	sst s3  }
0xc: {  	[smem:$0x3FB2] =	sst s4  }
0xd: {  	[smem:$0x3FB3] =	sst s5  }
0xe: {  	[smem:$0x3FB4] =	sst s6  }
0xf: {  	[smem:$0x3FB5] =	sst s7  }
0x10: {  	[smem:$0x3FB6] =	sst s8  }
0x11: {  	[smem:$0x3FB7] =	sst s9;
	s0 =	simm.s32 @!p0 $0x0  }
0x12: {  	s1 =	sld [smem:$0x3F9D];
	s0 =	simm.s32 @p0 $0x1  }
0x13: {  	[smem:$0x3FB8] =	sst s0;
	s0 =	simm.s32 @!p1 $0x0  }
0x14: {  	s2 =	sld [smem:$0x3F9C];
	s0 =	simm.s32 @p1 $0x1  }
0x15: {  	[smem:$0x3FB9] =	sst s0;
	s0 =	simm.s32 @!p2 $0x0  }
0x16: {  	s3 =	sld [smem:$0x3FDB];
	s0 =	simm.s32 @p2 $0x1  }
0x17: {  	s4 =	simm.s32 $0x1BF5;
	[smem:$0x3FBB] =	sst s0  }
0x18: {  	s0 =	sld [smem:$0x3F9E];
	_ =	swait.ge [sflag:s4], $0x0  }
0x19: {  	s7 =	sld [smem:$0x3F9F]  }
0x1a: {  	s8 =	sadd.s32 $0xFFFFE003, lr  }
0x1b: {  	s9 =	sadd.s32 $0xFFFFFEF7, lr;
	s5 =	simm.s32 $0xFFFFFFFF;
	p2 =	slt.u32 s8, $0xFFFFF086  }
0x1c: {  	p1 =	slt.u32 s9, $0xF7A;
	s5 =	simm.s32 @!p2 $0x0  }
0x1d: {  	s5 =	simm.s32 @p1 $0x1;
	p0 =	seq.s32 s7, s2  }
0x1e: {  	s7 =	smul.u32 @!p0 $0xF7A, s2;
	p2 =	seq.s32 @!p0 s5, $0x0  }
0x1f: {  	s9 =	smul.u32 $0xF7A, s1;
	s8 =	simm.s32 @!p0 $0x1BF5;
	p2 =	por !p2, p0  }
0x20: {  	[sflag:s8] =	ssyncset.s32 @!p0 $0xFFFFF086;
	s6 =	sadd.s32 @!p0 s3, s7;
	s7 =	simm.s32 @!p0 $0x108  }
0x21: {  	s3 =	sadd.s32 s3, s9;
	s6 =	sadd.s32 @!p0 $0x88, s6;
	s7 =	simm.s32 @p2 $0x1082  }
0x22: {  	[simem:s7], [sflag:s8] =	dma.local @!p0 [hbm:s6], $0xF7A  }
0x23: {  	s9 =	sor.u32 $0xD0000000, s2;
	s6 =	simm.s32 $0x108;
	_ =	swait.ge @!p0 [sflag:s8], $0x0  }
0x24: {  	s3 =	sadd.s32 $0x88, s3;
	s6 =	simm.s32 @!p1 $0x1082;
	[sflag:s4] =	ssyncset.s32 $0xFFFFF086  }
0x25: {  	[simem:s6], [sflag:s4] =	dma.local [hbm:s3], $0xF7A  }
0x26: {  	[smem:$0x3F9F] =	sst s1;
	(tag) =	ssettag s2;
	_ =	strace s9  }
0x27: {  	s1 =	sld [smem:$0x3FAF]  }
0x28: {  	s2 =	sld [smem:$0x3FB0]  }
0x29: {  	s4 =	sld [smem:$0x3FB2]  }
0x2a: {  	p0 =	seq.s32 s5, $0x0;
	s5 =	sld [smem:$0x3FB3]  }
0x2b: {  	s6 =	sld [smem:$0x3FB4]  }
0x2c: {  	s7 =	sld [smem:$0x3FB5]  }
0x2d: {  	s3 =	simm.s32 $0x108;
	s8 =	sld [smem:$0x3FB6]  }
0x2e: {  	s3 =	simm.s32 @!p0 $0x1082;
	s9 =	sld [smem:$0x3FB7]  }
0x2f: {  	lr =	sadd.s32 s0, s3;
	s0 =	sld [smem:$0x3FAE]  }
0x30: {  	s3 =	sld [smem:$0x3FB1]  }
0x31: {  	[smem:$0x3FBA] =	sst s10  }
0x32: {  	s10 =	sld [smem:$0x3FB8];
	_ =	sdelay $0x3  }
0x33: {  	p0 =	seq.s32 s10, $0x1;
	s10 =	sld [smem:$0x3FBA];
	_ =	sdelay $0x3  }
0x34: {  	[smem:$0x3FBA] =	sst s10  }
0x35: {  	s10 =	sld [smem:$0x3FB9];
	_ =	sdelay $0x3  }
0x36: {  	p1 =	seq.s32 s10, $0x1;
	s10 =	sld [smem:$0x3FBA];
	_ =	sdelay $0x3  }
0x37: {  	[smem:$0x3FBA] =	sst s10  }
0x38: {  	s10 =	sld [smem:$0x3FBB]  }
0x39: {  	_ = 	snop;
	(pc) =	sbr.ind lr, $3  }
0x3a: {  	_ = 	snop  }
0x3b: {  	_ = 	snop  }
0x3c: {  	p2 =	seq.s32 s10, $0x1;
	s10 =	sld [smem:$0x3FBA]  }
0x3d: {  	_ =	shalt  }
0x3e: {  	_ =	shalt  }
0x3f: {  	_ =	shalt  }
0x40: {  	_ =	shalt  }
0x41: {  	_ =	shalt  }
0x42: {  	_ =	shalt  }
0x43: {  	_ =	shalt  }
0x44: {  	_ =	shalt  }
0x45: {  	_ =	shalt  }
0x46: {  	_ =	shalt  }
0x47: {  	_ =	shalt  }
0x48: {  	_ =	shalt  }
0x49: {  	_ =	shalt  }
0x4a: {  	_ =	shalt  }
0x4b: {  	_ =	shalt  }
0x4c: {  	_ =	shalt  }
0x4d: {  	_ =	shalt  }
0x4e: {  	_ =	shalt  }
0x4f: {  	_ =	shalt  }
0x50: {  	_ =	shalt  }
0x51: {  	_ =	shalt  }
0x52: {  	_ =	shalt  }
0x53: {  	_ =	shalt  }
0x54: {  	_ =	shalt  }
0x55: {  	_ =	shalt  }
0x56: {  	_ =	shalt  }
0x57: {  	_ =	shalt  }
0x58: {  	_ =	shalt  }
0x59: {  	_ =	shalt  }
0x5a: {  	_ =	shalt  }
0x5b: {  	_ =	shalt  }
0x5c: {  	_ =	shalt  }
0x5d: {  	_ =	shalt  }
0x5e: {  	_ =	shalt  }
0x5f: {  	_ =	shalt  }
0x60: {  	_ =	shalt  }
0x61: {  	_ =	shalt  }
0x62: {  	_ =	shalt  }
0x63: {  	_ =	shalt  }
0x64: {  	_ =	shalt  }
0x65: {  	_ =	shalt  }
0x66: {  	_ =	shalt  }
0x67: {  	_ =	shalt  }
0x68: {  	_ =	shalt  }
0x69: {  	_ =	shalt  }
0x6a: {  	_ =	shalt  }
0x6b: {  	_ =	shalt  }
0x6c: {  	_ =	shalt  }
0x6d: {  	_ =	shalt  }
0x6e: {  	_ =	shalt  }
0x6f: {  	_ =	shalt  }
0x70: {  	_ =	shalt  }
0x71: {  	_ =	shalt  }
0x72: {  	_ =	shalt  }
0x73: {  	_ =	shalt  }
0x74: {  	_ =	shalt  }
0x75: {  	_ =	shalt  }
0x76: {  	_ =	shalt  }
0x77: {  	_ =	shalt  }
0x78: {  	_ =	shalt  }
0x79: {  	_ =	shalt  }
0x7a: {  	_ =	shalt  }
0x7b: {  	_ =	shalt  }
0x7c: {  	_ =	shalt  }
0x7d: {  	_ =	shalt  }
0x7e: {  	_ =	shalt  }
0x7f: {  	_ =	shalt  }
0x80: {  	_ =	shalt  }
0x81: {  	_ =	shalt  }
0x82: {  	_ =	shalt  }
0x83: {  	_ =	shalt  }
0x84: {  	_ =	shalt  }
0x85: {  	_ =	shalt  }
0x86: {  	_ =	shalt  }
0x87: {  	_ =	shalt  }
.Lfunc_end0:
.L_simem_size_0:
called_computation.1_lowered:
.L_overlay_start_0:
0x88: {  	s2 =	sld [smem:$0x3FD9]  }
0x89: {  	s3 =	sld [smem:$0x3FFE];
	_ =	sdelay $0x1  }
0x8a: {  	s1 =	srdreg.scid  }
0x8b: {  	s0 =	sand.u32 $0x1, s1  }
0x8c: {  	s17 =	sshll.u32 s0, $0xA;
	s2 =	sadd.s32 s3, s2  }
0x8d: {  	s2 =	sadd.s32 s2, s17  }
0x8e: {  	[smem:$0x3FC6] =	sst s2  }
0x8f: {  	_ = 	snop  }
0x90: {  	s2 =	sld [smem:$0x3FD0];
	(tm) =	ssettm $0x1  }
0x91: {  	s18 =	sld [smem:$0x3FFB];
	_ =	sdelay $0x3  }
0x92: {  	_ =	strace s18  }
0x93: {  	s3 =	sld [smem:$0x3FFC];
	_ =	sdelay $0x3  }
0x94: {  	_ =	strace s3  }
0x95: {  	s3 =	sld [smem:$0x3FFD];
	_ =	sdelay $0x3  }
0x96: {  	_ =	strace s3  }
0x97: {  	_ =	strace $0x8FFFFFFF  }
0x98: {  	s19 =	sld [smem:$0x3FDB];
	_ =	sdelay $0x1  }
0x99: {  	s4 =	simm.s32 $_scs_section_size  }
0x9a: {  	s5 =	simm.s32 $_size__tile_overlayer_lowered;
	s6 =	simm.s32 $_tile_overlayer_lowered  }
0x9b: {  	s22 =	simm.s32 $0x1BFF;
	s21 =	sshll.u32 s6, $0x1;
	s3 =	sadd.s32 s4, s19  }
0x9c: {  	s7 =	simm.s32 $0x0;
	s20 =	sshll.u32 s5, $0x1;
	s5 =	sadd.s32 s21, s3  }
0x9d: {  	[timem:s7], [sflag:s22] =	dma.local [hbm:s5], s20  }
0x9e: {  	_ =	swait.ge [sflag:s22], s20  }
0x9f: {  	s4 =	ssub.s32 $0x0, s20;
	[sflag:s22] =	ssyncset.done $0x0  }
0xa0: {  	[sflag:s22] =	ssyncadd.s32 s4;
	_ =	sdelay $0x1  }
0xa1: {  	s23 =	simm.s32 $0x1B8B  }
0xa2: {  	_ =	swait.ge [sflag:s23], $0x1  }
0xa3: {  	[sflag:s23] =	ssyncset.done $0x0  }
0xa4: {  	s25 =	simm.s32 $0x1B8E;
	s24 =	sld [smem:$0x3FFE];
	[sflag:s23] =	ssyncadd.s32 $0xFFFFFFFF  }
0xa5: {  	s26 =	simm.s32 $execute0_lowered;
	[smem:$0x3FD2] =	sst s25  }
0xa6: {  	s5 =	sshll.u32 s26, $0x1;
	_ =	strace $0x80000046;
	[dreg:$0x1] =	wrdreg $0xFFFFFFFF  }
0xa7: {  	s28 =	simm.s32 $_size_execute0_lowered;
	s3 =	sadd.s32 s3, s5;
	[dreg:$0x0] =	wrdreg $0x0  }
0xa8: {  	s5 =	sshll.u32 s28, $0x1;
	[dreg:$0x2] =	wrdreg s3  }
0xa9: {  	[dreg:$0x3] =	wrdreg s5  }
0xaa: {  	[dreg:$0x4] =	wrdreg $0xC0  }
0xab: {  	_ =	task [dreg:s7], $0x5FFFF  }
0xac: {  	[dreg:$0x1] =	wrdreg $0xFFFFFFFF  }
0xad: {  	[dreg:$0x0] =	wrdreg $0x60  }
0xae: {  	[dreg:$0x2] =	wrdreg s24  }
0xaf: {  	[dreg:$0x3] =	wrdreg s2  }
0xb0: {  	[dreg:$0x4] =	wrdreg $0x9  }
0xb1: {  	_ =	task.clear_ibuf [dreg:s7], $0x5FFFF;
	_ =	strace $0x90000046  }
0xb2: {  	s29 =	simm.s32 $0x9;
	_ =	strace $0x80000048  }
0xb3: {  	_ =	swait.ge [sflag:s29], $0x1  }
0xb4: {  	[sflag:s29] =	ssyncadd.s32 $0xFFFFFFFF  }
0xb5: {  	_ =	strace $0x90000048  }
0xb6: {  	_ =	sfence  }
0xb7: {  	s30 =	sld [smem:$0x0];
	_ =	sdelay $0x2  }
0xb8: {  	s31 =	sshll.u32 s1, $0xD;
	s1 =	sshrl.u32 s1, $0x2  }
0xb9: {  	s3 =	sand.u32 $0x4000, s31;
	s1 =	sadd.s32 s1, s30  }
0xba: {  	s0 =	sor.u32 s3, s0;
	s1 =	sshll.u32 s1, $0x11  }
0xbb: {  	s0 =	sor.u32 s1, s0  }
0xbc: {  	s0 =	sadd.s32 $0x8F2B, s0  }
0xbd: {  	[sflag:s0] =	ssyncadd.remote.s32 $0x1  }
0xbe: {  	_ =	sfence.sel $0xFFFF  }
0xbf: {  	[dreg:$0x0] =	wrdreg $0xFFFFFFFF;
	(pc) =	sbr.abs _section_cstart, $3  }
0xc0: {  	[dreg:$0x1] =	wrdreg $0xFFFFFFFF  }
0xc1: {  	_ =	task.clear_ibuf [dreg:s7], $0x2FFFF;
	_ =	strace $0x9FFFFFFF  }
0xc2: {  	(tm) =	ssettm $0x7FFFFFFF  }
0xc3: {  	_ =	shalt  }
tec
execute0_lowered:
.L_overlay_start_1:
0x0: {  	(tag) =	ssettag $0x1  }
0x1: {  	s0 =	srdreg.scid  }
0x2: {  	s9 =	stileid.u32;
	s3 =	rddreg [dreg:$0x0]  }
0x3: {  	s4 =	rddreg [dreg:$0x1];
	s6 =	smul.u32 $0xD0000, s9  }
0x4: {  	s0 =	sand.u32 $0x1, s0;
	s1 =	sshll.u32 s9, $0x1;
	s9 =	smul.u32 $0x6800, s9  }
0x5: {  	s2 =	simm.s32 $0x0;
	s1 =	sor.u32 s0, s1;
	s7 =	smul.u32 $0x68000, s0  }
0x6: {  	[smem:$0x7FF] =	sst s2;
	s8 =	ssub.s32 $0x2, s0;
	s5 =	smul.u32 $0x3400, s1  }
0x7: {  	_ =	strace $0x80000047;
	s1 =	smul.u32 $0x68000, s1;
	s10 =	sshrl.u32 s8, $0x1  }
0x8: {  	s0 =	smul.u32 $0x3400, s0;
	s8 =	ssub.s32 s8, s10;
	s5 =	sshrl.u32 s5, $0x3  }
0x9: {  	s1 =	sshrl.u32 s1, $0x3;
	s26 =	smax.u32 s8, $0x1;
	s5 =	sadd.s32 s5, s3  }
0xa: {  	s1 =	sadd.s32 s4, s1;
	[dreg:$0x14] =	wrdreg s26;
	s5 =	sadd.s32 $0x800, s5  }
0xb: {  	s13 =	sadd.s32 $0xC000, s1;
	[dreg:$0xb] =	wrdreg s5  }
0xc: {  	s0 =	sadd.s32 s0, s9;
	s14 =	sadd.s32 $0xC200, s1;
	[dreg:$0xc] =	wrdreg s13  }
0xd: {  	s0 =	sshll.u32 s0, $0x2;
	s15 =	sadd.s32 $0xC400, s1;
	[dreg:$0xd] =	wrdreg s14  }
0xe: {  	s0 =	sadd.s32 s0, s4;
	s17 =	sadd.s32 $0xC600, s1;
	[dreg:$0xe] =	wrdreg s15  }
0xf: {  	s28 =	simm.s32 $0xB800;
	s16 =	sadd.s32 $0xE00, s0;
	[dreg:$0xf] =	wrdreg s17  }
0x10: {  	s30 =	simm.s32 $0xC800;
	s19 =	sadd.s32 $0xC800, s1;
	[dreg:$0x4] =	wrdreg s16  }
0x11: {  	s29 =	simm.s32 $0xC;
	s18 =	sadd.s32 $0xC00, s0;
	[dreg:$0x10] =	wrdreg s19  }
0x12: {  	s31 =	simm.s32 $0x5;
	s21 =	sadd.s32 $0xCA00, s1;
	[dreg:$0x5] =	wrdreg s18  }
0x13: {  	s12 =	sadd.s32 s7, s6;
	s20 =	sadd.s32 $0xA00, s0;
	[dreg:$0x11] =	wrdreg s21  }
0x14: {  	s6 =	simm.s32 $0xE;
	s23 =	sadd.s32 $0xCC00, s1;
	[dreg:$0x6] =	wrdreg s20  }
0x15: {  	s7 =	simm.s32 $0x7;
	s22 =	sadd.s32 $0x800, s0;
	[dreg:$0x12] =	wrdreg s23  }
0x16: {  	s9 =	simm.s32 $0x8;
	s1 =	sadd.s32 $0xCE00, s1;
	[dreg:$0x7] =	wrdreg s22  }
0x17: {  	s10 =	simm.s32 $0x10;
	s24 =	sadd.s32 $0x600, s0;
	[dreg:$0x13] =	wrdreg s1  }
0x18: {  	s8 =	simm.s32 $0xF;
	s25 =	sadd.s32 $0x400, s0;
	[dreg:$0x8] =	wrdreg s24  }
0x19: {  	s3 =	sadd.s32 $0xD800, s3;
	s0 =	sadd.s32 $0x200, s0;
	[dreg:$0x9] =	wrdreg s25  }
0x1a: {  	s26 =	simm.s32 $0x4;
	s5 =	sshrl.u32 s12, $0x3;
	[dreg:$0xa] =	wrdreg s0  }
0x1b: {  	s15 =	simm.s32 $0x80;
	s17 =	simm.s32 $0x6800;
	s19 =	simm.s32 $0x7800  }
0x1c: {  	s21 =	simm.s32 $0x8800;
	s23 =	simm.s32 $0x9800;
	s25 =	simm.s32 $0xA800  }
0x1d: {  	s1 =	simm.s32 $0xD800;
	s0 =	simm.s32 $0x1;
	s16 =	simm.s32 $0x9  }
0x1e: {  	s18 =	simm.s32 $0x2;
	s20 =	simm.s32 $0xA;
	s22 =	simm.s32 $0x3  }
0x1f: {  	v0 =	vlaneseq.u32;
	s24 =	simm.s32 $0xB;
	s12 =	simm.s32 $0x0;
	s5 =	sadd.s32 s5, s4  }
0x20: {  	v0 =	vmul.u32 $0x186A0, v0;
	s4 =	simm.s32 $0xD;
	[dreg:$0x3] =	wrdreg s5;
	s5 =	simm.s32 $0x6  }
.LBB2_1:
0x21: {  	[dreg:$0x15] =	wrdreg s12  }
0x22: {  	s11 =	rddreg [dreg:$0xb];
	s14 =	simm.s32 $0x11  }
0x23: {  	[tilespmem:s2], [sflag:$0x11] =	stream.linear.gather [hbm4b:s11+s2], $0x3400, $0x38;
	[tilespmem:$0xE800] =	vst v63  }
0x24: {  	_ =	swait.ge [sflag:s14], $0x3400  }
0x25: {  	[sflag:s14] =	ssyncset.done $0x0  }
0x26: {  	s12 =	simm.s32 $0x0;
	[sflag:s14] =	ssyncadd.s32 $0xFFFFCC00  }
0x27: {  	v2 =	vld [tilespmem:s12+$0x0];
	_ =	sdelay $0x2  }
0x28: {  	v1 =	vld [tilespmem:s12+$0x10];
	_ =	sdelay $0x1  }
0x29: {  	s13 =	simm.s32 $0x200;
	v4 =	vmov v0;
	v3 =	vadd.s32 v0, v2;
	v2 =	vadd.s32 $0x186A00, v0  }
.LBB2_2:
0x2a: {  	p0 =	sne.s32 s13, $0xCE00;
	[tilespmem:s12+$0x3400] =	vst v3;
	vm0 =	vgt.s32 v2, $0x27AC3F;
	v3 =	vadd.s32 $0xFFF0BDC0, v4;
	v4 =	vld [tilespmem:s12+$0x20]  }
0x2b: {  	v2 =	vsel vm0, v3, v2  }
0x2c: {  	v1 =	vadd.s32 v2, v1;
	v3 =	vadd.s32 $0x186A00, v2  }
0x2d: {  	[tilespmem:s12+$0x3410] =	vst v1;
	vm0 =	vgt.s32 v3, $0x27AC3F;
	v1 =	vadd.s32 $0xFFF0BDC0, v2;
	v2 =	vld [tilespmem:s12+$0x30]  }
0x2e: {  	v1 =	vsel vm0, v1, v3  }
0x2f: {  	v3 =	vadd.s32 v1, v4;
	v4 =	vadd.s32 $0x186A00, v1  }
0x30: {  	v1 =	vadd.s32 $0xFFF0BDC0, v1;
	[tilespmem:s12+$0x3420] =	vst v3;
	vm0 =	vgt.s32 v4, $0x27AC3F;
	v3 =	vld [tilespmem:s12+$0x40]  }
0x31: {  	v1 =	vsel vm0, v1, v4  }
0x32: {  	v2 =	vadd.s32 v1, v2;
	v4 =	vadd.s32 $0x186A00, v1  }
0x33: {  	v1 =	vadd.s32 $0xFFF0BDC0, v1;
	[tilespmem:s12+$0x3430] =	vst v2;
	vm0 =	vgt.s32 v4, $0x27AC3F;
	v2 =	vld [tilespmem:s12+$0x50]  }
0x34: {  	v1 =	vsel vm0, v1, v4  }
0x35: {  	v3 =	vadd.s32 v1, v3;
	v4 =	vadd.s32 $0x186A00, v1  }
0x36: {  	v1 =	vadd.s32 $0xFFF0BDC0, v1;
	[tilespmem:s12+$0x3440] =	vst v3;
	vm0 =	vgt.s32 v4, $0x27AC3F;
	v3 =	vld [tilespmem:s12+$0x60]  }
0x37: {  	v1 =	vsel vm0, v1, v4  }
0x38: {  	v2 =	vadd.s32 v1, v2;
	v4 =	vadd.s32 $0x186A00, v1  }
0x39: {  	v1 =	vadd.s32 $0xFFF0BDC0, v1;
	[tilespmem:s12+$0x3450] =	vst v2;
	vm0 =	vgt.s32 v4, $0x27AC3F;
	v2 =	vld [tilespmem:s12+$0x70]  }
0x3a: {  	v1 =	vsel vm0, v1, v4  }
0x3b: {  	s14 =	sshra.s32 s13, $0x2;
	v3 =	vadd.s32 v1, v3;
	v4 =	vadd.s32 $0x186A00, v1  }
0x3c: {  	v1 =	vadd.s32 $0xFFF0BDC0, v1;
	v5 =	vld [tilespmem:s14+$0x0];
	[tilespmem:s12+$0x3460] =	vst v3;
	vm0 =	vgt.s32 v4, $0x27AC3F  }
.Ltmp0:
0x3d: {  	v3 =	vsel vm0, v1, v4;
	(pc) =	sbr.rel @p0 .LBB2_2-.Ltmp0, $4  }
0x3e: {  	v2 =	vadd.s32 v3, v2;
	v4 =	vadd.s32 $0x186A00, v3  }
0x3f: {  	v1 =	vld [tilespmem:s14+$0x10];
	[tilespmem:s12+$0x3470] =	vst v2;
	vm0 =	vgt.s32 v4, $0x27AC3F;
	v2 =	vadd.s32 $0xFFF0BDC0, v3;
	s12 =	smov.u32 s14  }
0x40: {  	v4 =	vsel vm0, v2, v4  }
0x41: {  	s13 =	sadd.s32 $0x200, s13;
	v3 =	vadd.s32 v4, v5;
	v2 =	vadd.s32 $0x186A00, v4  }
0x42: {  	vm0 =	vgt.s32 v2, $0x27AC3F;
	v4 =	vadd.s32 $0xFFF0BDC0, v4  }
0x43: {  	[tilespmem:s12+$0x3400] =	vst v3;
	v3 =	vld [tilespmem:s12+$0x20];
	v2 =	vsel vm0, v4, v2  }
0x44: {  	v1 =	vadd.s32 v2, v1;
	v4 =	vadd.s32 $0x186A00, v2  }
0x45: {  	[tilespmem:s12+$0x3410] =	vst v1;
	vm10 =	vgt.s32 v4, $0x27AC3F;
	v1 =	vadd.s32 $0xFFF0BDC0, v2;
	v2 =	vld [tilespmem:s12+$0x30]  }
0x46: {  	v1 =	vsel vm10, v1, v4  }
0x47: {  	v4 =	vadd.s32 $0x186A00, v1  }
0x48: {  	v3 =	vadd.s32 v1, v3;
	v1 =	vadd.s32 $0xFFF0BDC0, v1;
	vm11 =	vgt.s32 v4, $0x27AC3F  }
0x49: {  	[tilespmem:s12+$0x3420] =	vst v3;
	v3 =	vld [tilespmem:s12+$0x40];
	v1 =	vsel vm11, v1, v4  }
0x4a: {  	v2 =	vadd.s32 v1, v2;
	v4 =	vadd.s32 $0x186A00, v1  }
0x4b: {  	v1 =	vadd.s32 $0xFFF0BDC0, v1;
	[tilespmem:s12+$0x3430] =	vst v2;
	vm12 =	vgt.s32 v4, $0x27AC3F;
	v2 =	vld [tilespmem:s12+$0x50]  }
0x4c: {  	v1 =	vsel vm12, v1, v4  }
0x4d: {  	v4 =	vadd.s32 $0x186A00, v1  }
0x4e: {  	v3 =	vadd.s32 v1, v3;
	v1 =	vadd.s32 $0xFFF0BDC0, v1;
	vm13 =	vgt.s32 v4, $0x27AC3F  }
0x4f: {  	v1 =	vsel vm13, v1, v4  }
0x50: {  	[tilespmem:s12+$0x3440] =	vst v3;
	v3 =	vld [tilespmem:s12+$0x60];
	v2 =	vadd.s32 v1, v2;
	v4 =	vadd.s32 $0x186A00, v1  }
0x51: {  	v1 =	vadd.s32 $0xFFF0BDC0, v1;
	[tilespmem:s12+$0x3450] =	vst v2;
	vm14 =	vgt.s32 v4, $0x27AC3F;
	v2 =	vld [tilespmem:s12+$0x70]  }
0x52: {  	v1 =	vsel vm14, v1, v4  }
0x53: {  	v4 =	vadd.s32 $0x186A00, v1  }
0x54: {  	v5 =	vadd.s32 $0xFFF0BDC0, v1;
	vm15 =	vgt.s32 v4, $0x27AC3F  }
0x55: {  	v1 =	vadd.s32 v1, v3;
	v3 =	vsel vm15, v5, v4  }
0x56: {  	[tilespmem:s12+$0x3460] =	vst v1;
	v1 =	vadd.s32 v3, v2  }
0x57: {  	s11 =	simm.s32 $0x3400;
	[tilespmem:s12+$0x3470] =	vst v1  }
0x58: {  	[tilespmem:s17], [sflag:$0x1] =	stream.indirect.gather [hbm4b:s3+s15], $0x20, s11, s15, $0xb8;
	[tilespmem:$0xE800] =	vst v63  }
0x59: {  	s14 =	simm.s32 $0x3480  }
0x5a: {  	[tilespmem:s19], [sflag:$0x2] =	stream.indirect.gather [hbm4b:s3+s15], $0x20, s14, s15, $0xb8;
	[tilespmem:$0xE800] =	vst v63  }
0x5b: {  	s12 =	simm.s32 $0x3500  }
0x5c: {  	[tilespmem:s21], [sflag:$0x3] =	stream.indirect.gather [hbm4b:s3+s15], $0x20, s12, s15, $0xb8;
	[tilespmem:$0xE800] =	vst v63  }
0x5d: {  	s13 =	simm.s32 $0x3580  }
0x5e: {  	[tilespmem:s23], [sflag:$0x4] =	stream.indirect.gather [hbm4b:s3+s15], $0x20, s13, s15, $0xb8;
	[tilespmem:$0xE800] =	vst v63  }
0x5f: {  	s14 =	simm.s32 $0x3600  }
0x60: {  	[tilespmem:s25], [sflag:$0x5] =	stream.indirect.gather [hbm4b:s3+s15], $0x20, s14, s15, $0xb8;
	[tilespmem:$0xE800] =	vst v63  }
0x61: {  	s12 =	simm.s32 $0x3680  }
0x62: {  	[tilespmem:s28], [sflag:$0x6] =	stream.indirect.gather [hbm4b:s3+s15], $0x20, s12, s15, $0xb8;
	[tilespmem:$0xE800] =	vst v63  }
0x63: {  	s13 =	simm.s32 $0x3700  }
0x64: {  	[tilespmem:s30], [sflag:$0x7] =	stream.indirect.gather [hbm4b:s3+s15], $0x20, s13, s15, $0xb8;
	[tilespmem:$0xE800] =	vst v63  }
0x65: {  	s14 =	simm.s32 $0x3780  }
0x66: {  	[tilespmem:s1], [sflag:$0x8] =	stream.indirect.gather [hbm4b:s3+s15], $0x20, s14, s15, $0xb8;
	[tilespmem:$0xE800] =	vst v63  }
0x67: {  	_ =	swait.ge [sflag:s0], $0x1000  }
0x68: {  	s11 =	rddreg [dreg:$0x3];
	[sflag:s0] =	ssyncset.done $0x0  }
0x69: {  	[sflag:s0] =	ssyncadd.s32 $0xFFFFF000;
	s12 =	sadd.s32 $0x0, s11  }
0x6a: {  	[hbm4b:s12+s2] =	stream.linear.scatter [tilespmem:s17], [sflag:$0x9], $0x1000, $0x38;
	[tilespmem:$0xE800] =	vst v63  }
0x6b: {  	_ =	swait.ge [sflag:s16], $0x1000  }
0x6c: {  	[sflag:s16] =	ssyncset.done $0x0  }
0x6d: {  	s13 =	simm.s32 $0x3800;
	[sflag:s16] =	ssyncadd.s32 $0xFFFFF000  }
0x6e: {  	[tilespmem:s17], [sflag:$0x1] =	stream.indirect.gather [hbm4b:s3+s15], $0x20, s13, s15, $0xb8;
	[tilespmem:$0xE800] =	vst v63  }
0x6f: {  	_ =	swait.ge [sflag:s18], $0x1000  }
0x70: {  	s14 =	rddreg [dreg:$0xa];
	[sflag:s18] =	ssyncset.done $0x0  }
0x71: {  	[sflag:s18] =	ssyncadd.s32 $0xFFFFF000;
	s12 =	sadd.s32 $0x0, s14  }
0x72: {  	[hbm4b:s12+s2] =	stream.linear.scatter [tilespmem:s19], [sflag:$0xA], $0x1000, $0x38;
	[tilespmem:$0xE800] =	vst v63  }
0x73: {  	_ =	swait.ge [sflag:s20], $0x1000  }
0x74: {  	[sflag:s20] =	ssyncset.done $0x0  }
0x75: {  	s11 =	simm.s32 $0x3880;
	[sflag:s20] =	ssyncadd.s32 $0xFFFFF000  }
0x76: {  	[tilespmem:s19], [sflag:$0x2] =	stream.indirect.gather [hbm4b:s3+s15], $0x20, s11, s15, $0xb8;
	[tilespmem:$0xE800] =	vst v63  }
0x77: {  	_ =	swait.ge [sflag:s22], $0x1000  }
0x78: {  	s13 =	rddreg [dreg:$0x9];
	[sflag:s22] =	ssyncset.done $0x0  }
0x79: {  	[sflag:s22] =	ssyncadd.s32 $0xFFFFF000;
	s12 =	sadd.s32 $0x0, s13  }
0x7a: {  	[hbm4b:s12+s2] =	stream.linear.scatter [tilespmem:s21], [sflag:$0xB], $0x1000, $0x38;
	[tilespmem:$0xE800] =	vst v63  }
0x7b: {  	_ =	swait.ge [sflag:s24], $0x1000  }
0x7c: {  	[sflag:s24] =	ssyncset.done $0x0  }
0x7d: {  	s14 =	simm.s32 $0x3900;
	[sflag:s24] =	ssyncadd.s32 $0xFFFFF000  }
0x7e: {  	[tilespmem:s21], [sflag:$0x3] =	stream.indirect.gather [hbm4b:s3+s15], $0x20, s14, s15, $0xb8;
	[tilespmem:$0xE800] =	vst v63  }
0x7f: {  	_ =	swait.ge [sflag:s26], $0x1000  }
0x80: {  	s11 =	rddreg [dreg:$0x8];
	[sflag:s26] =	ssyncset.done $0x0  }
0x81: {  	[sflag:s26] =	ssyncadd.s32 $0xFFFFF000;
	s12 =	sadd.s32 $0x0, s11  }
0x82: {  	[hbm4b:s12+s2] =	stream.linear.scatter [tilespmem:s23], [sflag:$0xC], $0x1000, $0x38;
	[tilespmem:$0xE800] =	vst v63  }
0x83: {  	_ =	swait.ge [sflag:s29], $0x1000  }
0x84: {  	[sflag:s29] =	ssyncset.done $0x0  }
0x85: {  	s13 =	simm.s32 $0x3980;
	[sflag:s29] =	ssyncadd.s32 $0xFFFFF000  }
0x86: {  	[tilespmem:s23], [sflag:$0x4] =	stream.indirect.gather [hbm4b:s3+s15], $0x20, s13, s15, $0xb8;
	[tilespmem:$0xE800] =	vst v63  }
0x87: {  	_ =	swait.ge [sflag:s31], $0x1000  }
0x88: {  	s14 =	rddreg [dreg:$0x7];
	[sflag:s31] =	ssyncset.done $0x0  }
0x89: {  	[sflag:s31] =	ssyncadd.s32 $0xFFFFF000;
	s12 =	sadd.s32 $0x0, s14  }
0x8a: {  	[hbm4b:s12+s2] =	stream.linear.scatter [tilespmem:s25], [sflag:$0xD], $0x1000, $0x38;
	[tilespmem:$0xE800] =	vst v63  }
0x8b: {  	_ =	swait.ge [sflag:s4], $0x1000  }
0x8c: {  	[sflag:s4] =	ssyncset.done $0x0  }
0x8d: {  	s11 =	simm.s32 $0x3A00;
	[sflag:s4] =	ssyncadd.s32 $0xFFFFF000  }
0x8e: {  	[tilespmem:s25], [sflag:$0x5] =	stream.indirect.gather [hbm4b:s3+s15], $0x20, s11, s15, $0xb8;
	[tilespmem:$0xE800] =	vst v63  }
0x8f: {  	_ =	swait.ge [sflag:s5], $0x1000  }
0x90: {  	s13 =	rddreg [dreg:$0x6];
	[sflag:s5] =	ssyncset.done $0x0  }
0x91: {  	[sflag:s5] =	ssyncadd.s32 $0xFFFFF000;
	s12 =	sadd.s32 $0x0, s13  }
0x92: {  	[hbm4b:s12+s2] =	stream.linear.scatter [tilespmem:s28], [sflag:$0xE], $0x1000, $0x38;
	[tilespmem:$0xE800] =	vst v63  }
0x93: {  	_ =	swait.ge [sflag:s6], $0x1000  }
0x94: {  	[sflag:s6] =	ssyncset.done $0x0  }
0x95: {  	s14 =	simm.s32 $0x3A80;
	[sflag:s6] =	ssyncadd.s32 $0xFFFFF000  }
0x96: {  	[tilespmem:s28], [sflag:$0x6] =	stream.indirect.gather [hbm4b:s3+s15], $0x20, s14, s15, $0xb8;
	[tilespmem:$0xE800] =	vst v63  }
0x97: {  	_ =	swait.ge [sflag:s7], $0x1000  }
0x98: {  	s11 =	rddreg [dreg:$0x5];
	[sflag:s7] =	ssyncset.done $0x0  }
0x99: {  	[sflag:s7] =	ssyncadd.s32 $0xFFFFF000;
	s12 =	sadd.s32 $0x0, s11  }
0x9a: {  	[hbm4b:s12+s2] =	stream.linear.scatter [tilespmem:s30], [sflag:$0xF], $0x1000, $0x38;
	[tilespmem:$0xE800] =	vst v63  }
0x9b: {  	_ =	swait.ge [sflag:s8], $0x1000  }
0x9c: {  	[sflag:s8] =	ssyncset.done $0x0  }
0x9d: {  	s13 =	simm.s32 $0x3B00;
	[sflag:s8] =	ssyncadd.s32 $0xFFFFF000  }
0x9e: {  	[tilespmem:s30], [sflag:$0x7] =	stream.indirect.gather [hbm4b:s3+s15], $0x20, s13, s15, $0xb8;
	[tilespmem:$0xE800] =	vst v63  }
0x9f: {  	_ =	swait.ge [sflag:s9], $0x1000  }
0xa0: {  	s14 =	rddreg [dreg:$0x4];
	[sflag:s9] =	ssyncset.done $0x0  }
0xa1: {  	[sflag:s9] =	ssyncadd.s32 $0xFFFFF000;
	s12 =	sadd.s32 $0x0, s14  }
0xa2: {  	[hbm4b:s12+s2] =	stream.linear.scatter [tilespmem:s1], [sflag:$0x10], $0x1000, $0x38;
	[tilespmem:$0xE800] =	vst v63  }
0xa3: {  	_ =	swait.ge [sflag:s10], $0x1000  }
0xa4: {  	[sflag:s10] =	ssyncset.done $0x0  }
0xa5: {  	s13 =	simm.s32 $0x3B80;
	s12 =	simm.s32 $0x1000;
	[sflag:s10] =	ssyncadd.s32 $0xFFFFF000  }
.LBB2_4:
0xa6: {  	[tilespmem:s1], [sflag:$0x8] =	stream.indirect.gather [hbm4b:s3+s15], $0x20, s13, s15, $0xb8;
	[tilespmem:$0xE800] =	vst v63  }
0xa7: {  	_ =	swait.ge [sflag:s0], $0x1000  }
0xa8: {  	s13 =	smov.u32 s12;
	s14 =	rddreg [dreg:$0x3];
	[sflag:s0] =	ssyncset.done $0x0  }
0xa9: {  	[sflag:s0] =	ssyncadd.s32 $0xFFFFF000;
	s14 =	sadd.s32 s13, s14  }
0xaa: {  	[hbm4b:s14+s2] =	stream.linear.scatter [tilespmem:s17], [sflag:$0x9], $0x1000, $0x38;
	[tilespmem:$0xE800] =	vst v63  }
0xab: {  	_ =	swait.ge [sflag:s16], $0x1000  }
0xac: {  	s14 =	sshra.s32 s13, $0x2;
	[sflag:s16] =	ssyncset.done $0x0  }
0xad: {  	s11 =	sadd.s32 $0x3800, s14;
	[sflag:s16] =	ssyncadd.s32 $0xFFFFF000  }
0xae: {  	[tilespmem:s17], [sflag:$0x1] =	stream.indirect.gather [hbm4b:s3+s15], $0x20, s11, s15, $0xb8;
	[tilespmem:$0xE800] =	vst v63  }
0xaf: {  	_ =	swait.ge [sflag:s18], $0x1000  }
0xb0: {  	s11 =	rddreg [dreg:$0xa];
	[sflag:s18] =	ssyncset.done $0x0  }
0xb1: {  	[sflag:s18] =	ssyncadd.s32 $0xFFFFF000;
	s11 =	sadd.s32 s13, s11  }
0xb2: {  	[hbm4b:s11+s2] =	stream.linear.scatter [tilespmem:s19], [sflag:$0xA], $0x1000, $0x38;
	[tilespmem:$0xE800] =	vst v63  }
0xb3: {  	_ =	swait.ge [sflag:s20], $0x1000  }
0xb4: {  	[sflag:s20] =	ssyncset.done $0x0  }
0xb5: {  	s11 =	sadd.s32 $0x3880, s14;
	[sflag:s20] =	ssyncadd.s32 $0xFFFFF000  }
0xb6: {  	[tilespmem:s19], [sflag:$0x2] =	stream.indirect.gather [hbm4b:s3+s15], $0x20, s11, s15, $0xb8;
	[tilespmem:$0xE800] =	vst v63  }
0xb7: {  	_ =	swait.ge [sflag:s22], $0x1000  }
0xb8: {  	s11 =	rddreg [dreg:$0x9];
	[sflag:s22] =	ssyncset.done $0x0  }
0xb9: {  	[sflag:s22] =	ssyncadd.s32 $0xFFFFF000;
	s11 =	sadd.s32 s13, s11  }
0xba: {  	[hbm4b:s11+s2] =	stream.linear.scatter [tilespmem:s21], [sflag:$0xB], $0x1000, $0x38;
	[tilespmem:$0xE800] =	vst v63  }
0xbb: {  	_ =	swait.ge [sflag:s24], $0x1000  }
0xbc: {  	[sflag:s24] =	ssyncset.done $0x0  }
0xbd: {  	s11 =	sadd.s32 $0x3900, s14;
	[sflag:s24] =	ssyncadd.s32 $0xFFFFF000  }
0xbe: {  	[tilespmem:s21], [sflag:$0x3] =	stream.indirect.gather [hbm4b:s3+s15], $0x20, s11, s15, $0xb8;
	[tilespmem:$0xE800] =	vst v63  }
0xbf: {  	_ =	swait.ge [sflag:s26], $0x1000  }
0xc0: {  	s11 =	rddreg [dreg:$0x8];
	[sflag:s26] =	ssyncset.done $0x0  }
0xc1: {  	[sflag:s26] =	ssyncadd.s32 $0xFFFFF000;
	s11 =	sadd.s32 s13, s11  }
0xc2: {  	[hbm4b:s11+s2] =	stream.linear.scatter [tilespmem:s23], [sflag:$0xC], $0x1000, $0x38;
	[tilespmem:$0xE800] =	vst v63  }
0xc3: {  	_ =	swait.ge [sflag:s29], $0x1000  }
0xc4: {  	[sflag:s29] =	ssyncset.done $0x0  }
0xc5: {  	s11 =	sadd.s32 $0x3980, s14;
	[sflag:s29] =	ssyncadd.s32 $0xFFFFF000  }
0xc6: {  	[tilespmem:s23], [sflag:$0x4] =	stream.indirect.gather [hbm4b:s3+s15], $0x20, s11, s15, $0xb8;
	[tilespmem:$0xE800] =	vst v63  }
0xc7: {  	_ =	swait.ge [sflag:s31], $0x1000  }
0xc8: {  	s11 =	rddreg [dreg:$0x7];
	[sflag:s31] =	ssyncset.done $0x0  }
0xc9: {  	[sflag:s31] =	ssyncadd.s32 $0xFFFFF000;
	s11 =	sadd.s32 s13, s11  }
0xca: {  	[hbm4b:s11+s2] =	stream.linear.scatter [tilespmem:s25], [sflag:$0xD], $0x1000, $0x38;
	[tilespmem:$0xE800] =	vst v63  }
0xcb: {  	_ =	swait.ge [sflag:s4], $0x1000  }
0xcc: {  	[sflag:s4] =	ssyncset.done $0x0  }
0xcd: {  	s11 =	sadd.s32 $0x3A00, s14;
	[sflag:s4] =	ssyncadd.s32 $0xFFFFF000  }
0xce: {  	[tilespmem:s25], [sflag:$0x5] =	stream.indirect.gather [hbm4b:s3+s15], $0x20, s11, s15, $0xb8;
	[tilespmem:$0xE800] =	vst v63  }
0xcf: {  	_ =	swait.ge [sflag:s5], $0x1000  }
0xd0: {  	s11 =	rddreg [dreg:$0x6];
	[sflag:s5] =	ssyncset.done $0x0  }
0xd1: {  	[sflag:s5] =	ssyncadd.s32 $0xFFFFF000;
	s11 =	sadd.s32 s13, s11  }
0xd2: {  	[hbm4b:s11+s2] =	stream.linear.scatter [tilespmem:s28], [sflag:$0xE], $0x1000, $0x38;
	[tilespmem:$0xE800] =	vst v63  }
0xd3: {  	_ =	swait.ge [sflag:s6], $0x1000  }
0xd4: {  	[sflag:s6] =	ssyncset.done $0x0  }
0xd5: {  	s11 =	sadd.s32 $0x3A80, s14;
	[sflag:s6] =	ssyncadd.s32 $0xFFFFF000  }
0xd6: {  	[tilespmem:s28], [sflag:$0x6] =	stream.indirect.gather [hbm4b:s3+s15], $0x20, s11, s15, $0xb8;
	[tilespmem:$0xE800] =	vst v63  }
0xd7: {  	_ =	swait.ge [sflag:s7], $0x1000  }
0xd8: {  	s11 =	rddreg [dreg:$0x5];
	[sflag:s7] =	ssyncset.done $0x0  }
0xd9: {  	[sflag:s7] =	ssyncadd.s32 $0xFFFFF000;
	s11 =	sadd.s32 s13, s11  }
0xda: {  	[hbm4b:s11+s2] =	stream.linear.scatter [tilespmem:s30], [sflag:$0xF], $0x1000, $0x38;
	[tilespmem:$0xE800] =	vst v63  }
0xdb: {  	_ =	swait.ge [sflag:s8], $0x1000  }
0xdc: {  	[sflag:s8] =	ssyncset.done $0x0  }
0xdd: {  	s11 =	sadd.s32 $0x3B00, s14;
	[sflag:s8] =	ssyncadd.s32 $0xFFFFF000  }
0xde: {  	[tilespmem:s30], [sflag:$0x7] =	stream.indirect.gather [hbm4b:s3+s15], $0x20, s11, s15, $0xb8;
	[tilespmem:$0xE800] =	vst v63  }
0xdf: {  	_ =	swait.ge [sflag:s9], $0x1000  }
0xe0: {  	p0 =	sne.s32 s12, $0xB000;
	s11 =	rddreg [dreg:$0x4];
	[sflag:s9] =	ssyncset.done $0x0  }
.Ltmp1:
0xe1: {  	[sflag:s9] =	ssyncadd.s32 $0xFFFFF000;
	s11 =	sadd.s32 s13, s11;
	(pc) =	sbr.rel @p0 .LBB2_4-.Ltmp1, $4  }
0xe2: {  	[hbm4b:s11+s2] =	stream.linear.scatter [tilespmem:s1], [sflag:$0x10], $0x1000, $0x38;
	[tilespmem:$0xE800] =	vst v63  }
0xe3: {  	_ =	swait.ge [sflag:s10], $0x1000  }
0xe4: {  	[sflag:s10] =	ssyncset.done $0x0  }
0xe5: {  	s12 =	sadd.s32 $0x1000, s12;
	s13 =	sadd.s32 $0x3B80, s14;
	[sflag:s10] =	ssyncadd.s32 $0xFFFFF000  }
0xe6: {  	[tilespmem:s1], [sflag:$0x8] =	stream.indirect.gather [hbm4b:s3+s15], $0x20, s13, s15, $0xb8;
	[tilespmem:$0xE800] =	vst v63  }
0xe7: {  	_ =	swait.ge [sflag:s0], $0x1000  }
0xe8: {  	[sflag:s0] =	ssyncset.done $0x0  }
0xe9: {  	s11 =	rddreg [dreg:$0xc];
	[sflag:s0] =	ssyncadd.s32 $0xFFFFF000  }
0xea: {  	[hbm4b:s11+s2] =	stream.linear.scatter [tilespmem:s17], [sflag:$0x9], $0x1000, $0x38;
	[tilespmem:$0xE800] =	vst v63  }
0xeb: {  	_ =	swait.ge [sflag:s18], $0x1000  }
0xec: {  	[sflag:s18] =	ssyncset.done $0x0  }
0xed: {  	s13 =	rddreg [dreg:$0xd];
	[sflag:s18] =	ssyncadd.s32 $0xFFFFF000  }
0xee: {  	[hbm4b:s13+s2] =	stream.linear.scatter [tilespmem:s19], [sflag:$0xA], $0x1000, $0x38;
	[tilespmem:$0xE800] =	vst v63  }
0xef: {  	_ =	swait.ge [sflag:s22], $0x1000  }
0xf0: {  	[sflag:s22] =	ssyncset.done $0x0  }
0xf1: {  	s14 =	rddreg [dreg:$0xe];
	[sflag:s22] =	ssyncadd.s32 $0xFFFFF000  }
0xf2: {  	[hbm4b:s14+s2] =	stream.linear.scatter [tilespmem:s21], [sflag:$0xB], $0x1000, $0x38;
	[tilespmem:$0xE800] =	vst v63  }
0xf3: {  	_ =	swait.ge [sflag:s26], $0x1000  }
0xf4: {  	[sflag:s26] =	ssyncset.done $0x0  }
0xf5: {  	s12 =	rddreg [dreg:$0xf];
	[sflag:s26] =	ssyncadd.s32 $0xFFFFF000  }
0xf6: {  	[hbm4b:s12+s2] =	stream.linear.scatter [tilespmem:s23], [sflag:$0xC], $0x1000, $0x38;
	[tilespmem:$0xE800] =	vst v63  }
0xf7: {  	_ =	swait.ge [sflag:s31], $0x1000  }
0xf8: {  	[sflag:s31] =	ssyncset.done $0x0  }
0xf9: {  	s13 =	rddreg [dreg:$0x10];
	[sflag:s31] =	ssyncadd.s32 $0xFFFFF000  }
0xfa: {  	[hbm4b:s13+s2] =	stream.linear.scatter [tilespmem:s25], [sflag:$0xD], $0x1000, $0x38;
	[tilespmem:$0xE800] =	vst v63  }
0xfb: {  	_ =	swait.ge [sflag:s5], $0x1000  }
0xfc: {  	[sflag:s5] =	ssyncset.done $0x0  }
0xfd: {  	s14 =	rddreg [dreg:$0x11];
	[sflag:s5] =	ssyncadd.s32 $0xFFFFF000  }
0xfe: {  	[hbm4b:s14+s2] =	stream.linear.scatter [tilespmem:s28], [sflag:$0xE], $0x1000, $0x38;
	[tilespmem:$0xE800] =	vst v63  }
0xff: {  	_ =	swait.ge [sflag:s7], $0x1000  }
0x100: {  	[sflag:s7] =	ssyncset.done $0x0  }
0x101: {  	s12 =	rddreg [dreg:$0x12];
	[sflag:s7] =	ssyncadd.s32 $0xFFFFF000  }
0x102: {  	[hbm4b:s12+s2] =	stream.linear.scatter [tilespmem:s30], [sflag:$0xF], $0x1000, $0x38;
	[tilespmem:$0xE800] =	vst v63  }
0x103: {  	_ =	swait.ge [sflag:s9], $0x1000  }
0x104: {  	[sflag:s9] =	ssyncset.done $0x0  }
0x105: {  	s13 =	rddreg [dreg:$0x13];
	[sflag:s9] =	ssyncadd.s32 $0xFFFFF000  }
0x106: {  	[hbm4b:s13+s2] =	stream.linear.scatter [tilespmem:s1], [sflag:$0x10], $0x1000, $0x38;
	[tilespmem:$0xE800] =	vst v63  }
0x107: {  	_ =	swait.ge [sflag:s16], $0x1000  }
0x108: {  	[sflag:s16] =	ssyncset.done $0x0  }
0x109: {  	[sflag:s16] =	ssyncadd.s32 $0xFFFFF000  }
0x10a: {  	_ =	swait.ge [sflag:s20], $0x1000  }
0x10b: {  	[sflag:s20] =	ssyncset.done $0x0  }
0x10c: {  	[sflag:s20] =	ssyncadd.s32 $0xFFFFF000  }
0x10d: {  	_ =	swait.ge [sflag:s24], $0x1000  }
0x10e: {  	[sflag:s24] =	ssyncset.done $0x0  }
0x10f: {  	[sflag:s24] =	ssyncadd.s32 $0xFFFFF000  }
0x110: {  	_ =	swait.ge [sflag:s29], $0x1000  }
0x111: {  	[sflag:s29] =	ssyncset.done $0x0  }
0x112: {  	[sflag:s29] =	ssyncadd.s32 $0xFFFFF000  }
0x113: {  	_ =	swait.ge [sflag:s4], $0x1000  }
0x114: {  	[sflag:s4] =	ssyncset.done $0x0  }
0x115: {  	[sflag:s4] =	ssyncadd.s32 $0xFFFFF000  }
0x116: {  	_ =	swait.ge [sflag:s6], $0x1000  }
0x117: {  	[sflag:s6] =	ssyncset.done $0x0  }
0x118: {  	[sflag:s6] =	ssyncadd.s32 $0xFFFFF000  }
0x119: {  	_ =	swait.ge [sflag:s8], $0x1000  }
0x11a: {  	[sflag:s8] =	ssyncset.done $0x0  }
0x11b: {  	[sflag:s8] =	ssyncadd.s32 $0xFFFFF000  }
0x11c: {  	_ =	swait.ge [sflag:s10], $0x1000  }
0x11d: {  	s12 =	rddreg [dreg:$0x15]  }
0x11e: {  	s14 =	rddreg [dreg:$0x14];
	s12 =	sadd.s32 $0x1, s12  }
0x11f: {  	p0 =	sne.s32 s12, s14  }
.Ltmp2:
0x120: {  	_ = 	snop;
	(pc) =	sbr.rel @p0 .LBB2_1-.Ltmp2, $3  }
0x121: {  	_ =	sdelay $0x1  }
0x122: {  	[sflag:s10] =	ssyncset.done $0x0  }
0x123: {  	[sflag:s10] =	ssyncadd.s32 $0xFFFFF000  }
0x124: {  	_ =	sfence.sel $0x180000  }
0x125: {  	[bflag:$0x0] =	sbarrier.arrive $0xFFFF  }
0x126: {  	_ =	strace $0x90000047  }
0x127: {  	s0 =	stileid.u32;
	[bflag:$0x2] =	sbarrier.arrive $0xFFFF  }
0x128: {  	p0 =	sne.s32 s0, $0x0;
	s0 =	rddreg [dreg:$0x2]  }
0x129: {  	s0 =	sadd.s32 @!p0 $0x100000, s0  }
0x12a: {  	[sflag:s0] =	ssyncadd.tile.s32 @!p0 $0x1;
	_ =	shalt  }
.Lfunc_end2:
_tile_overlayer_lowered:
.L_overlay_start_2:
0x12b: {  	(tag) =	ssettag $0x2  }
0x12c: {  	s0 =	rddreg [dreg:$0x0];
	s2 =	stileid.u32  }
0x12d: {  	s1 =	rddreg [dreg:$0x1];
	p0 =	sne.s32 s2, $0x0  }
0x12e: {  	s3 =	rddreg [dreg:$0x2];
	[bflag:$0x3] =	sbarrier.arrive $0xFFFF;
	s2 =	simm.s32 @!p0 $0x1C11  }
0x12f: {  	[timem:s3], [sflag:s2] =	dma.local @!p0 [hbm:s0], s1  }
0x130: {  	s0 =	simm.s32 @!p0 $0x11  }
0x131: {  	_ =	swait.ge @!p0 [sflag:s0], s1  }
0x132: {  	s1 =	ssub.s32 @!p0 $0x0, s1;
	[sflag:s0] =	ssyncset.done @!p0 $0x0  }
0x133: {  	[sflag:s0] =	ssyncadd.s32 @!p0 s1  }
0x134: {  	[bflag:$0x3] =	sbarrier.arrive $0xFFFF  }
0x135: {  	_ =	shalt  }

// kernel: sparse-core-data-format-call.cloned.1.call-start
scs
called_computation_lowered:
.L_overlay_start_0:
0x0: {  	s2 =	sld [smem:$0x3FD9]  }
0x1: {  	s3 =	sld [smem:$0x3FFE];
	_ =	sdelay $0x1  }
0x2: {  	s1 =	srdreg.scid  }
0x3: {  	s0 =	sand.u32 $0x1, s1  }
0x4: {  	s18 =	sshll.u32 s0, $0xA;
	s2 =	sadd.s32 s3, s2  }
0x5: {  	s2 =	sadd.s32 s2, s18  }
0x6: {  	[smem:$0x3FC6] =	sst s2  }
0x7: {  	_ = 	snop  }
0x8: {  	s2 =	sld [smem:$0x3FD0];
	(tm) =	ssettm $0x1  }
0x9: {  	s19 =	sld [smem:$0x3FFB];
	_ =	sdelay $0x3  }
0xa: {  	_ =	strace s19  }
0xb: {  	s3 =	sld [smem:$0x3FFC];
	_ =	sdelay $0x3  }
0xc: {  	_ =	strace s3  }
0xd: {  	s3 =	sld [smem:$0x3FFD];
	_ =	sdelay $0x3  }
0xe: {  	_ =	strace s3  }
0xf: {  	_ =	strace $0x8FFFFFFF  }
0x10: {  	s20 =	sld [smem:$0x3FDB];
	_ =	sdelay $0x1  }
0x11: {  	s4 =	simm.s32 $_scs_section_size  }
0x12: {  	s5 =	simm.s32 $_size__tile_overlayer_lowered;
	s6 =	simm.s32 $_tile_overlayer_lowered  }
0x13: {  	s23 =	simm.s32 $0x1BFF;
	s22 =	sshll.u32 s6, $0x1;
	s3 =	sadd.s32 s4, s20  }
0x14: {  	s7 =	simm.s32 $0x0;
	s21 =	sshll.u32 s5, $0x1;
	s5 =	sadd.s32 s22, s3  }
0x15: {  	[timem:s7], [sflag:s23] =	dma.local [hbm:s5], s21  }
0x16: {  	_ =	swait.ge [sflag:s23], s21  }
0x17: {  	s4 =	ssub.s32 $0x0, s21;
	[sflag:s23] =	ssyncset.done $0x0  }
0x18: {  	[sflag:s23] =	ssyncadd.s32 s4;
	_ =	sdelay $0x1  }
0x19: {  	s24 =	simm.s32 $0x1B8B  }
0x1a: {  	_ =	swait.ge [sflag:s24], $0x1  }
0x1b: {  	[sflag:s24] =	ssyncset.done $0x0  }
0x1c: {  	s26 =	simm.s32 $0x1B8E;
	s25 =	sld [smem:$0x3FFE];
	[sflag:s24] =	ssyncadd.s32 $0xFFFFFFFF  }
0x1d: {  	s27 =	simm.s32 $execute0_lowered;
	[smem:$0x3FD2] =	sst s26  }
0x1e: {  	s5 =	sshll.u32 s27, $0x1;
	_ =	strace $0x80000049;
	[dreg:$0x1] =	wrdreg $0xFFFFFFFF  }
0x1f: {  	s28 =	simm.s32 $_size_execute0_lowered;
	s3 =	sadd.s32 s3, s5;
	[dreg:$0x0] =	wrdreg $0x0  }
0x20: {  	s5 =	sshll.u32 s28, $0x1;
	[dreg:$0x2] =	wrdreg s3  }
0x21: {  	[dreg:$0x3] =	wrdreg s5  }
0x22: {  	[dreg:$0x4] =	wrdreg $0xC0  }
0x23: {  	_ =	task [dreg:s7], $0x5FFFF  }
0x24: {  	[dreg:$0x1] =	wrdreg $0xFFFFFFFF  }
0x25: {  	[dreg:$0x0] =	wrdreg $0x60  }
0x26: {  	[dreg:$0x2] =	wrdreg s25  }
0x27: {  	[dreg:$0x3] =	wrdreg s2  }
0x28: {  	[dreg:$0x4] =	wrdreg $0x9  }
0x29: {  	_ =	task.clear_ibuf [dreg:s7], $0x5FFFF;
	_ =	strace $0x90000049  }
0x2a: {  	s29 =	simm.s32 $0x9;
	_ =	strace $0x8000004B  }
0x2b: {  	_ =	swait.ge [sflag:s29], $0x1  }
0x2c: {  	[sflag:s29] =	ssyncadd.s32 $0xFFFFFFFF  }
0x2d: {  	_ =	strace $0x9000004B  }
0x2e: {  	_ =	sfence  }
0x2f: {  	s30 =	sld [smem:$0x0];
	_ =	sdelay $0x2  }
0x30: {  	s31 =	sshll.u32 s1, $0xD;
	s1 =	sshrl.u32 s1, $0x2  }
0x31: {  	s3 =	sand.u32 $0x4000, s31;
	s1 =	sadd.s32 s1, s30  }
0x32: {  	s0 =	sor.u32 s3, s0;
	s1 =	sshll.u32 s1, $0x11  }
0x33: {  	s0 =	sor.u32 s1, s0  }
0x34: {  	s0 =	sadd.s32 $0x8F2B, s0  }
0x35: {  	[sflag:s0] =	ssyncadd.remote.s32 $0x1  }
0x36: {  	_ =	sfence.sel $0xFFFF  }
0x37: {  	[dreg:$0x0] =	wrdreg $0xFFFFFFFF;
	(pc) =	sbr.abs _section_cstart, $3  }
0x38: {  	[dreg:$0x1] =	wrdreg $0xFFFFFFFF  }
0x39: {  	_ =	task.clear_ibuf [dreg:s7], $0x2FFFF;
	_ =	strace $0x9FFFFFFF  }
0x3a: {  	(tm) =	ssettm $0x7FFFFFFF  }
0x3b: {  	_ =	shalt  }
tec
execute0_lowered:
.L_overlay_start_1:
0x0: {  	(tag) =	ssettag $0x1  }
0x1: {  	s0 =	srdreg.scid  }
0x2: {  	s1 =	sshll.u32 s0, $0x4  }
0x3: {  	s0 =	stileid.u32;
	s1 =	sand.u32 $0x10, s1  }
0x4: {  	s1 =	sor.u32 s0, s1  }
0x5: {  	s6 =	rddreg [dreg:$0x0];
	s4 =	simm.s32 $0x1;
	s2 =	sshll.u32 s1, $0x7  }
0x6: {  	s7 =	simm.s32 $0x2;
	s12 =	simm.s32 $0x0;
	s1 =	ssub.s32 $0x4000, s2  }
0x7: {  	s8 =	simm.s32 $0x20000;
	s13 =	simm.s32 $0x0;
	s3 =	sand.u32 $0xF80, s1  }
0x8: {  	s9 =	simm.s32 $0x0;
	s5 =	sshrl.u32 s1, $0xC;
	p0 =	sne.s32 s3, $0x0  }
.Ltmp0:
0x9: {  	s1 =	rddreg [dreg:$0x2];
	s4 =	simm.s32 @!p0 $0x0;
	(pc) =	sbr.rel .LBB1_1-.Ltmp0, $4  }
0xa: {  	s11 =	simm.s32 $0x0;
	s3 =	rddreg [dreg:$0x1];
	s5 =	sadd.s32 s4, s5  }
0xb: {  	_ =	strace $0x8000004A;
	s4 =	simm.s32 $0x1;
	s5 =	smul.u32 $0x1A, s5  }
0xc: {  	s6 =	sadd.s32 $0xD00800, s6;
	s10 =	smov.u32 s2;
	[sflag:s4] =	ssyncpa.u1 $0x0  }
0xd: {  	p0 =	por $0x0, $0x0;
	[sflag:s7] =	ssyncpa.u1 $0x0;
	s7 =	sor.u32 $0x1, s5  }
.LBB1_4:
0xe: {  	s16 =	sshll.u32 s13, $0x3;
	s17 =	sand.u32 $0x78, s13  }
0xf: {  	s30 =	sand.u32 $0xF800, s13;
	s12 =	sshll.u32 s12, $0x10;
	s16 =	sand.u32 $0x3C00, s16  }
0x10: {  	s31 =	sand.u32 $0x7, s13;
	s16 =	sor.u32 s17, s16;
	s17 =	sadd.s32 s3, s30  }
0x11: {  	s13 =	sshll.u32 s31, $0x12;
	s16 =	sshrl.u32 s16, $0x3;
	s12 =	sadd.s32 s12, s17  }
0x12: {  	[tilespmem:s15+$0x0 ss:$0x81] =	vst.msk $0xffff, v0;
	s13 =	sor.u32 $0x400, s13;
	s12 =	sadd.s32 s16, s12  }
0x13: {  	[hbm4b:s12+s13] =	stream.strided.scatter [tilespmem:s14], [sflag:$0x2], $0x1000, s8, s13, $0x20;
	[tilespmem:$0x4040] =	vst v63  }
.LBB1_5:
0x14: {  	s14 =	sadd.s32 $0x1, s9  }
0x15: {  	s12 =	sadd.s32 $0x1000, s10;
	s16 =	smov.u32 s10;
	p2 =	sgt.s32 s14, $0x19  }
0x16: {  	s16 =	smov.u32 @p2 s12  }
0x17: {  	s14 =	simm.s32 @p2 $0x0;
	p2 =	sgt.s32 s16, $0x3FFF  }
0x18: {  	s16 =	smov.u32 @p2 s2;
	p2 =	sne.s32 s11, s7  }
.Ltmp1:
0x19: {  	p1 =	slt.u32 s11, $0x2;
	(pc) =	sbr.rel @!p2 .LBB1_6-.Ltmp1, $4  }
0x1a: {  	s15 =	simm.s32 @!p1 $0x2  }
0x1b: {  	s13 =	smov.u32 s10;
	p0 =	por !p0, !p0;
	_ =	swait.ge @!p1 [sflag:s15], $0x1000  }
0x1c: {  	s12 =	smov.u32 s9;
	[sflag:s15] =	ssyncset.done @!p1 $0x0;
	s9 =	smov.u32 s14  }
0x1d: {  	s11 =	sadd.s32 $0x1, s11;
	[sflag:s15] =	ssyncadd.s32 @!p1 $0xFFFFF000;
	s10 =	smov.u32 s16  }
.LBB1_1:
0x1e: {  	p1 =	sge.u32 s11, s5  }
0x1f: {  	s31 =	sadd.s32 $0xFFFFFFFF, s11;
	s14 =	sxor.u32 @!p1 $0xFFFFFFFF, s11  }
0x20: {  	s15 =	sshll.u32 @!p1 s10, $0x9;
	s16 =	sshll.u32 @!p1 s9, $0x4;
	s17 =	simm.s32 @!p1 $0x1000  }
0x21: {  	s14 =	sshll.u32 @!p1 s14, $0xC;
	s16 =	sand.u32 @!p1 $0x1F0, s16;
	s15 =	sadd.s32 @!p1 s6, s15  }
0x22: {  	s14 =	sand.u32 @!p1 $0x1000, s14;
	s15 =	sadd.s32 @!p1 s16, s15;
	s16 =	simm.s32 @!p1 $0x20  }
0x23: {  	[tilespmem:s14], [sflag:$0x1] =	stream.strided.gather @!p1 [hbm4b:s15+s16], $0x1000, s17, s16, $0x38;
	[tilespmem:$0x4040] =	vst v63  }
0x24: {  	p1 =	sge.u32 s31, s5  }
.Ltmp2:
0x25: {  	_ = 	snop;
	(pc) =	sbr.rel @p1 .LBB1_5-.Ltmp2, $1  }
0x26: {  	_ =	sdelay $0x3  }
0x27: {  	s14 =	simm.s32 $0x1  }
0x28: {  	_ =	swait.ge [sflag:s4], $0x1000;
	s14 =	simm.s32 @!p0 $0x0  }
0x29: {  	[sflag:s4] =	ssyncset.done $0x0;
	s15 =	sshll.u32 s14, $0xC  }
0x2a: {  	[sflag:s4] =	ssyncadd.s32 $0xFFFFF000;
	s18 =	sor.u32 $0x10, s15  }
0x2b: {  	s14 =	smul.u32 $0x4080, s14;
	v1 =	vld [tilespmem:s18+$0x0]  }
0x2c: {  	s30 =	sand.u32 $0x1, s11;
	v0 =	vld [tilespmem:s18+$0xFFFFFFF0]  }
0x2d: {  	s15 =	smul.u32 $0x4080, s30;
	s14 =	sshrl.u32 s14, $0x2  }
0x2e: {  	s16 =	sor.u32 $0x2000, s14  }
0x2f: {  	s31 =	sshrl.u32 s15, $0x2;
	s15 =	sadd.s32 $0x0, s16  }
0x30: {  	s17 =	simm.s32 $0x4;
	s18 =	sadd.s32 $0x20, s18;
	s14 =	sor.u32 $0x2000, s31;
	[tilespmem:s15+$0x810 ss:$0x81] =	vst.msk $0xffff, v1  }
.LBB1_3:
0x31: {  	v1 =	vld [tilespmem:s18+$0x0];
	p1 =	sne.s32 s17, $0x1FC;
	[tilespmem:s15+$0x0 ss:$0x81] =	vst.msk $0xffff, v0;
	s15 =	smov.u32 s17;
	s17 =	sadd.s32 $0x4, s17  }
.Ltmp3:
0x32: {  	v0 =	vld [tilespmem:s18+$0xFFFFFFF0];
	(pc) =	sbr.rel @p1 .LBB1_3-.Ltmp3, $4  }
0x33: {  	_ = 	snop  }
0x34: {  	s15 =	sshra.s32 s15, $0x2  }
0x35: {  	s15 =	sadd.s32 s15, s16  }
0x36: {  	s18 =	sadd.s32 $0x20, s18;
	[tilespmem:s15+$0x810 ss:$0x81] =	vst.msk $0xffff, v1  }
.Ltmp4:
0x37: {  	_ = 	snop;
	(pc) =	sbr.rel .LBB1_4-.Ltmp4, $1  }
0x38: {  	_ =	sdelay $0x3  }
.LBB1_6:
0x39: {  	_ =	sfence.sel $0x180000  }
0x3a: {  	s2 =	simm.s32 $0x1;
	[bflag:$0x0] =	sbarrier.arrive $0xFFFF  }
0x3b: {  	s31 =	simm.s32 $0x2;
	[sflag:s2] =	ssyncpa.u1 $0x1  }
0x3c: {  	[sflag:s31] =	ssyncpa.u1 $0x1  }
0x3d: {  	p0 =	sne.s32 s0, $0x0;
	_ =	strace $0x9000004A  }
0x3e: {  	s0 =	sadd.s32 @!p0 $0x100000, s1;
	[bflag:$0x2] =	sbarrier.arrive $0xFFFF  }
0x3f: {  	[sflag:s0] =	ssyncadd.tile.s32 @!p0 $0x1;
	_ =	shalt  }
.Lfunc_end1:
_tile_overlayer_lowered:
.L_overlay_start_2:
0x40: {  	(tag) =	ssettag $0x2  }
0x41: {  	s0 =	rddreg [dreg:$0x0];
	s2 =	stileid.u32  }
0x42: {  	s1 =	rddreg [dreg:$0x1];
	p0 =	sne.s32 s2, $0x0  }
0x43: {  	s3 =	rddreg [dreg:$0x2];
	[bflag:$0x3] =	sbarrier.arrive $0xFFFF;
	s2 =	simm.s32 @!p0 $0x1C01  }
0x44: {  	[timem:s3], [sflag:s2] =	dma.local @!p0 [hbm:s0], s1  }
0x45: {  	s0 =	simm.s32 @!p0 $0x1  }
0x46: {  	_ =	swait.ge @!p0 [sflag:s0], s1  }
0x47: {  	s1 =	ssub.s32 @!p0 $0x0, s1;
	[sflag:s0] =	ssyncset.done @!p0 $0x0  }
0x48: {  	[sflag:s0] =	ssyncadd.s32 @!p0 s1  }
0x49: {  	[bflag:$0x3] =	sbarrier.arrive $0xFFFF  }
0x4a: {  	_ =	shalt  }

</sc_bundles>
